<compile_context>
chip_gen: v7x
topology: tpu7x:2x2x1
jax: 0.10.2.dev20260603
libtpu: 0.0.44.dev20260713+nightly
codegen_flags: <defaults>
</compile_context>

<pallas_src>
import functools

import jax
import jax.numpy as jnp
from jax import lax
from jax.experimental import pallas as pl
from jax.experimental.pallas import tpu as pltpu
from jax.experimental.pallas import tpu_sc as plsc

N = 10000
E = 320000
D = 128
STRIPE = 632
NPAD = 10112
NPD = 10240
E2 = 330240
EPW = E2 // 32
CD = 2064
CA = 120
NCH = EPW // CA
RB = 2000

_mesh = functools.partial(
    plsc.VectorSubcoreMesh, core_axis_name="c", subcore_axis_name="s")


@functools.partial(
    pl.kernel,
    out_type=jax.ShapeDtypeStruct((2 * NPD,), jnp.float32),
    mesh=_mesh(),
    scratch_types=[
        pltpu.VMEM((CD,), jnp.int32),
        pltpu.VMEM((CD,), jnp.float32),
        pltpu.VMEM((640,), jnp.float32),
        pltpu.VMEM_SHARED((NPD,), jnp.float32),
    ],
)
def _sc_degree(dst_hbm, out_hbm, idx_v, ones_v, zero_v, deg_sh):
    c = lax.axis_index("c")
    s = lax.axis_index("s")
    wid = c * 16 + s

    def fill_ones(i, carry):
        ones_v[pl.ds(i * 16, 16)] = jnp.full((16,), 1.0, jnp.float32)
        return carry

    lax.fori_loop(0, CD // 16, fill_ones, 0)

    def fill_zero(i, carry):
        zero_v[pl.ds(i * 16, 16)] = jnp.zeros((16,), jnp.float32)
        return carry

    lax.fori_loop(0, 640 // 16, fill_zero, 0)

    pltpu.sync_copy(zero_v, deg_sh.at[pl.ds(s * 640, 640)])
    plsc.subcore_barrier()

    def chunk(k, carry):
        base = wid * EPW + k * CD
        pltpu.sync_copy(dst_hbm.at[pl.ds(base, CD)], idx_v)
        pltpu.sync_copy(ones_v, deg_sh.at[idx_v], add=True)
        return carry

    lax.fori_loop(0, EPW // CD, chunk, 0)
    plsc.subcore_barrier()

    pltpu.sync_copy(deg_sh.at[pl.ds(s * 640, 640)],
                    out_hbm.at[pl.ds(c * NPD + s * 640, 640)])


@functools.partial(
    pl.kernel,
    out_type=jax.ShapeDtypeStruct((2, NPAD, D), jnp.float32),
    mesh=_mesh(),
    scratch_types=[
        pltpu.VMEM((CA,), jnp.int32),
        pltpu.VMEM((CA,), jnp.int32),
        pltpu.VMEM((CA,), jnp.int32),
        pltpu.VMEM((CA,), jnp.int32),
        pltpu.VMEM((CA, D), jnp.float32),
        pltpu.VMEM((CA, D), jnp.float32),
        pltpu.SemaphoreType.DMA,
        pltpu.SemaphoreType.DMA,
        pltpu.SemaphoreType.DMA,
        pltpu.SemaphoreType.DMA,
        pltpu.SemaphoreType.DMA,
        pltpu.SemaphoreType.DMA,
        pltpu.SemaphoreType.DMA,
        pltpu.SemaphoreType.DMA,
        pltpu.VMEM_SHARED((NPAD, D), jnp.float32),
    ],
)
def _sc_aggregate(g_hbm, src_hbm, dst_hbm, out_hbm,
                  src0, src1, dst0, dst1, rows0, rows1,
                  sg0, sg1, ss0, ss1, si0, si1, sd0, sd1, acc_sh):
    c = lax.axis_index("c")
    s = lax.axis_index("s")
    srcb = (src0, src1)
    dstb = (dst0, dst1)
    rowsb = (rows0, rows1)
    sem_g = (sg0, sg1)
    sem_s = (ss0, ss1)
    sem_i = (si0, si1)
    sem_d = (sd0, sd1)
    wid = c * 16 + s
    ebase = wid * EPW

    def fill_zero(i, carry):
        rows0[i // (D // 16), pl.ds((i % (D // 16)) * 16, 16)] = \
            jnp.zeros((16,), jnp.float32)
        return carry

    lax.fori_loop(0, CA * (D // 16), fill_zero, 0)

    row0 = s * STRIPE
    for off in range(0, STRIPE - CA + 1, CA):
        pltpu.sync_copy(rows0, acc_sh.at[pl.ds(row0 + off, CA)])
    rem = STRIPE % CA
    if rem:
        pltpu.sync_copy(rows0.at[pl.ds(0, rem)],
                        acc_sh.at[pl.ds(row0 + STRIPE - rem, rem)])
    plsc.subcore_barrier()

    def src_slice(k):
        return src_hbm.at[pl.ds(ebase + k * CA, CA)]

    def dst_slice(k):
        return dst_hbm.at[pl.ds(ebase + k * CA, CA)]

    pltpu.sync_copy(src_slice(0), src0)
    pltpu.async_copy(g_hbm.at[src0], rows0, sg0)
    pltpu.async_copy(dst_slice(0), dst0, sd0)
    pltpu.async_copy(src_slice(1), src1, si1)

    def step(k, b):
        nb = 1 - b
        pltpu.make_async_copy(g_hbm.at[srcb[b]], rowsb[b], sem_g[b]).wait()
        pltpu.make_async_copy(dst_slice(k), dstb[b], sem_d[b]).wait()
        pltpu.async_copy(rowsb[b], acc_sh.at[dstb[b]], sem_s[b], add=True)

        @pl.when(k >= 1)
        def _():
            pltpu.make_async_copy(rowsb[nb], acc_sh.at[dstb[nb]],
                                  sem_s[nb]).wait()

        @pl.when(k + 1 < NCH)
        def _():
            pltpu.make_async_copy(src_slice(k + 1), srcb[nb], sem_i[nb]).wait()
            pltpu.async_copy(g_hbm.at[srcb[nb]], rowsb[nb], sem_g[nb])
            pltpu.async_copy(dst_slice(k + 1), dstb[nb], sem_d[nb])

        @pl.when(k + 2 < NCH)
        def _():
            pltpu.async_copy(src_slice(k + 2), srcb[b], sem_i[b])

    def pair(gp, carry):
        step(gp * 2, 0)
        step(gp * 2 + 1, 1)
        return carry

    lax.fori_loop(0, NCH // 2, pair, 0)
    if NCH % 2:
        pltpu.make_async_copy(g_hbm.at[src0], rows0, sg0).wait()
        pltpu.make_async_copy(dst_slice(NCH - 1), dst0, sd0).wait()
        pltpu.async_copy(rows0, acc_sh.at[dst0], ss0, add=True)
        pltpu.make_async_copy(rows1, acc_sh.at[dst1], ss1).wait()
        pltpu.make_async_copy(rows0, acc_sh.at[dst0], ss0).wait()
    else:
        pltpu.make_async_copy(rowsb[(NCH - 1) % 2],
                              acc_sh.at[dstb[(NCH - 1) % 2]],
                              sem_s[(NCH - 1) % 2]).wait()
    plsc.subcore_barrier()

    pltpu.sync_copy(acc_sh.at[pl.ds(row0, STRIPE)],
                    out_hbm.at[c, pl.ds(row0, STRIPE)])


def _norm_body(degp_ref, dis_ref):
    deg = degp_ref[0] + degp_ref[1]
    dis_ref[...] = lax.rsqrt(jnp.maximum(deg, 1.0))


def _tc_norm(deg_partials):
    degp = deg_partials.reshape(2, NPD // D, D)
    return pl.pallas_call(
        _norm_body,
        out_shape=jax.ShapeDtypeStruct((NPD // D, D), jnp.float32))(degp)


def _in_body(x_ref, w_ref, dis_ref, g_ref):
    h = jnp.dot(x_ref[...], w_ref[...], preferred_element_type=jnp.float32)
    g_ref[...] = h * dis_ref[...]


def _tc_in(x, w, dis):
    return pl.pallas_call(
        _in_body,
        grid=(N // RB,),
        in_specs=[
            pl.BlockSpec((RB, D), lambda i: (i, 0)),
            pl.BlockSpec((D, D), lambda i: (0, 0)),
            pl.BlockSpec((RB, 1), lambda i: (i, 0)),
        ],
        out_specs=pl.BlockSpec((RB, D), lambda i: (i, 0)),
        out_shape=jax.ShapeDtypeStruct((N, D), jnp.float32))(x, w, dis)


def _mid_body(a_ref, dis_ref, b_ref, w_ref, g_ref):
    xn = (a_ref[0] + a_ref[1]) * dis_ref[...] + b_ref[...]
    xn = jnp.maximum(xn, 0.0)
    h = jnp.dot(xn, w_ref[...], preferred_element_type=jnp.float32)
    g_ref[...] = h * dis_ref[...]


def _tc_mid(a, dis, b, w):
    return pl.pallas_call(
        _mid_body,
        grid=(N // RB,),
        in_specs=[
            pl.BlockSpec((2, RB, D), lambda i: (0, i, 0)),
            pl.BlockSpec((RB, 1), lambda i: (i, 0)),
            pl.BlockSpec((1, D), lambda i: (0, 0)),
            pl.BlockSpec((D, D), lambda i: (0, 0)),
        ],
        out_specs=pl.BlockSpec((RB, D), lambda i: (i, 0)),
        out_shape=jax.ShapeDtypeStruct((N, D), jnp.float32),
    )(a, dis, b.reshape(1, D), w)


def _out_body(a_ref, dis_ref, b_ref, o_ref):
    o_ref[...] = (a_ref[0] + a_ref[1]) * dis_ref[...] + b_ref[...]


def _tc_out(a, dis, b):
    return pl.pallas_call(
        _out_body,
        grid=(N // RB,),
        in_specs=[
            pl.BlockSpec((2, RB, D), lambda i: (0, i, 0)),
            pl.BlockSpec((RB, 1), lambda i: (i, 0)),
            pl.BlockSpec((1, D), lambda i: (0, 0)),
        ],
        out_specs=pl.BlockSpec((RB, D), lambda i: (i, 0)),
        out_shape=jax.ShapeDtypeStruct((N, D), jnp.float32),
    )(a, dis, b.reshape(1, D))


def kernel(x, edge_index, W1, b1, W2, b2, W3, b3):
    npadedge = E2 - E - N
    ndump = NPAD - N
    loop = jnp.arange(N, dtype=jnp.int32)
    src = jnp.concatenate([edge_index[0].astype(jnp.int32), loop,
                           jnp.arange(npadedge, dtype=jnp.int32)])
    dst = jnp.concatenate([edge_index[1].astype(jnp.int32), loop,
                           N + jnp.arange(npadedge, dtype=jnp.int32) % ndump])
    deg_partials = _sc_degree(dst)
    dis = _tc_norm(deg_partials).reshape(NPD, 1)[:N]

    g1 = _tc_in(x, W1, dis)
    a = _sc_aggregate(g1, src, dst)
    g2 = _tc_mid(a, dis, b1, W2)
    a = _sc_aggregate(g2, src, dst)
    g3 = _tc_mid(a, dis, b2, W3)
    a = _sc_aggregate(g3, src, dst)
    return _tc_out(a, dis, b3)

# --- scband reference (transcript-rebuilt; emitter-appended) ---
"""Pipeline reference for scband-gcn-38611755991789 (READ-ONLY COPY).

The authoritative reference and input builder live on the scoring server;
editing this copy changes nothing except your own understanding.
"""

import jax, jax.numpy as jnp
import numpy as np

N_NODES = 10000
N_EDGES = 320000
D = 128


def _gcn_conv(x, edge_index, W, b):
    n = x.shape[0]
    src = edge_index[0]
    dst = edge_index[1]
    # add self-loops
    loop = jnp.arange(n, dtype=src.dtype)
    src = jnp.concatenate([src, loop])
    dst = jnp.concatenate([dst, loop])
    # symmetric normalization (degree counted on dst, as in PyG GCNConv)
    deg = jnp.zeros((n,), dtype=x.dtype).at[dst].add(1.0)
    deg_inv_sqrt = jnp.where(deg > 0, 1.0 / jnp.sqrt(deg), 0.0)
    norm = deg_inv_sqrt[src] * deg_inv_sqrt[dst]
    # linear transform (no bias inside lin; bias added after aggregation)
    h = x @ W
    # message = norm * x_j (gather from src), aggregate sum at dst
    msg = h[src] * norm[:, None]
    out = jax.ops.segment_sum(msg, dst, num_segments=n)
    return out + b


def setup_inputs(seed: int = 0) -> dict:
    key = jax.random.key(seed)
    ks = jax.random.split(key, 8)
    x = jax.random.normal(ks[0], (N_NODES, D), dtype=jnp.float32)
    edge_index = jax.random.randint(ks[1], (2, N_EDGES), 0, N_NODES, dtype=jnp.int64)
    scale = 1.0 / np.sqrt(D)
    W1 = jax.random.normal(ks[2], (D, D), dtype=jnp.float32) * scale
    b1 = jnp.zeros((D,), dtype=jnp.float32)
    W2 = jax.random.normal(ks[3], (D, D), dtype=jnp.float32) * scale
    b2 = jnp.zeros((D,), dtype=jnp.float32)
    W3 = jax.random.normal(ks[4], (D, D), dtype=jnp.float32) * scale
    b3 = jnp.zeros((D,), dtype=jnp.float32)
    return {"x": x, "edge_index": edge_index, "W1": W1, "b1": b1, "W2": W2, "b2": b2, "W3": W3, "b3": b3}


def reference(x, edge_index, W1, b1, W2, b2, W3, b3):
    h = _gcn_conv(x, edge_index, W1, b1)
    h = jax.nn.relu(h)
    h = _gcn_conv(h, edge_index, W2, b2)
    h = jax.nn.relu(h)
    h = _gcn_conv(h, edge_index, W3, b3)
    return h

if __name__ == "__main__":
    import jax
    _d = setup_inputs()
    print(jax.jit(kernel)(*tuple(_d.values())))

</pallas_src>

<mosaic_0001>
#map = affine_map<(d0, d1) -> (0, 0)>
#map1 = affine_map<(d0, d1) -> (0)>
#map2 = affine_map<(d0, d1) -> (0, 0, 0)>
module attributes {stable_mosaic.version = 14 : i64} {
  func.func @_sc_aggregate(%arg0: i32, %arg1: i32, %arg2: memref<10000x128xf32, #tpu.memory_space<hbm>>, %arg3: memref<330240xi32, #tpu.memory_space<hbm>>, %arg4: memref<330240xi32, #tpu.memory_space<hbm>>, %arg5: memref<2x10112x128xf32, #tpu.memory_space<hbm>>, %arg6: memref<120xi32, #tpu.memory_space<vmem>>, %arg7: memref<120xi32, #tpu.memory_space<vmem>>, %arg8: memref<120xi32, #tpu.memory_space<vmem>>, %arg9: memref<120xi32, #tpu.memory_space<vmem>>, %arg10: memref<120x128xf32, #tpu.memory_space<vmem>>, %arg11: memref<120x128xf32, #tpu.memory_space<vmem>>, %arg12: memref<!tpu.dma_semaphore, #tpu.memory_space<semaphore_mem>>, %arg13: memref<!tpu.dma_semaphore, #tpu.memory_space<semaphore_mem>>, %arg14: memref<!tpu.dma_semaphore, #tpu.memory_space<semaphore_mem>>, %arg15: memref<!tpu.dma_semaphore, #tpu.memory_space<semaphore_mem>>, %arg16: memref<!tpu.dma_semaphore, #tpu.memory_space<semaphore_mem>>, %arg17: memref<!tpu.dma_semaphore, #tpu.memory_space<semaphore_mem>>, %arg18: memref<!tpu.dma_semaphore, #tpu.memory_space<semaphore_mem>>, %arg19: memref<!tpu.dma_semaphore, #tpu.memory_space<semaphore_mem>>, %arg20: memref<10112x128xf32, #tpu.memory_space<vmem_shared>>) attributes {dimension_semantics = [#tpu.dimension_semantics<core_parallel>, #tpu.dimension_semantics<subcore_parallel>], iteration_bounds = array<i64: 2, 16>, scalar_prefetch = 0 : i64, scratch_operands = 15 : i64, tpu.core_type = #tpu.core_type<sc_vector_subcore>, window_params = [{transform_indices = #map}, {transform_indices = #map1}, {transform_indices = #map1}, {transform_indices = #map2}]} {
    %mul3A = arith.constant 16 : i32
    %mul3A_0 = arith.muli %arg0, %mul3A : i32
    %add3A = arith.addi %mul3A_0, %arg1 : i32
    %mul3A_1 = arith.constant 10320 : i32
    %mul3A_2 = arith.muli %add3A, %mul3A_1 : i32
    %scan3A = arith.constant 0 : i32
    %scan3A_3 = arith.constant 0 : i32
    %scan3A_4 = arith.constant 960 : i32
    %scan3A_5 = arith.addi %scan3A_3, %scan3A_4 : i32
    %scan3A_6 = arith.constant 1 : i32
    scf.for %scan3A_44 = %scan3A_3 to %scan3A_5 step %scan3A_6  : i32 {
      %broadcast_in_dim3A = arith.constant 0.000000e+00 : f32
      %broadcast_in_dim3A_45 = vector.broadcast %broadcast_in_dim3A : f32 to vector<16xf32>
      %jit3A = arith.constant 8 : i32
      %div3A = arith.divsi %scan3A_44, %jit3A : i32
      %sign3A = arith.constant 0 : i32
      %sign3A_46 = arith.cmpi sgt, %scan3A_44, %sign3A : i32
      %sign3A_47 = arith.extui %sign3A_46 : i1 to i32
      %sign3A_48 = arith.constant 0 : i32
      %sign3A_49 = arith.cmpi slt, %scan3A_44, %sign3A_48 : i32
      %sign3A_50 = arith.extui %sign3A_49 : i1 to i32
      %sign3A_51 = arith.subi %sign3A_47, %sign3A_50 : i32
      %sign3A_52 = arith.constant 0 : i32
      %sign3A_53 = arith.cmpi sgt, %jit3A, %sign3A_52 : i32
      %sign3A_54 = arith.extui %sign3A_53 : i1 to i32
      %sign3A_55 = arith.constant 0 : i32
      %sign3A_56 = arith.cmpi slt, %jit3A, %sign3A_55 : i32
      %sign3A_57 = arith.extui %sign3A_56 : i1 to i32
      %sign3A_58 = arith.subi %sign3A_54, %sign3A_57 : i32
      %ne3A = arith.cmpi ne, %sign3A_51, %sign3A_58 : i32
      %rem3A = arith.remsi %scan3A_44, %jit3A : i32
      %ne3A_59 = arith.constant 0 : i32
      %ne3A_60 = arith.cmpi ne, %rem3A, %ne3A_59 : i32
      %and3A = arith.andi %ne3A, %ne3A_60 : i1
      %sub3A_61 = arith.constant 1 : i32
      %sub3A_62 = arith.subi %div3A, %sub3A_61 : i32
      %select_n3A = arith.select %and3A, %sub3A_62, %div3A : i32
      %jit3A_63 = arith.constant 8 : i32
      %eq3A = arith.constant 0 : i32
      %eq3A_64 = arith.cmpi eq, %jit3A_63, %eq3A : i32
      %jit3A_65 = arith.constant 1 : i32
      %select_n3A_66 = arith.select %eq3A_64, %jit3A_65, %jit3A_63 : i32
      %rem3A_67 = arith.remsi %scan3A_44, %select_n3A_66 : i32
      %ne3A_68 = arith.constant 0 : i32
      %ne3A_69 = arith.cmpi ne, %rem3A_67, %ne3A_68 : i32
      %lt3A = arith.constant 0 : i32
      %lt3A_70 = arith.cmpi slt, %rem3A_67, %lt3A : i32
      %lt3A_71 = arith.constant 0 : i32
      %lt3A_72 = arith.cmpi slt, %select_n3A_66, %lt3A_71 : i32
      %ne3A_73 = arith.xori %lt3A_70, %lt3A_72 : i1
      %and3A_74 = arith.andi %ne3A_73, %ne3A_69 : i1
      %add3A_75 = arith.addi %rem3A_67, %select_n3A_66 : i32
      %select_n3A_76 = arith.select %and3A_74, %add3A_75, %rem3A_67 : i32
      %mul3A_77 = arith.constant 16 : i32
      %mul3A_78 = arith.muli %select_n3A_76, %mul3A_77 : i32
      %swap3A = arith.index_cast %select_n3A : i32 to index
      %swap3A_79 = arith.index_cast %mul3A_78 : i32 to index
      %swap3A_80 = tpu.vector_load %arg10[%swap3A, %swap3A_79] {strides = array<i32>} : memref<120x128xf32, #tpu.memory_space<vmem>>, vector<1x16xf32>,
      %swap3A_81 = vector.shape_cast %swap3A_80 : vector<1x16xf32> to vector<16xf32>
      %swap3A_82 = vector.shape_cast %broadcast_in_dim3A_45 : vector<16xf32> to vector<1x16xf32>
      tpu.vector_store %arg10[%swap3A, %swap3A_79], %swap3A_82 {strides = array<i32>} : memref<120x128xf32, #tpu.memory_space<vmem>>, vector<1x16xf32>,
    }
    %scan3A_7 = arith.constant 960 : i32
    %mul3A_8 = arith.constant 632 : i32
    %mul3A_9 = arith.muli %arg1, %mul3A_8 : i32
    %add3A_10 = arith.constant 0 : i32
    %add3A_11 = arith.addi %mul3A_9, %add3A_10 : i32
    "tpu.region"() ({
      %run_scoped3A = tpu.sem_alloc : memref<!tpu.dma_semaphore, #tpu.memory_space<semaphore_mem>>
      %dma_start3A_44 = arith.constant 0 : i32
      %dma_start3A_45 = tpu.memref_slice %arg20[%add3A_11, %dma_start3A_44] : memref<10112x128xf32, #tpu.memory_space<vmem_shared>> -> memref<120x128xf32, #tpu.memory_space<vmem_shared>>
      %dma_start3A_46 = arith.constant 0 : i32
      %dma_start3A_47 = tpu.memref_slice %arg20[%add3A_11, %dma_start3A_46] : memref<10112x128xf32, #tpu.memory_space<vmem_shared>> -> memref<120x128xf32, #tpu.memory_space<vmem_shared>>
      tpu.enqueue_dma source(%arg10 : memref<120x128xf32, #tpu.memory_space<vmem>>) target(%dma_start3A_47 : memref<120x128xf32, #tpu.memory_space<vmem_shared>>) target_semaphore(%run_scoped3A : memref<!tpu.dma_semaphore, #tpu.memory_space<semaphore_mem>>)
      %dma_wait3A_48 = arith.constant 0 : i32
      %dma_wait3A_49 = tpu.memref_slice %arg20[%add3A_11, %dma_wait3A_48] : memref<10112x128xf32, #tpu.memory_space<vmem_shared>> -> memref<120x128xf32, #tpu.memory_space<vmem_shared>>
      %dma_wait3A_50 = arith.constant 0 : i32
      %dma_wait3A_51 = tpu.memref_slice %arg20[%add3A_11, %dma_wait3A_50] : memref<10112x128xf32, #tpu.memory_space<vmem_shared>> -> memref<120x128xf32, #tpu.memory_space<vmem_shared>>
      tpu.wait_dma2 semaphore(%run_scoped3A : memref<!tpu.dma_semaphore, #tpu.memory_space<semaphore_mem>>) src(%arg10 : memref<120x128xf32, #tpu.memory_space<vmem>>) dst(%dma_wait3A_51 : memref<120x128xf32, #tpu.memory_space<vmem_shared>>)
      tpu.yield
    }) : () -> ()
    %add3A_12 = arith.constant 120 : i32
    %add3A_13 = arith.addi %mul3A_9, %add3A_12 : i32
    "tpu.region"() ({
      %run_scoped3A = tpu.sem_alloc : memref<!tpu.dma_semaphore, #tpu.memory_space<semaphore_mem>>
      %dma_start3A_44 = arith.constant 0 : i32
      %dma_start3A_45 = tpu.memref_slice %arg20[%add3A_13, %dma_start3A_44] : memref<10112x128xf32, #tpu.memory_space<vmem_shared>> -> memref<120x128xf32, #tpu.memory_space<vmem_shared>>
      %dma_start3A_46 = arith.constant 0 : i32
      %dma_start3A_47 = tpu.memref_slice %arg20[%add3A_13, %dma_start3A_46] : memref<10112x128xf32, #tpu.memory_space<vmem_shared>> -> memref<120x128xf32, #tpu.memory_space<vmem_shared>>
      tpu.enqueue_dma source(%arg10 : memref<120x128xf32, #tpu.memory_space<vmem>>) target(%dma_start3A_47 : memref<120x128xf32, #tpu.memory_space<vmem_shared>>) target_semaphore(%run_scoped3A : memref<!tpu.dma_semaphore, #tpu.memory_space<semaphore_mem>>)
      %dma_wait3A_48 = arith.constant 0 : i32
      %dma_wait3A_49 = tpu.memref_slice %arg20[%add3A_13, %dma_wait3A_48] : memref<10112x128xf32, #tpu.memory_space<vmem_shared>> -> memref<120x128xf32, #tpu.memory_space<vmem_shared>>
      %dma_wait3A_50 = arith.constant 0 : i32
      %dma_wait3A_51 = tpu.memref_slice %arg20[%add3A_13, %dma_wait3A_50] : memref<10112x128xf32, #tpu.memory_space<vmem_shared>> -> memref<120x128xf32, #tpu.memory_space<vmem_shared>>
      tpu.wait_dma2 semaphore(%run_scoped3A : memref<!tpu.dma_semaphore, #tpu.memory_space<semaphore_mem>>) src(%arg10 : memref<120x128xf32, #tpu.memory_space<vmem>>) dst(%dma_wait3A_51 : memref<120x128xf32, #tpu.memory_space<vmem_shared>>)
      tpu.yield
    }) : () -> ()
    %add3A_14 = arith.constant 240 : i32
    %add3A_15 = arith.addi %mul3A_9, %add3A_14 : i32
    "tpu.region"() ({
      %run_scoped3A = tpu.sem_alloc : memref<!tpu.dma_semaphore, #tpu.memory_space<semaphore_mem>>
      %dma_start3A_44 = arith.constant 0 : i32
      %dma_start3A_45 = tpu.memref_slice %arg20[%add3A_15, %dma_start3A_44] : memref<10112x128xf32, #tpu.memory_space<vmem_shared>> -> memref<120x128xf32, #tpu.memory_space<vmem_shared>>
      %dma_start3A_46 = arith.constant 0 : i32
      %dma_start3A_47 = tpu.memref_slice %arg20[%add3A_15, %dma_start3A_46] : memref<10112x128xf32, #tpu.memory_space<vmem_shared>> -> memref<120x128xf32, #tpu.memory_space<vmem_shared>>
      tpu.enqueue_dma source(%arg10 : memref<120x128xf32, #tpu.memory_space<vmem>>) target(%dma_start3A_47 : memref<120x128xf32, #tpu.memory_space<vmem_shared>>) target_semaphore(%run_scoped3A : memref<!tpu.dma_semaphore, #tpu.memory_space<semaphore_mem>>)
      %dma_wait3A_48 = arith.constant 0 : i32
      %dma_wait3A_49 = tpu.memref_slice %arg20[%add3A_15, %dma_wait3A_48] : memref<10112x128xf32, #tpu.memory_space<vmem_shared>> -> memref<120x128xf32, #tpu.memory_space<vmem_shared>>
      %dma_wait3A_50 = arith.constant 0 : i32
      %dma_wait3A_51 = tpu.memref_slice %arg20[%add3A_15, %dma_wait3A_50] : memref<10112x128xf32, #tpu.memory_space<vmem_shared>> -> memref<120x128xf32, #tpu.memory_space<vmem_shared>>
      tpu.wait_dma2 semaphore(%run_scoped3A : memref<!tpu.dma_semaphore, #tpu.memory_space<semaphore_mem>>) src(%arg10 : memref<120x128xf32, #tpu.memory_space<vmem>>) dst(%dma_wait3A_51 : memref<120x128xf32, #tpu.memory_space<vmem_shared>>)
      tpu.yield
    }) : () -> ()
    %add3A_16 = arith.constant 360 : i32
    %add3A_17 = arith.addi %mul3A_9, %add3A_16 : i32
    "tpu.region"() ({
      %run_scoped3A = tpu.sem_alloc : memref<!tpu.dma_semaphore, #tpu.memory_space<semaphore_mem>>
      %dma_start3A_44 = arith.constant 0 : i32
      %dma_start3A_45 = tpu.memref_slice %arg20[%add3A_17, %dma_start3A_44] : memref<10112x128xf32, #tpu.memory_space<vmem_shared>> -> memref<120x128xf32, #tpu.memory_space<vmem_shared>>
      %dma_start3A_46 = arith.constant 0 : i32
      %dma_start3A_47 = tpu.memref_slice %arg20[%add3A_17, %dma_start3A_46] : memref<10112x128xf32, #tpu.memory_space<vmem_shared>> -> memref<120x128xf32, #tpu.memory_space<vmem_shared>>
      tpu.enqueue_dma source(%arg10 : memref<120x128xf32, #tpu.memory_space<vmem>>) target(%dma_start3A_47 : memref<120x128xf32, #tpu.memory_space<vmem_shared>>) target_semaphore(%run_scoped3A : memref<!tpu.dma_semaphore, #tpu.memory_space<semaphore_mem>>)
      %dma_wait3A_48 = arith.constant 0 : i32
      %dma_wait3A_49 = tpu.memref_slice %arg20[%add3A_17, %dma_wait3A_48] : memref<10112x128xf32, #tpu.memory_space<vmem_shared>> -> memref<120x128xf32, #tpu.memory_space<vmem_shared>>
      %dma_wait3A_50 = arith.constant 0 : i32
      %dma_wait3A_51 = tpu.memref_slice %arg20[%add3A_17, %dma_wait3A_50] : memref<10112x128xf32, #tpu.memory_space<vmem_shared>> -> memref<120x128xf32, #tpu.memory_space<vmem_shared>>
      tpu.wait_dma2 semaphore(%run_scoped3A : memref<!tpu.dma_semaphore, #tpu.memory_space<semaphore_mem>>) src(%arg10 : memref<120x128xf32, #tpu.memory_space<vmem>>) dst(%dma_wait3A_51 : memref<120x128xf32, #tpu.memory_space<vmem_shared>>)
      tpu.yield
    }) : () -> ()
    %add3A_18 = arith.constant 480 : i32
    %add3A_19 = arith.addi %mul3A_9, %add3A_18 : i32
    "tpu.region"() ({
      %run_scoped3A = tpu.sem_alloc : memref<!tpu.dma_semaphore, #tpu.memory_space<semaphore_mem>>
      %dma_start3A_44 = arith.constant 0 : i32
      %dma_start3A_45 = tpu.memref_slice %arg20[%add3A_19, %dma_start3A_44] : memref<10112x128xf32, #tpu.memory_space<vmem_shared>> -> memref<120x128xf32, #tpu.memory_space<vmem_shared>>
      %dma_start3A_46 = arith.constant 0 : i32
      %dma_start3A_47 = tpu.memref_slice %arg20[%add3A_19, %dma_start3A_46] : memref<10112x128xf32, #tpu.memory_space<vmem_shared>> -> memref<120x128xf32, #tpu.memory_space<vmem_shared>>
      tpu.enqueue_dma source(%arg10 : memref<120x128xf32, #tpu.memory_space<vmem>>) target(%dma_start3A_47 : memref<120x128xf32, #tpu.memory_space<vmem_shared>>) target_semaphore(%run_scoped3A : memref<!tpu.dma_semaphore, #tpu.memory_space<semaphore_mem>>)
      %dma_wait3A_48 = arith.constant 0 : i32
      %dma_wait3A_49 = tpu.memref_slice %arg20[%add3A_19, %dma_wait3A_48] : memref<10112x128xf32, #tpu.memory_space<vmem_shared>> -> memref<120x128xf32, #tpu.memory_space<vmem_shared>>
      %dma_wait3A_50 = arith.constant 0 : i32
      %dma_wait3A_51 = tpu.memref_slice %arg20[%add3A_19, %dma_wait3A_50] : memref<10112x128xf32, #tpu.memory_space<vmem_shared>> -> memref<120x128xf32, #tpu.memory_space<vmem_shared>>
      tpu.wait_dma2 semaphore(%run_scoped3A : memref<!tpu.dma_semaphore, #tpu.memory_space<semaphore_mem>>) src(%arg10 : memref<120x128xf32, #tpu.memory_space<vmem>>) dst(%dma_wait3A_51 : memref<120x128xf32, #tpu.memory_space<vmem_shared>>)
      tpu.yield
    }) : () -> ()
    %add3A_20 = arith.constant 632 : i32
    %add3A_21 = arith.addi %mul3A_9, %add3A_20 : i32
    %sub3A = arith.constant 32 : i32
    %sub3A_22 = arith.subi %add3A_21, %sub3A : i32
    "tpu.region"() ({
      %run_scoped3A = tpu.sem_alloc : memref<!tpu.dma_semaphore, #tpu.memory_space<semaphore_mem>>
      %dma_start3A_44 = arith.constant 0 : i32
      %dma_start3A_45 = arith.constant 0 : i32
      %dma_start3A_46 = tpu.memref_slice %arg10[%dma_start3A_44, %dma_start3A_45] : memref<120x128xf32, #tpu.memory_space<vmem>> -> memref<32x128xf32, #tpu.memory_space<vmem>>
      %dma_start3A_47 = arith.constant 0 : i32
      %dma_start3A_48 = tpu.memref_slice %arg20[%sub3A_22, %dma_start3A_47] : memref<10112x128xf32, #tpu.memory_space<vmem_shared>> -> memref<32x128xf32, #tpu.memory_space<vmem_shared>>
      %dma_start3A_49 = arith.constant 0 : i32
      %dma_start3A_50 = tpu.memref_slice %arg20[%sub3A_22, %dma_start3A_49] : memref<10112x128xf32, #tpu.memory_space<vmem_shared>> -> memref<32x128xf32, #tpu.memory_space<vmem_shared>>
      %dma_start3A_51 = arith.constant 0 : i32
      %dma_start3A_52 = arith.constant 0 : i32
      %dma_start3A_53 = tpu.memref_slice %arg10[%dma_start3A_51, %dma_start3A_52] : memref<120x128xf32, #tpu.memory_space<vmem>> -> memref<32x128xf32, #tpu.memory_space<vmem>>
      tpu.enqueue_dma source(%dma_start3A_53 : memref<32x128xf32, #tpu.memory_space<vmem>>) target(%dma_start3A_50 : memref<32x128xf32, #tpu.memory_space<vmem_shared>>) target_semaphore(%run_scoped3A : memref<!tpu.dma_semaphore, #tpu.memory_space<semaphore_mem>>)
      %dma_wait3A_54 = arith.constant 0 : i32
      %dma_wait3A_55 = arith.constant 0 : i32
      %dma_wait3A_56 = tpu.memref_slice %arg10[%dma_wait3A_54, %dma_wait3A_55] : memref<120x128xf32, #tpu.memory_space<vmem>> -> memref<32x128xf32, #tpu.memory_space<vmem>>
      %dma_wait3A_57 = arith.constant 0 : i32
      %dma_wait3A_58 = tpu.memref_slice %arg20[%sub3A_22, %dma_wait3A_57] : memref<10112x128xf32, #tpu.memory_space<vmem_shared>> -> memref<32x128xf32, #tpu.memory_space<vmem_shared>>
      %dma_wait3A_59 = arith.constant 0 : i32
      %dma_wait3A_60 = tpu.memref_slice %arg20[%sub3A_22, %dma_wait3A_59] : memref<10112x128xf32, #tpu.memory_space<vmem_shared>> -> memref<32x128xf32, #tpu.memory_space<vmem_shared>>
      %dma_wait3A_61 = arith.constant 0 : i32
      %dma_wait3A_62 = arith.constant 0 : i32
      %dma_wait3A_63 = tpu.memref_slice %arg10[%dma_wait3A_61, %dma_wait3A_62] : memref<120x128xf32, #tpu.memory_space<vmem>> -> memref<32x128xf32, #tpu.memory_space<vmem>>
      tpu.wait_dma2 semaphore(%run_scoped3A : memref<!tpu.dma_semaphore, #tpu.memory_space<semaphore_mem>>) src(%dma_wait3A_63 : memref<32x128xf32, #tpu.memory_space<vmem>>) dst(%dma_wait3A_60 : memref<32x128xf32, #tpu.memory_space<vmem_shared>>)
      tpu.yield
    }) : () -> ()
    %barrier3A = arith.constant 0 : index
    tpu.barrier barrier_id(%barrier3A)
    %add3A_23 = arith.constant 0 : i32
    %add3A_24 = arith.addi %mul3A_2, %add3A_23 : i32
    "tpu.region"() ({
      %run_scoped3A = tpu.sem_alloc : memref<!tpu.dma_semaphore, #tpu.memory_space<semaphore_mem>>
      %dma_start3A_44 = tpu.memref_slice %arg3[%add3A_24] : memref<330240xi32, #tpu.memory_space<hbm>> -> memref<120xi32, #tpu.memory_space<hbm>>
      %dma_start3A_45 = tpu.memref_slice %arg3[%add3A_24] : memref<330240xi32, #tpu.memory_space<hbm>> -> memref<120xi32, #tpu.memory_space<hbm>>
      tpu.enqueue_dma source(%dma_start3A_45 : memref<120xi32, #tpu.memory_space<hbm>>) target(%arg6 : memref<120xi32, #tpu.memory_space<vmem>>) target_semaphore(%run_scoped3A : memref<!tpu.dma_semaphore, #tpu.memory_space<semaphore_mem>>)
      %dma_wait3A_46 = tpu.memref_slice %arg3[%add3A_24] : memref<330240xi32, #tpu.memory_space<hbm>> -> memref<120xi32, #tpu.memory_space<hbm>>
      %dma_wait3A_47 = tpu.memref_slice %arg3[%add3A_24] : memref<330240xi32, #tpu.memory_space<hbm>> -> memref<120xi32, #tpu.memory_space<hbm>>
      tpu.wait_dma2 semaphore(%run_scoped3A : memref<!tpu.dma_semaphore, #tpu.memory_space<semaphore_mem>>) src(%dma_wait3A_47 : memref<120xi32, #tpu.memory_space<hbm>>) dst(%arg6 : memref<120xi32, #tpu.memory_space<vmem>>)
      tpu.yield
    }) : () -> ()
    %dma_start3A = arith.constant 0 : i32
    %dma_start3A_25 = arith.constant 0 : i32
    %dma_start3A_26 = tpu.memref_slice %arg2[%dma_start3A, %dma_start3A_25] : memref<10000x128xf32, #tpu.memory_space<hbm>> -> memref<10000x128xf32, #tpu.memory_space<hbm>>
    tpu.enqueue_indirect_dma source(%dma_start3A_26 : memref<10000x128xf32, #tpu.memory_space<hbm>>) target(%arg10 : memref<120x128xf32, #tpu.memory_space<vmem>>) offsets(%arg6 : memref<120xi32, #tpu.memory_space<vmem>>) semaphore(%arg12 : memref<!tpu.dma_semaphore, #tpu.memory_space<semaphore_mem>>)
    %add3A_27 = arith.constant 0 : i32
    %add3A_28 = arith.addi %mul3A_2, %add3A_27 : i32
    %dma_start3A_29 = tpu.memref_slice %arg4[%add3A_28] : memref<330240xi32, #tpu.memory_space<hbm>> -> memref<120xi32, #tpu.memory_space<hbm>>
    %dma_start3A_30 = tpu.memref_slice %arg4[%add3A_28] : memref<330240xi32, #tpu.memory_space<hbm>> -> memref<120xi32, #tpu.memory_space<hbm>>
    tpu.enqueue_dma source(%dma_start3A_30 : memref<120xi32, #tpu.memory_space<hbm>>) target(%arg8 : memref<120xi32, #tpu.memory_space<vmem>>) target_semaphore(%arg18 : memref<!tpu.dma_semaphore, #tpu.memory_space<semaphore_mem>>)
    %add3A_31 = arith.constant 120 : i32
    %add3A_32 = arith.addi %mul3A_2, %add3A_31 : i32
    %dma_start3A_33 = tpu.memref_slice %arg3[%add3A_32] : memref<330240xi32, #tpu.memory_space<hbm>> -> memref<120xi32, #tpu.memory_space<hbm>>
    %dma_start3A_34 = tpu.memref_slice %arg3[%add3A_32] : memref<330240xi32, #tpu.memory_space<hbm>> -> memref<120xi32, #tpu.memory_space<hbm>>
    tpu.enqueue_dma source(%dma_start3A_34 : memref<120xi32, #tpu.memory_space<hbm>>) target(%arg7 : memref<120xi32, #tpu.memory_space<vmem>>) target_semaphore(%arg17 : memref<!tpu.dma_semaphore, #tpu.memory_space<semaphore_mem>>)
    %scan3A_35 = arith.constant 0 : i32
    %scan3A_36 = arith.constant 0 : i32
    %scan3A_37 = arith.constant 43 : i32
    %scan3A_38 = arith.addi %scan3A_36, %scan3A_37 : i32
    %scan3A_39 = arith.constant 1 : i32
    scf.for %scan3A_44 = %scan3A_36 to %scan3A_38 step %scan3A_39  : i32 {
      %mul3A_45 = arith.constant 2 : i32
      %mul3A_46 = arith.muli %scan3A_44, %mul3A_45 : i32
      %dma_wait3A_47 = arith.constant 0 : i32
      %dma_wait3A_48 = arith.constant 0 : i32
      %dma_wait3A_49 = tpu.memref_slice %arg2[%dma_wait3A_47, %dma_wait3A_48] : memref<10000x128xf32, #tpu.memory_space<hbm>> -> memref<10000x128xf32, #tpu.memory_space<hbm>>
      tpu.wait_indirect_dma semaphore(%arg12 : memref<!tpu.dma_semaphore, #tpu.memory_space<semaphore_mem>>) src(%dma_wait3A_49 : memref<10000x128xf32, #tpu.memory_space<hbm>>) dst(%arg10 : memref<120x128xf32, #tpu.memory_space<vmem>>)
      %mul3A_50 = arith.constant 120 : i32
      %mul3A_51 = arith.muli %mul3A_46, %mul3A_50 : i32
      %add3A_52 = arith.addi %mul3A_2, %mul3A_51 : i32
      %dma_wait3A_53 = tpu.memref_slice %arg4[%add3A_52] : memref<330240xi32, #tpu.memory_space<hbm>> -> memref<120xi32, #tpu.memory_space<hbm>>
      %dma_wait3A_54 = tpu.memref_slice %arg4[%add3A_52] : memref<330240xi32, #tpu.memory_space<hbm>> -> memref<120xi32, #tpu.memory_space<hbm>>
      tpu.wait_dma2 semaphore(%arg18 : memref<!tpu.dma_semaphore, #tpu.memory_space<semaphore_mem>>) src(%dma_wait3A_54 : memref<120xi32, #tpu.memory_space<hbm>>) dst(%arg8 : memref<120xi32, #tpu.memory_space<vmem>>)
      %dma_start3A_55 = arith.constant 0 : i32
      %dma_start3A_56 = arith.constant 0 : i32
      %dma_start3A_57 = tpu.memref_slice %arg20[%dma_start3A_55, %dma_start3A_56] : memref<10112x128xf32, #tpu.memory_space<vmem_shared>> -> memref<10112x128xf32, #tpu.memory_space<vmem_shared>>
      tpu.enqueue_indirect_dma source(%arg10 : memref<120x128xf32, #tpu.memory_space<vmem>>) target(%dma_start3A_57 : memref<10112x128xf32, #tpu.memory_space<vmem_shared>>) offsets(%arg8 : memref<120xi32, #tpu.memory_space<vmem>>) semaphore(%arg14 : memref<!tpu.dma_semaphore, #tpu.memory_space<semaphore_mem>>) {add = true}
      %ge3A = arith.constant 1 : i32
      %ge3A_58 = arith.cmpi sge, %mul3A_46, %ge3A : i32
      %convert_element_type3A = arith.extui %ge3A_58 : i1 to i32
      %cond3A = arith.constant 0 : i32
      %cond3A_59 = arith.cmpi ne, %convert_element_type3A, %cond3A : i32
      scf.if %cond3A_59 {
        %dma_wait3A_107 = arith.constant 0 : i32
        %dma_wait3A_108 = arith.constant 0 : i32
        %dma_wait3A_109 = tpu.memref_slice %arg20[%dma_wait3A_107, %dma_wait3A_108] : memref<10112x128xf32, #tpu.memory_space<vmem_shared>> -> memref<10112x128xf32, #tpu.memory_space<vmem_shared>>
        tpu.wait_indirect_dma semaphore(%arg15 : memref<!tpu.dma_semaphore, #tpu.memory_space<semaphore_mem>>) src(%arg11 : memref<120x128xf32, #tpu.memory_space<vmem>>) dst(%dma_wait3A_109 : memref<10112x128xf32, #tpu.memory_space<vmem_shared>>)
      } else {
      }
      %add3A_60 = arith.constant 1 : i32
      %add3A_61 = arith.addi %mul3A_46, %add3A_60 : i32
      %lt3A = arith.constant 86 : i32
      %lt3A_62 = arith.cmpi slt, %add3A_61, %lt3A : i32
      %convert_element_type3A_63 = arith.extui %lt3A_62 : i1 to i32
      %cond3A_64 = arith.constant 0 : i32
      %cond3A_65 = arith.cmpi ne, %convert_element_type3A_63, %cond3A_64 : i32
      scf.if %cond3A_65 {
        %add3A_107 = arith.constant 1 : i32
        %add3A_108 = arith.addi %mul3A_46, %add3A_107 : i32
        %mul3A_109 = arith.constant 120 : i32
        %mul3A_110 = arith.muli %add3A_108, %mul3A_109 : i32
        %add3A_111 = arith.addi %mul3A_2, %mul3A_110 : i32
        %dma_wait3A_112 = tpu.memref_slice %arg3[%add3A_111] : memref<330240xi32, #tpu.memory_space<hbm>> -> memref<120xi32, #tpu.memory_space<hbm>>
        %dma_wait3A_113 = tpu.memref_slice %arg3[%add3A_111] : memref<330240xi32, #tpu.memory_space<hbm>> -> memref<120xi32, #tpu.memory_space<hbm>>
        tpu.wait_dma2 semaphore(%arg17 : memref<!tpu.dma_semaphore, #tpu.memory_space<semaphore_mem>>) src(%dma_wait3A_113 : memref<120xi32, #tpu.memory_space<hbm>>) dst(%arg7 : memref<120xi32, #tpu.memory_space<vmem>>)
        %dma_start3A_114 = arith.constant 0 : i32
        %dma_start3A_115 = arith.constant 0 : i32
        %dma_start3A_116 = tpu.memref_slice %arg2[%dma_start3A_114, %dma_start3A_115] : memref<10000x128xf32, #tpu.memory_space<hbm>> -> memref<10000x128xf32, #tpu.memory_space<hbm>>
        tpu.enqueue_indirect_dma source(%dma_start3A_116 : memref<10000x128xf32, #tpu.memory_space<hbm>>) target(%arg11 : memref<120x128xf32, #tpu.memory_space<vmem>>) offsets(%arg7 : memref<120xi32, #tpu.memory_space<vmem>>) semaphore(%arg13 : memref<!tpu.dma_semaphore, #tpu.memory_space<semaphore_mem>>)
        %add3A_117 = arith.constant 1 : i32
        %add3A_118 = arith.addi %mul3A_46, %add3A_117 : i32
        %mul3A_119 = arith.constant 120 : i32
        %mul3A_120 = arith.muli %add3A_118, %mul3A_119 : i32
        %add3A_121 = arith.addi %mul3A_2, %mul3A_120 : i32
        %dma_start3A_122 = tpu.memref_slice %arg4[%add3A_121] : memref<330240xi32, #tpu.memory_space<hbm>> -> memref<120xi32, #tpu.memory_space<hbm>>
        %dma_start3A_123 = tpu.memref_slice %arg4[%add3A_121] : memref<330240xi32, #tpu.memory_space<hbm>> -> memref<120xi32, #tpu.memory_space<hbm>>
        tpu.enqueue_dma source(%dma_start3A_123 : memref<120xi32, #tpu.memory_space<hbm>>) target(%arg9 : memref<120xi32, #tpu.memory_space<vmem>>) target_semaphore(%arg19 : memref<!tpu.dma_semaphore, #tpu.memory_space<semaphore_mem>>)
      } else {
      }
      %add3A_66 = arith.constant 2 : i32
      %add3A_67 = arith.addi %mul3A_46, %add3A_66 : i32
      %lt3A_68 = arith.constant 86 : i32
      %lt3A_69 = arith.cmpi slt, %add3A_67, %lt3A_68 : i32
      %convert_element_type3A_70 = arith.extui %lt3A_69 : i1 to i32
      %cond3A_71 = arith.constant 0 : i32
      %cond3A_72 = arith.cmpi ne, %convert_element_type3A_70, %cond3A_71 : i32
      scf.if %cond3A_72 {
        %add3A_107 = arith.constant 2 : i32
        %add3A_108 = arith.addi %mul3A_46, %add3A_107 : i32
        %mul3A_109 = arith.constant 120 : i32
        %mul3A_110 = arith.muli %add3A_108, %mul3A_109 : i32
        %add3A_111 = arith.addi %mul3A_2, %mul3A_110 : i32
        %dma_start3A_112 = tpu.memref_slice %arg3[%add3A_111] : memref<330240xi32, #tpu.memory_space<hbm>> -> memref<120xi32, #tpu.memory_space<hbm>>
        %dma_start3A_113 = tpu.memref_slice %arg3[%add3A_111] : memref<330240xi32, #tpu.memory_space<hbm>> -> memref<120xi32, #tpu.memory_space<hbm>>
        tpu.enqueue_dma source(%dma_start3A_113 : memref<120xi32, #tpu.memory_space<hbm>>) target(%arg6 : memref<120xi32, #tpu.memory_space<vmem>>) target_semaphore(%arg16 : memref<!tpu.dma_semaphore, #tpu.memory_space<semaphore_mem>>)
      } else {
      }
      %mul3A_73 = arith.constant 2 : i32
      %mul3A_74 = arith.muli %scan3A_44, %mul3A_73 : i32
      %add3A_75 = arith.constant 1 : i32
      %add3A_76 = arith.addi %mul3A_74, %add3A_75 : i32
      %dma_wait3A_77 = arith.constant 0 : i32
      %dma_wait3A_78 = arith.constant 0 : i32
      %dma_wait3A_79 = tpu.memref_slice %arg2[%dma_wait3A_77, %dma_wait3A_78] : memref<10000x128xf32, #tpu.memory_space<hbm>> -> memref<10000x128xf32, #tpu.memory_space<hbm>>
      tpu.wait_indirect_dma semaphore(%arg13 : memref<!tpu.dma_semaphore, #tpu.memory_space<semaphore_mem>>) src(%dma_wait3A_79 : memref<10000x128xf32, #tpu.memory_space<hbm>>) dst(%arg11 : memref<120x128xf32, #tpu.memory_space<vmem>>)
      %mul3A_80 = arith.constant 120 : i32
      %mul3A_81 = arith.muli %add3A_76, %mul3A_80 : i32
      %add3A_82 = arith.addi %mul3A_2, %mul3A_81 : i32
      %dma_wait3A_83 = tpu.memref_slice %arg4[%add3A_82] : memref<330240xi32, #tpu.memory_space<hbm>> -> memref<120xi32, #tpu.memory_space<hbm>>
      %dma_wait3A_84 = tpu.memref_slice %arg4[%add3A_82] : memref<330240xi32, #tpu.memory_space<hbm>> -> memref<120xi32, #tpu.memory_space<hbm>>
      tpu.wait_dma2 semaphore(%arg19 : memref<!tpu.dma_semaphore, #tpu.memory_space<semaphore_mem>>) src(%dma_wait3A_84 : memref<120xi32, #tpu.memory_space<hbm>>) dst(%arg9 : memref<120xi32, #tpu.memory_space<vmem>>)
      %dma_start3A_85 = arith.constant 0 : i32
      %dma_start3A_86 = arith.constant 0 : i32
      %dma_start3A_87 = tpu.memref_slice %arg20[%dma_start3A_85, %dma_start3A_86] : memref<10112x128xf32, #tpu.memory_space<vmem_shared>> -> memref<10112x128xf32, #tpu.memory_space<vmem_shared>>
      tpu.enqueue_indirect_dma source(%arg11 : memref<120x128xf32, #tpu.memory_space<vmem>>) target(%dma_start3A_87 : memref<10112x128xf32, #tpu.memory_space<vmem_shared>>) offsets(%arg9 : memref<120xi32, #tpu.memory_space<vmem>>) semaphore(%arg15 : memref<!tpu.dma_semaphore, #tpu.memory_space<semaphore_mem>>) {add = true}
      %ge3A_88 = arith.constant 1 : i32
      %ge3A_89 = arith.cmpi sge, %add3A_76, %ge3A_88 : i32
      %convert_element_type3A_90 = arith.extui %ge3A_89 : i1 to i32
      %cond3A_91 = arith.constant 0 : i32
      %cond3A_92 = arith.cmpi ne, %convert_element_type3A_90, %cond3A_91 : i32
      scf.if %cond3A_92 {
        %dma_wait3A_107 = arith.constant 0 : i32
        %dma_wait3A_108 = arith.constant 0 : i32
        %dma_wait3A_109 = tpu.memref_slice %arg20[%dma_wait3A_107, %dma_wait3A_108] : memref<10112x128xf32, #tpu.memory_space<vmem_shared>> -> memref<10112x128xf32, #tpu.memory_space<vmem_shared>>
        tpu.wait_indirect_dma semaphore(%arg14 : memref<!tpu.dma_semaphore, #tpu.memory_space<semaphore_mem>>) src(%arg10 : memref<120x128xf32, #tpu.memory_space<vmem>>) dst(%dma_wait3A_109 : memref<10112x128xf32, #tpu.memory_space<vmem_shared>>)
      } else {
      }
      %add3A_93 = arith.constant 1 : i32
      %add3A_94 = arith.addi %add3A_76, %add3A_93 : i32
      %lt3A_95 = arith.constant 86 : i32
      %lt3A_96 = arith.cmpi slt, %add3A_94, %lt3A_95 : i32
      %convert_element_type3A_97 = arith.extui %lt3A_96 : i1 to i32
      %cond3A_98 = arith.constant 0 : i32
      %cond3A_99 = arith.cmpi ne, %convert_element_type3A_97, %cond3A_98 : i32
      scf.if %cond3A_99 {
        %add3A_107 = arith.constant 1 : i32
        %add3A_108 = arith.addi %add3A_76, %add3A_107 : i32
        %mul3A_109 = arith.constant 120 : i32
        %mul3A_110 = arith.muli %add3A_108, %mul3A_109 : i32
        %add3A_111 = arith.addi %mul3A_2, %mul3A_110 : i32
        %dma_wait3A_112 = tpu.memref_slice %arg3[%add3A_111] : memref<330240xi32, #tpu.memory_space<hbm>> -> memref<120xi32, #tpu.memory_space<hbm>>
        %dma_wait3A_113 = tpu.memref_slice %arg3[%add3A_111] : memref<330240xi32, #tpu.memory_space<hbm>> -> memref<120xi32, #tpu.memory_space<hbm>>
        tpu.wait_dma2 semaphore(%arg16 : memref<!tpu.dma_semaphore, #tpu.memory_space<semaphore_mem>>) src(%dma_wait3A_113 : memref<120xi32, #tpu.memory_space<hbm>>) dst(%arg6 : memref<120xi32, #tpu.memory_space<vmem>>)
        %dma_start3A_114 = arith.constant 0 : i32
        %dma_start3A_115 = arith.constant 0 : i32
        %dma_start3A_116 = tpu.memref_slice %arg2[%dma_start3A_114, %dma_start3A_115] : memref<10000x128xf32, #tpu.memory_space<hbm>> -> memref<10000x128xf32, #tpu.memory_space<hbm>>
        tpu.enqueue_indirect_dma source(%dma_start3A_116 : memref<10000x128xf32, #tpu.memory_space<hbm>>) target(%arg10 : memref<120x128xf32, #tpu.memory_space<vmem>>) offsets(%arg6 : memref<120xi32, #tpu.memory_space<vmem>>) semaphore(%arg12 : memref<!tpu.dma_semaphore, #tpu.memory_space<semaphore_mem>>)
        %add3A_117 = arith.constant 1 : i32
        %add3A_118 = arith.addi %add3A_76, %add3A_117 : i32
        %mul3A_119 = arith.constant 120 : i32
        %mul3A_120 = arith.muli %add3A_118, %mul3A_119 : i32
        %add3A_121 = arith.addi %mul3A_2, %mul3A_120 : i32
        %dma_start3A_122 = tpu.memref_slice %arg4[%add3A_121] : memref<330240xi32, #tpu.memory_space<hbm>> -> memref<120xi32, #tpu.memory_space<hbm>>
        %dma_start3A_123 = tpu.memref_slice %arg4[%add3A_121] : memref<330240xi32, #tpu.memory_space<hbm>> -> memref<120xi32, #tpu.memory_space<hbm>>
        tpu.enqueue_dma source(%dma_start3A_123 : memref<120xi32, #tpu.memory_space<hbm>>) target(%arg8 : memref<120xi32, #tpu.memory_space<vmem>>) target_semaphore(%arg18 : memref<!tpu.dma_semaphore, #tpu.memory_space<semaphore_mem>>)
      } else {
      }
      %add3A_100 = arith.constant 2 : i32
      %add3A_101 = arith.addi %add3A_76, %add3A_100 : i32
      %lt3A_102 = arith.constant 86 : i32
      %lt3A_103 = arith.cmpi slt, %add3A_101, %lt3A_102 : i32
      %convert_element_type3A_104 = arith.extui %lt3A_103 : i1 to i32
      %cond3A_105 = arith.constant 0 : i32
      %cond3A_106 = arith.cmpi ne, %convert_element_type3A_104, %cond3A_105 : i32
      scf.if %cond3A_106 {
        %add3A_107 = arith.constant 2 : i32
        %add3A_108 = arith.addi %add3A_76, %add3A_107 : i32
        %mul3A_109 = arith.constant 120 : i32
        %mul3A_110 = arith.muli %add3A_108, %mul3A_109 : i32
        %add3A_111 = arith.addi %mul3A_2, %mul3A_110 : i32
        %dma_start3A_112 = tpu.memref_slice %arg3[%add3A_111] : memref<330240xi32, #tpu.memory_space<hbm>> -> memref<120xi32, #tpu.memory_space<hbm>>
        %dma_start3A_113 = tpu.memref_slice %arg3[%add3A_111] : memref<330240xi32, #tpu.memory_space<hbm>> -> memref<120xi32, #tpu.memory_space<hbm>>
        tpu.enqueue_dma source(%dma_start3A_113 : memref<120xi32, #tpu.memory_space<hbm>>) target(%arg7 : memref<120xi32, #tpu.memory_space<vmem>>) target_semaphore(%arg17 : memref<!tpu.dma_semaphore, #tpu.memory_space<semaphore_mem>>)
      } else {
      }
    }
    %scan3A_40 = arith.constant 43 : i32
    %dma_wait3A = arith.constant 0 : i32
    %dma_wait3A_41 = arith.constant 0 : i32
    %dma_wait3A_42 = tpu.memref_slice %arg20[%dma_wait3A, %dma_wait3A_41] : memref<10112x128xf32, #tpu.memory_space<vmem_shared>> -> memref<10112x128xf32, #tpu.memory_space<vmem_shared>>
    tpu.wait_indirect_dma semaphore(%arg15 : memref<!tpu.dma_semaphore, #tpu.memory_space<semaphore_mem>>) src(%arg11 : memref<120x128xf32, #tpu.memory_space<vmem>>) dst(%dma_wait3A_42 : memref<10112x128xf32, #tpu.memory_space<vmem_shared>>)
    %barrier3A_43 = arith.constant 0 : index
    tpu.barrier barrier_id(%barrier3A_43)
    "tpu.region"() ({
      %run_scoped3A = tpu.sem_alloc : memref<!tpu.dma_semaphore, #tpu.memory_space<semaphore_mem>>
      %dma_start3A_44 = arith.constant 0 : i32
      %dma_start3A_45 = tpu.memref_slice %arg5[%arg0, %mul3A_9, %dma_start3A_44] : memref<2x10112x128xf32, #tpu.memory_space<hbm>> -> memref<1x632x128xf32, #tpu.memory_space<hbm>>
      %dma_start3A_46 = tpu.memref_squeeze %dma_start3A_45 : memref<1x632x128xf32, #tpu.memory_space<hbm>> -> memref<632x128xf32, #tpu.memory_space<hbm>>
      %dma_start3A_47 = arith.constant 0 : i32
      %dma_start3A_48 = tpu.memref_slice %arg20[%mul3A_9, %dma_start3A_47] : memref<10112x128xf32, #tpu.memory_space<vmem_shared>> -> memref<632x128xf32, #tpu.memory_space<vmem_shared>>
      tpu.enqueue_dma source(%dma_start3A_48 : memref<632x128xf32, #tpu.memory_space<vmem_shared>>) target(%dma_start3A_46 : memref<632x128xf32, #tpu.memory_space<hbm>>) target_semaphore(%run_scoped3A : memref<!tpu.dma_semaphore, #tpu.memory_space<semaphore_mem>>)
      %dma_wait3A_49 = arith.constant 0 : i32
      %dma_wait3A_50 = tpu.memref_slice %arg5[%arg0, %mul3A_9, %dma_wait3A_49] : memref<2x10112x128xf32, #tpu.memory_space<hbm>> -> memref<1x632x128xf32, #tpu.memory_space<hbm>>
      %dma_wait3A_51 = tpu.memref_squeeze %dma_wait3A_50 : memref<1x632x128xf32, #tpu.memory_space<hbm>> -> memref<632x128xf32, #tpu.memory_space<hbm>>
      %dma_wait3A_52 = arith.constant 0 : i32
      %dma_wait3A_53 = tpu.memref_slice %arg20[%mul3A_9, %dma_wait3A_52] : memref<10112x128xf32, #tpu.memory_space<vmem_shared>> -> memref<632x128xf32, #tpu.memory_space<vmem_shared>>
      tpu.wait_dma2 semaphore(%run_scoped3A : memref<!tpu.dma_semaphore, #tpu.memory_space<semaphore_mem>>) src(%dma_wait3A_53 : memref<632x128xf32, #tpu.memory_space<vmem_shared>>) dst(%dma_wait3A_51 : memref<632x128xf32, #tpu.memory_space<hbm>>)
      tpu.yield
    }) : () -> ()
    return
  }
}

#map = affine_map<(d0, d1) -> (0)>
module attributes {stable_mosaic.version = 14 : i64} {
  func.func @_sc_degree(%arg0: i32, %arg1: i32, %arg2: memref<330240xi32, #tpu.memory_space<hbm>>, %arg3: memref<20480xf32, #tpu.memory_space<hbm>>, %arg4: memref<2064xi32, #tpu.memory_space<vmem>>, %arg5: memref<2064xf32, #tpu.memory_space<vmem>>, %arg6: memref<640xf32, #tpu.memory_space<vmem>>, %arg7: memref<10240xf32, #tpu.memory_space<vmem_shared>>) attributes {dimension_semantics = [#tpu.dimension_semantics<core_parallel>, #tpu.dimension_semantics<subcore_parallel>], iteration_bounds = array<i64: 2, 16>, scalar_prefetch = 0 : i64, scratch_operands = 4 : i64, tpu.core_type = #tpu.core_type<sc_vector_subcore>, window_params = [{transform_indices = #map}, {transform_indices = #map}]} {
    %mul3A = arith.constant 16 : i32
    %mul3A_0 = arith.muli %arg0, %mul3A : i32
    %add3A = arith.addi %mul3A_0, %arg1 : i32
    %scan3A = arith.constant 0 : i32
    %scan3A_1 = arith.constant 0 : i32
    %scan3A_2 = arith.constant 129 : i32
    %scan3A_3 = arith.addi %scan3A_1, %scan3A_2 : i32
    %scan3A_4 = arith.constant 1 : i32
    scf.for %scan3A_28 = %scan3A_1 to %scan3A_3 step %scan3A_4  : i32 {
      %broadcast_in_dim3A = arith.constant 1.000000e+00 : f32
      %broadcast_in_dim3A_29 = vector.broadcast %broadcast_in_dim3A : f32 to vector<16xf32>
      %mul3A_30 = arith.constant 16 : i32
      %mul3A_31 = arith.muli %scan3A_28, %mul3A_30 : i32
      %swap3A = arith.index_cast %mul3A_31 : i32 to index
      %swap3A_32 = tpu.vector_load %arg5[%swap3A] {strides = array<i32>} : memref<2064xf32, #tpu.memory_space<vmem>>, vector<16xf32>,
      %swap3A_33 = vector.shape_cast %swap3A_32 : vector<16xf32> to vector<16xf32>
      %swap3A_34 = vector.shape_cast %broadcast_in_dim3A_29 : vector<16xf32> to vector<16xf32>
      tpu.vector_store %arg5[%swap3A], %swap3A_34 {strides = array<i32>} : memref<2064xf32, #tpu.memory_space<vmem>>, vector<16xf32>,
    }
    %scan3A_5 = arith.constant 129 : i32
    %scan3A_6 = arith.constant 0 : i32
    %scan3A_7 = arith.constant 0 : i32
    %scan3A_8 = arith.constant 40 : i32
    %scan3A_9 = arith.addi %scan3A_7, %scan3A_8 : i32
    %scan3A_10 = arith.constant 1 : i32
    scf.for %scan3A_28 = %scan3A_7 to %scan3A_9 step %scan3A_10  : i32 {
      %broadcast_in_dim3A = arith.constant 0.000000e+00 : f32
      %broadcast_in_dim3A_29 = vector.broadcast %broadcast_in_dim3A : f32 to vector<16xf32>
      %mul3A_30 = arith.constant 16 : i32
      %mul3A_31 = arith.muli %scan3A_28, %mul3A_30 : i32
      %swap3A = arith.index_cast %mul3A_31 : i32 to index
      %swap3A_32 = tpu.vector_load %arg6[%swap3A] {strides = array<i32>} : memref<640xf32, #tpu.memory_space<vmem>>, vector<16xf32>,
      %swap3A_33 = vector.shape_cast %swap3A_32 : vector<16xf32> to vector<16xf32>
      %swap3A_34 = vector.shape_cast %broadcast_in_dim3A_29 : vector<16xf32> to vector<16xf32>
      tpu.vector_store %arg6[%swap3A], %swap3A_34 {strides = array<i32>} : memref<640xf32, #tpu.memory_space<vmem>>, vector<16xf32>,
    }
    %scan3A_11 = arith.constant 40 : i32
    %mul3A_12 = arith.constant 640 : i32
    %mul3A_13 = arith.muli %arg1, %mul3A_12 : i32
    "tpu.region"() ({
      %run_scoped3A = tpu.sem_alloc : memref<!tpu.dma_semaphore, #tpu.memory_space<semaphore_mem>>
      %dma_start3A = tpu.memref_slice %arg7[%mul3A_13] : memref<10240xf32, #tpu.memory_space<vmem_shared>> -> memref<640xf32, #tpu.memory_space<vmem_shared>>
      %dma_start3A_28 = tpu.memref_slice %arg7[%mul3A_13] : memref<10240xf32, #tpu.memory_space<vmem_shared>> -> memref<640xf32, #tpu.memory_space<vmem_shared>>
      tpu.enqueue_dma source(%arg6 : memref<640xf32, #tpu.memory_space<vmem>>) target(%dma_start3A_28 : memref<640xf32, #tpu.memory_space<vmem_shared>>) target_semaphore(%run_scoped3A : memref<!tpu.dma_semaphore, #tpu.memory_space<semaphore_mem>>)
      %dma_wait3A = tpu.memref_slice %arg7[%mul3A_13] : memref<10240xf32, #tpu.memory_space<vmem_shared>> -> memref<640xf32, #tpu.memory_space<vmem_shared>>
      %dma_wait3A_29 = tpu.memref_slice %arg7[%mul3A_13] : memref<10240xf32, #tpu.memory_space<vmem_shared>> -> memref<640xf32, #tpu.memory_space<vmem_shared>>
      tpu.wait_dma2 semaphore(%run_scoped3A : memref<!tpu.dma_semaphore, #tpu.memory_space<semaphore_mem>>) src(%arg6 : memref<640xf32, #tpu.memory_space<vmem>>) dst(%dma_wait3A_29 : memref<640xf32, #tpu.memory_space<vmem_shared>>)
      tpu.yield
    }) : () -> ()
    %barrier3A = arith.constant 0 : index
    tpu.barrier barrier_id(%barrier3A)
    %scan3A_14 = arith.constant 0 : i32
    %scan3A_15 = arith.constant 0 : i32
    %scan3A_16 = arith.constant 5 : i32
    %scan3A_17 = arith.addi %scan3A_15, %scan3A_16 : i32
    %scan3A_18 = arith.constant 1 : i32
    scf.for %scan3A_28 = %scan3A_15 to %scan3A_17 step %scan3A_18  : i32 {
      %mul3A_29 = arith.constant 10320 : i32
      %mul3A_30 = arith.muli %add3A, %mul3A_29 : i32
      %mul3A_31 = arith.constant 2064 : i32
      %mul3A_32 = arith.muli %scan3A_28, %mul3A_31 : i32
      %add3A_33 = arith.addi %mul3A_30, %mul3A_32 : i32
      "tpu.region"() ({
        %run_scoped3A = tpu.sem_alloc : memref<!tpu.dma_semaphore, #tpu.memory_space<semaphore_mem>>
        %dma_start3A = tpu.memref_slice %arg2[%add3A_33] : memref<330240xi32, #tpu.memory_space<hbm>> -> memref<2064xi32, #tpu.memory_space<hbm>>
        %dma_start3A_34 = tpu.memref_slice %arg2[%add3A_33] : memref<330240xi32, #tpu.memory_space<hbm>> -> memref<2064xi32, #tpu.memory_space<hbm>>
        tpu.enqueue_dma source(%dma_start3A_34 : memref<2064xi32, #tpu.memory_space<hbm>>) target(%arg4 : memref<2064xi32, #tpu.memory_space<vmem>>) target_semaphore(%run_scoped3A : memref<!tpu.dma_semaphore, #tpu.memory_space<semaphore_mem>>)
        %dma_wait3A = tpu.memref_slice %arg2[%add3A_33] : memref<330240xi32, #tpu.memory_space<hbm>> -> memref<2064xi32, #tpu.memory_space<hbm>>
        %dma_wait3A_35 = tpu.memref_slice %arg2[%add3A_33] : memref<330240xi32, #tpu.memory_space<hbm>> -> memref<2064xi32, #tpu.memory_space<hbm>>
        tpu.wait_dma2 semaphore(%run_scoped3A : memref<!tpu.dma_semaphore, #tpu.memory_space<semaphore_mem>>) src(%dma_wait3A_35 : memref<2064xi32, #tpu.memory_space<hbm>>) dst(%arg4 : memref<2064xi32, #tpu.memory_space<vmem>>)
        tpu.yield
      }) : () -> ()
      "tpu.region"() ({
        %run_scoped3A = tpu.sem_alloc : memref<!tpu.dma_semaphore, #tpu.memory_space<semaphore_mem>>
        %dma_start3A = arith.constant 0 : i32
        %dma_start3A_34 = tpu.memref_slice %arg7[%dma_start3A] : memref<10240xf32, #tpu.memory_space<vmem_shared>> -> memref<10240xf32, #tpu.memory_space<vmem_shared>>
        tpu.enqueue_indirect_dma source(%arg5 : memref<2064xf32, #tpu.memory_space<vmem>>) target(%dma_start3A_34 : memref<10240xf32, #tpu.memory_space<vmem_shared>>) offsets(%arg4 : memref<2064xi32, #tpu.memory_space<vmem>>) semaphore(%run_scoped3A : memref<!tpu.dma_semaphore, #tpu.memory_space<semaphore_mem>>) {add = true}
        %dma_wait3A = arith.constant 0 : i32
        %dma_wait3A_35 = tpu.memref_slice %arg7[%dma_wait3A] : memref<10240xf32, #tpu.memory_space<vmem_shared>> -> memref<10240xf32, #tpu.memory_space<vmem_shared>>
        tpu.wait_indirect_dma semaphore(%run_scoped3A : memref<!tpu.dma_semaphore, #tpu.memory_space<semaphore_mem>>) src(%arg5 : memref<2064xf32, #tpu.memory_space<vmem>>) dst(%dma_wait3A_35 : memref<10240xf32, #tpu.memory_space<vmem_shared>>)
        tpu.yield
      }) : () -> ()
    }
    %scan3A_19 = arith.constant 5 : i32
    %barrier3A_20 = arith.constant 0 : index
    tpu.barrier barrier_id(%barrier3A_20)
    %mul3A_21 = arith.constant 640 : i32
    %mul3A_22 = arith.muli %arg1, %mul3A_21 : i32
    %mul3A_23 = arith.constant 10240 : i32
    %mul3A_24 = arith.muli %arg0, %mul3A_23 : i32
    %mul3A_25 = arith.constant 640 : i32
    %mul3A_26 = arith.muli %arg1, %mul3A_25 : i32
    %add3A_27 = arith.addi %mul3A_24, %mul3A_26 : i32
    "tpu.region"() ({
      %run_scoped3A = tpu.sem_alloc : memref<!tpu.dma_semaphore, #tpu.memory_space<semaphore_mem>>
      %dma_start3A = tpu.memref_slice %arg3[%add3A_27] : memref<20480xf32, #tpu.memory_space<hbm>> -> memref<640xf32, #tpu.memory_space<hbm>>
      %dma_start3A_28 = tpu.memref_slice %arg7[%mul3A_22] : memref<10240xf32, #tpu.memory_space<vmem_shared>> -> memref<640xf32, #tpu.memory_space<vmem_shared>>
      tpu.enqueue_dma source(%dma_start3A_28 : memref<640xf32, #tpu.memory_space<vmem_shared>>) target(%dma_start3A : memref<640xf32, #tpu.memory_space<hbm>>) target_semaphore(%run_scoped3A : memref<!tpu.dma_semaphore, #tpu.memory_space<semaphore_mem>>)
      %dma_wait3A = tpu.memref_slice %arg3[%add3A_27] : memref<20480xf32, #tpu.memory_space<hbm>> -> memref<640xf32, #tpu.memory_space<hbm>>
      %dma_wait3A_29 = tpu.memref_slice %arg7[%mul3A_22] : memref<10240xf32, #tpu.memory_space<vmem_shared>> -> memref<640xf32, #tpu.memory_space<vmem_shared>>
      tpu.wait_dma2 semaphore(%run_scoped3A : memref<!tpu.dma_semaphore, #tpu.memory_space<semaphore_mem>>) src(%dma_wait3A_29 : memref<640xf32, #tpu.memory_space<vmem_shared>>) dst(%dma_wait3A : memref<640xf32, #tpu.memory_space<hbm>>)
      tpu.yield
    }) : () -> ()
    return
  }
}

#map = affine_map<(d0, d1) -> (0, 0)>
#map1 = affine_map<(d0, d1) -> (0)>
#map2 = affine_map<(d0, d1) -> (0, 0, 0)>
module attributes {stable_mosaic.version = 14 : i64} {
  func.func @_sc_aggregate(%arg0: i32, %arg1: i32, %arg2: memref<10000x128xf32, #tpu.memory_space<hbm>>, %arg3: memref<330240xi32, #tpu.memory_space<hbm>>, %arg4: memref<330240xi32, #tpu.memory_space<hbm>>, %arg5: memref<2x10112x128xf32, #tpu.memory_space<hbm>>, %arg6: memref<120xi32, #tpu.memory_space<vmem>>, %arg7: memref<120xi32, #tpu.memory_space<vmem>>, %arg8: memref<120xi32, #tpu.memory_space<vmem>>, %arg9: memref<120xi32, #tpu.memory_space<vmem>>, %arg10: memref<120x128xf32, #tpu.memory_space<vmem>>, %arg11: memref<120x128xf32, #tpu.memory_space<vmem>>, %arg12: memref<!tpu.dma_semaphore, #tpu.memory_space<semaphore_mem>>, %arg13: memref<!tpu.dma_semaphore, #tpu.memory_space<semaphore_mem>>, %arg14: memref<!tpu.dma_semaphore, #tpu.memory_space<semaphore_mem>>, %arg15: memref<!tpu.dma_semaphore, #tpu.memory_space<semaphore_mem>>, %arg16: memref<!tpu.dma_semaphore, #tpu.memory_space<semaphore_mem>>, %arg17: memref<!tpu.dma_semaphore, #tpu.memory_space<semaphore_mem>>, %arg18: memref<!tpu.dma_semaphore, #tpu.memory_space<semaphore_mem>>, %arg19: memref<!tpu.dma_semaphore, #tpu.memory_space<semaphore_mem>>, %arg20: memref<10112x128xf32, #tpu.memory_space<vmem_shared>>) attributes {dimension_semantics = [#tpu.dimension_semantics<core_parallel>, #tpu.dimension_semantics<subcore_parallel>], iteration_bounds = array<i64: 2, 16>, scalar_prefetch = 0 : i64, scratch_operands = 15 : i64, tpu.core_type = #tpu.core_type<sc_vector_subcore>, window_params = [{transform_indices = #map}, {transform_indices = #map1}, {transform_indices = #map1}, {transform_indices = #map2}]} {
    %mul3A = arith.constant 16 : i32
    %mul3A_0 = arith.muli %arg0, %mul3A : i32
    %add3A = arith.addi %mul3A_0, %arg1 : i32
    %mul3A_1 = arith.constant 10320 : i32
    %mul3A_2 = arith.muli %add3A, %mul3A_1 : i32
    %scan3A = arith.constant 0 : i32
    %scan3A_3 = arith.constant 0 : i32
    %scan3A_4 = arith.constant 960 : i32
    %scan3A_5 = arith.addi %scan3A_3, %scan3A_4 : i32
    %scan3A_6 = arith.constant 1 : i32
    scf.for %scan3A_44 = %scan3A_3 to %scan3A_5 step %scan3A_6  : i32 {
      %broadcast_in_dim3A = arith.constant 0.000000e+00 : f32
      %broadcast_in_dim3A_45 = vector.broadcast %broadcast_in_dim3A : f32 to vector<16xf32>
      %jit3A = arith.constant 8 : i32
      %div3A = arith.divsi %scan3A_44, %jit3A : i32
      %sign3A = arith.constant 0 : i32
      %sign3A_46 = arith.cmpi sgt, %scan3A_44, %sign3A : i32
      %sign3A_47 = arith.extui %sign3A_46 : i1 to i32
      %sign3A_48 = arith.constant 0 : i32
      %sign3A_49 = arith.cmpi slt, %scan3A_44, %sign3A_48 : i32
      %sign3A_50 = arith.extui %sign3A_49 : i1 to i32
      %sign3A_51 = arith.subi %sign3A_47, %sign3A_50 : i32
      %sign3A_52 = arith.constant 0 : i32
      %sign3A_53 = arith.cmpi sgt, %jit3A, %sign3A_52 : i32
      %sign3A_54 = arith.extui %sign3A_53 : i1 to i32
      %sign3A_55 = arith.constant 0 : i32
      %sign3A_56 = arith.cmpi slt, %jit3A, %sign3A_55 : i32
      %sign3A_57 = arith.extui %sign3A_56 : i1 to i32
      %sign3A_58 = arith.subi %sign3A_54, %sign3A_57 : i32
      %ne3A = arith.cmpi ne, %sign3A_51, %sign3A_58 : i32
      %rem3A = arith.remsi %scan3A_44, %jit3A : i32
      %ne3A_59 = arith.constant 0 : i32
      %ne3A_60 = arith.cmpi ne, %rem3A, %ne3A_59 : i32
      %and3A = arith.andi %ne3A, %ne3A_60 : i1
      %sub3A_61 = arith.constant 1 : i32
      %sub3A_62 = arith.subi %div3A, %sub3A_61 : i32
      %select_n3A = arith.select %and3A, %sub3A_62, %div3A : i32
      %jit3A_63 = arith.constant 8 : i32
      %eq3A = arith.constant 0 : i32
      %eq3A_64 = arith.cmpi eq, %jit3A_63, %eq3A : i32
      %jit3A_65 = arith.constant 1 : i32
      %select_n3A_66 = arith.select %eq3A_64, %jit3A_65, %jit3A_63 : i32
      %rem3A_67 = arith.remsi %scan3A_44, %select_n3A_66 : i32
      %ne3A_68 = arith.constant 0 : i32
      %ne3A_69 = arith.cmpi ne, %rem3A_67, %ne3A_68 : i32
      %lt3A = arith.constant 0 : i32
      %lt3A_70 = arith.cmpi slt, %rem3A_67, %lt3A : i32
      %lt3A_71 = arith.constant 0 : i32
      %lt3A_72 = arith.cmpi slt, %select_n3A_66, %lt3A_71 : i32
      %ne3A_73 = arith.xori %lt3A_70, %lt3A_72 : i1
      %and3A_74 = arith.andi %ne3A_73, %ne3A_69 : i1
      %add3A_75 = arith.addi %rem3A_67, %select_n3A_66 : i32
      %select_n3A_76 = arith.select %and3A_74, %add3A_75, %rem3A_67 : i32
      %mul3A_77 = arith.constant 16 : i32
      %mul3A_78 = arith.muli %select_n3A_76, %mul3A_77 : i32
      %swap3A = arith.index_cast %select_n3A : i32 to index
      %swap3A_79 = arith.index_cast %mul3A_78 : i32 to index
      %swap3A_80 = tpu.vector_load %arg10[%swap3A, %swap3A_79] {strides = array<i32>} : memref<120x128xf32, #tpu.memory_space<vmem>>, vector<1x16xf32>,
      %swap3A_81 = vector.shape_cast %swap3A_80 : vector<1x16xf32> to vector<16xf32>
      %swap3A_82 = vector.shape_cast %broadcast_in_dim3A_45 : vector<16xf32> to vector<1x16xf32>
      tpu.vector_store %arg10[%swap3A, %swap3A_79], %swap3A_82 {strides = array<i32>} : memref<120x128xf32, #tpu.memory_space<vmem>>, vector<1x16xf32>,
    }
    %scan3A_7 = arith.constant 960 : i32
    %mul3A_8 = arith.constant 632 : i32
    %mul3A_9 = arith.muli %arg1, %mul3A_8 : i32
    %add3A_10 = arith.constant 0 : i32
    %add3A_11 = arith.addi %mul3A_9, %add3A_10 : i32
    "tpu.region"() ({
      %run_scoped3A = tpu.sem_alloc : memref<!tpu.dma_semaphore, #tpu.memory_space<semaphore_mem>>
      %dma_start3A_44 = arith.constant 0 : i32
      %dma_start3A_45 = tpu.memref_slice %arg20[%add3A_11, %dma_start3A_44] : memref<10112x128xf32, #tpu.memory_space<vmem_shared>> -> memref<120x128xf32, #tpu.memory_space<vmem_shared>>
      %dma_start3A_46 = arith.constant 0 : i32
      %dma_start3A_47 = tpu.memref_slice %arg20[%add3A_11, %dma_start3A_46] : memref<10112x128xf32, #tpu.memory_space<vmem_shared>> -> memref<120x128xf32, #tpu.memory_space<vmem_shared>>
      tpu.enqueue_dma source(%arg10 : memref<120x128xf32, #tpu.memory_space<vmem>>) target(%dma_start3A_47 : memref<120x128xf32, #tpu.memory_space<vmem_shared>>) target_semaphore(%run_scoped3A : memref<!tpu.dma_semaphore, #tpu.memory_space<semaphore_mem>>)
      %dma_wait3A_48 = arith.constant 0 : i32
      %dma_wait3A_49 = tpu.memref_slice %arg20[%add3A_11, %dma_wait3A_48] : memref<10112x128xf32, #tpu.memory_space<vmem_shared>> -> memref<120x128xf32, #tpu.memory_space<vmem_shared>>
      %dma_wait3A_50 = arith.constant 0 : i32
      %dma_wait3A_51 = tpu.memref_slice %arg20[%add3A_11, %dma_wait3A_50] : memref<10112x128xf32, #tpu.memory_space<vmem_shared>> -> memref<120x128xf32, #tpu.memory_space<vmem_shared>>
      tpu.wait_dma2 semaphore(%run_scoped3A : memref<!tpu.dma_semaphore, #tpu.memory_space<semaphore_mem>>) src(%arg10 : memref<120x128xf32, #tpu.memory_space<vmem>>) dst(%dma_wait3A_51 : memref<120x128xf32, #tpu.memory_space<vmem_shared>>)
      tpu.yield
    }) : () -> ()
    %add3A_12 = arith.constant 120 : i32
    %add3A_13 = arith.addi %mul3A_9, %add3A_12 : i32
    "tpu.region"() ({
      %run_scoped3A = tpu.sem_alloc : memref<!tpu.dma_semaphore, #tpu.memory_space<semaphore_mem>>
      %dma_start3A_44 = arith.constant 0 : i32
      %dma_start3A_45 = tpu.memref_slice %arg20[%add3A_13, %dma_start3A_44] : memref<10112x128xf32, #tpu.memory_space<vmem_shared>> -> memref<120x128xf32, #tpu.memory_space<vmem_shared>>
      %dma_start3A_46 = arith.constant 0 : i32
      %dma_start3A_47 = tpu.memref_slice %arg20[%add3A_13, %dma_start3A_46] : memref<10112x128xf32, #tpu.memory_space<vmem_shared>> -> memref<120x128xf32, #tpu.memory_space<vmem_shared>>
      tpu.enqueue_dma source(%arg10 : memref<120x128xf32, #tpu.memory_space<vmem>>) target(%dma_start3A_47 : memref<120x128xf32, #tpu.memory_space<vmem_shared>>) target_semaphore(%run_scoped3A : memref<!tpu.dma_semaphore, #tpu.memory_space<semaphore_mem>>)
      %dma_wait3A_48 = arith.constant 0 : i32
      %dma_wait3A_49 = tpu.memref_slice %arg20[%add3A_13, %dma_wait3A_48] : memref<10112x128xf32, #tpu.memory_space<vmem_shared>> -> memref<120x128xf32, #tpu.memory_space<vmem_shared>>
      %dma_wait3A_50 = arith.constant 0 : i32
      %dma_wait3A_51 = tpu.memref_slice %arg20[%add3A_13, %dma_wait3A_50] : memref<10112x128xf32, #tpu.memory_space<vmem_shared>> -> memref<120x128xf32, #tpu.memory_space<vmem_shared>>
      tpu.wait_dma2 semaphore(%run_scoped3A : memref<!tpu.dma_semaphore, #tpu.memory_space<semaphore_mem>>) src(%arg10 : memref<120x128xf32, #tpu.memory_space<vmem>>) dst(%dma_wait3A_51 : memref<120x128xf32, #tpu.memory_space<vmem_shared>>)
      tpu.yield
    }) : () -> ()
    %add3A_14 = arith.constant 240 : i32
    %add3A_15 = arith.addi %mul3A_9, %add3A_14 : i32
    "tpu.region"() ({
      %run_scoped3A = tpu.sem_alloc : memref<!tpu.dma_semaphore, #tpu.memory_space<semaphore_mem>>
      %dma_start3A_44 = arith.constant 0 : i32
      %dma_start3A_45 = tpu.memref_slice %arg20[%add3A_15, %dma_start3A_44] : memref<10112x128xf32, #tpu.memory_space<vmem_shared>> -> memref<120x128xf32, #tpu.memory_space<vmem_shared>>
      %dma_start3A_46 = arith.constant 0 : i32
      %dma_start3A_47 = tpu.memref_slice %arg20[%add3A_15, %dma_start3A_46] : memref<10112x128xf32, #tpu.memory_space<vmem_shared>> -> memref<120x128xf32, #tpu.memory_space<vmem_shared>>
      tpu.enqueue_dma source(%arg10 : memref<120x128xf32, #tpu.memory_space<vmem>>) target(%dma_start3A_47 : memref<120x128xf32, #tpu.memory_space<vmem_shared>>) target_semaphore(%run_scoped3A : memref<!tpu.dma_semaphore, #tpu.memory_space<semaphore_mem>>)
      %dma_wait3A_48 = arith.constant 0 : i32
      %dma_wait3A_49 = tpu.memref_slice %arg20[%add3A_15, %dma_wait3A_48] : memref<10112x128xf32, #tpu.memory_space<vmem_shared>> -> memref<120x128xf32, #tpu.memory_space<vmem_shared>>
      %dma_wait3A_50 = arith.constant 0 : i32
      %dma_wait3A_51 = tpu.memref_slice %arg20[%add3A_15, %dma_wait3A_50] : memref<10112x128xf32, #tpu.memory_space<vmem_shared>> -> memref<120x128xf32, #tpu.memory_space<vmem_shared>>
      tpu.wait_dma2 semaphore(%run_scoped3A : memref<!tpu.dma_semaphore, #tpu.memory_space<semaphore_mem>>) src(%arg10 : memref<120x128xf32, #tpu.memory_space<vmem>>) dst(%dma_wait3A_51 : memref<120x128xf32, #tpu.memory_space<vmem_shared>>)
      tpu.yield
    }) : () -> ()
    %add3A_16 = arith.constant 360 : i32
    %add3A_17 = arith.addi %mul3A_9, %add3A_16 : i32
    "tpu.region"() ({
      %run_scoped3A = tpu.sem_alloc : memref<!tpu.dma_semaphore, #tpu.memory_space<semaphore_mem>>
      %dma_start3A_44 = arith.constant 0 : i32
      %dma_start3A_45 = tpu.memref_slice %arg20[%add3A_17, %dma_start3A_44] : memref<10112x128xf32, #tpu.memory_space<vmem_shared>> -> memref<120x128xf32, #tpu.memory_space<vmem_shared>>
      %dma_start3A_46 = arith.constant 0 : i32
      %dma_start3A_47 = tpu.memref_slice %arg20[%add3A_17, %dma_start3A_46] : memref<10112x128xf32, #tpu.memory_space<vmem_shared>> -> memref<120x128xf32, #tpu.memory_space<vmem_shared>>
      tpu.enqueue_dma source(%arg10 : memref<120x128xf32, #tpu.memory_space<vmem>>) target(%dma_start3A_47 : memref<120x128xf32, #tpu.memory_space<vmem_shared>>) target_semaphore(%run_scoped3A : memref<!tpu.dma_semaphore, #tpu.memory_space<semaphore_mem>>)
      %dma_wait3A_48 = arith.constant 0 : i32
      %dma_wait3A_49 = tpu.memref_slice %arg20[%add3A_17, %dma_wait3A_48] : memref<10112x128xf32, #tpu.memory_space<vmem_shared>> -> memref<120x128xf32, #tpu.memory_space<vmem_shared>>
      %dma_wait3A_50 = arith.constant 0 : i32
      %dma_wait3A_51 = tpu.memref_slice %arg20[%add3A_17, %dma_wait3A_50] : memref<10112x128xf32, #tpu.memory_space<vmem_shared>> -> memref<120x128xf32, #tpu.memory_space<vmem_shared>>
      tpu.wait_dma2 semaphore(%run_scoped3A : memref<!tpu.dma_semaphore, #tpu.memory_space<semaphore_mem>>) src(%arg10 : memref<120x128xf32, #tpu.memory_space<vmem>>) dst(%dma_wait3A_51 : memref<120x128xf32, #tpu.memory_space<vmem_shared>>)
      tpu.yield
    }) : () -> ()
    %add3A_18 = arith.constant 480 : i32
    %add3A_19 = arith.addi %mul3A_9, %add3A_18 : i32
    "tpu.region"() ({
      %run_scoped3A = tpu.sem_alloc : memref<!tpu.dma_semaphore, #tpu.memory_space<semaphore_mem>>
      %dma_start3A_44 = arith.constant 0 : i32
      %dma_start3A_45 = tpu.memref_slice %arg20[%add3A_19, %dma_start3A_44] : memref<10112x128xf32, #tpu.memory_space<vmem_shared>> -> memref<120x128xf32, #tpu.memory_space<vmem_shared>>
      %dma_start3A_46 = arith.constant 0 : i32
      %dma_start3A_47 = tpu.memref_slice %arg20[%add3A_19, %dma_start3A_46] : memref<10112x128xf32, #tpu.memory_space<vmem_shared>> -> memref<120x128xf32, #tpu.memory_space<vmem_shared>>
      tpu.enqueue_dma source(%arg10 : memref<120x128xf32, #tpu.memory_space<vmem>>) target(%dma_start3A_47 : memref<120x128xf32, #tpu.memory_space<vmem_shared>>) target_semaphore(%run_scoped3A : memref<!tpu.dma_semaphore, #tpu.memory_space<semaphore_mem>>)
      %dma_wait3A_48 = arith.constant 0 : i32
      %dma_wait3A_49 = tpu.memref_slice %arg20[%add3A_19, %dma_wait3A_48] : memref<10112x128xf32, #tpu.memory_space<vmem_shared>> -> memref<120x128xf32, #tpu.memory_space<vmem_shared>>
      %dma_wait3A_50 = arith.constant 0 : i32
      %dma_wait3A_51 = tpu.memref_slice %arg20[%add3A_19, %dma_wait3A_50] : memref<10112x128xf32, #tpu.memory_space<vmem_shared>> -> memref<120x128xf32, #tpu.memory_space<vmem_shared>>
      tpu.wait_dma2 semaphore(%run_scoped3A : memref<!tpu.dma_semaphore, #tpu.memory_space<semaphore_mem>>) src(%arg10 : memref<120x128xf32, #tpu.memory_space<vmem>>) dst(%dma_wait3A_51 : memref<120x128xf32, #tpu.memory_space<vmem_shared>>)
      tpu.yield
    }) : () -> ()
    %add3A_20 = arith.constant 632 : i32
    %add3A_21 = arith.addi %mul3A_9, %add3A_20 : i32
    %sub3A = arith.constant 32 : i32
    %sub3A_22 = arith.subi %add3A_21, %sub3A : i32
    "tpu.region"() ({
      %run_scoped3A = tpu.sem_alloc : memref<!tpu.dma_semaphore, #tpu.memory_space<semaphore_mem>>
      %dma_start3A_44 = arith.constant 0 : i32
      %dma_start3A_45 = arith.constant 0 : i32
      %dma_start3A_46 = tpu.memref_slice %arg10[%dma_start3A_44, %dma_start3A_45] : memref<120x128xf32, #tpu.memory_space<vmem>> -> memref<32x128xf32, #tpu.memory_space<vmem>>
      %dma_start3A_47 = arith.constant 0 : i32
      %dma_start3A_48 = tpu.memref_slice %arg20[%sub3A_22, %dma_start3A_47] : memref<10112x128xf32, #tpu.memory_space<vmem_shared>> -> memref<32x128xf32, #tpu.memory_space<vmem_shared>>
      %dma_start3A_49 = arith.constant 0 : i32
      %dma_start3A_50 = tpu.memref_slice %arg20[%sub3A_22, %dma_start3A_49] : memref<10112x128xf32, #tpu.memory_space<vmem_shared>> -> memref<32x128xf32, #tpu.memory_space<vmem_shared>>
      %dma_start3A_51 = arith.constant 0 : i32
      %dma_start3A_52 = arith.constant 0 : i32
      %dma_start3A_53 = tpu.memref_slice %arg10[%dma_start3A_51, %dma_start3A_52] : memref<120x128xf32, #tpu.memory_space<vmem>> -> memref<32x128xf32, #tpu.memory_space<vmem>>
      tpu.enqueue_dma source(%dma_start3A_53 : memref<32x128xf32, #tpu.memory_space<vmem>>) target(%dma_start3A_50 : memref<32x128xf32, #tpu.memory_space<vmem_shared>>) target_semaphore(%run_scoped3A : memref<!tpu.dma_semaphore, #tpu.memory_space<semaphore_mem>>)
      %dma_wait3A_54 = arith.constant 0 : i32
      %dma_wait3A_55 = arith.constant 0 : i32
      %dma_wait3A_56 = tpu.memref_slice %arg10[%dma_wait3A_54, %dma_wait3A_55] : memref<120x128xf32, #tpu.memory_space<vmem>> -> memref<32x128xf32, #tpu.memory_space<vmem>>
      %dma_wait3A_57 = arith.constant 0 : i32
      %dma_wait3A_58 = tpu.memref_slice %arg20[%sub3A_22, %dma_wait3A_57] : memref<10112x128xf32, #tpu.memory_space<vmem_shared>> -> memref<32x128xf32, #tpu.memory_space<vmem_shared>>
      %dma_wait3A_59 = arith.constant 0 : i32
      %dma_wait3A_60 = tpu.memref_slice %arg20[%sub3A_22, %dma_wait3A_59] : memref<10112x128xf32, #tpu.memory_space<vmem_shared>> -> memref<32x128xf32, #tpu.memory_space<vmem_shared>>
      %dma_wait3A_61 = arith.constant 0 : i32
      %dma_wait3A_62 = arith.constant 0 : i32
      %dma_wait3A_63 = tpu.memref_slice %arg10[%dma_wait3A_61, %dma_wait3A_62] : memref<120x128xf32, #tpu.memory_space<vmem>> -> memref<32x128xf32, #tpu.memory_space<vmem>>
      tpu.wait_dma2 semaphore(%run_scoped3A : memref<!tpu.dma_semaphore, #tpu.memory_space<semaphore_mem>>) src(%dma_wait3A_63 : memref<32x128xf32, #tpu.memory_space<vmem>>) dst(%dma_wait3A_60 : memref<32x128xf32, #tpu.memory_space<vmem_shared>>)
      tpu.yield
    }) : () -> ()
    %barrier3A = arith.constant 0 : index
    tpu.barrier barrier_id(%barrier3A)
    %add3A_23 = arith.constant 0 : i32
    %add3A_24 = arith.addi %mul3A_2, %add3A_23 : i32
    "tpu.region"() ({
      %run_scoped3A = tpu.sem_alloc : memref<!tpu.dma_semaphore, #tpu.memory_space<semaphore_mem>>
      %dma_start3A_44 = tpu.memref_slice %arg3[%add3A_24] : memref<330240xi32, #tpu.memory_space<hbm>> -> memref<120xi32, #tpu.memory_space<hbm>>
      %dma_start3A_45 = tpu.memref_slice %arg3[%add3A_24] : memref<330240xi32, #tpu.memory_space<hbm>> -> memref<120xi32, #tpu.memory_space<hbm>>
      tpu.enqueue_dma source(%dma_start3A_45 : memref<120xi32, #tpu.memory_space<hbm>>) target(%arg6 : memref<120xi32, #tpu.memory_space<vmem>>) target_semaphore(%run_scoped3A : memref<!tpu.dma_semaphore, #tpu.memory_space<semaphore_mem>>)
      %dma_wait3A_46 = tpu.memref_slice %arg3[%add3A_24] : memref<330240xi32, #tpu.memory_space<hbm>> -> memref<120xi32, #tpu.memory_space<hbm>>
      %dma_wait3A_47 = tpu.memref_slice %arg3[%add3A_24] : memref<330240xi32, #tpu.memory_space<hbm>> -> memref<120xi32, #tpu.memory_space<hbm>>
      tpu.wait_dma2 semaphore(%run_scoped3A : memref<!tpu.dma_semaphore, #tpu.memory_space<semaphore_mem>>) src(%dma_wait3A_47 : memref<120xi32, #tpu.memory_space<hbm>>) dst(%arg6 : memref<120xi32, #tpu.memory_space<vmem>>)
      tpu.yield
    }) : () -> ()
    %dma_start3A = arith.constant 0 : i32
    %dma_start3A_25 = arith.constant 0 : i32
    %dma_start3A_26 = tpu.memref_slice %arg2[%dma_start3A, %dma_start3A_25] : memref<10000x128xf32, #tpu.memory_space<hbm>> -> memref<10000x128xf32, #tpu.memory_space<hbm>>
    tpu.enqueue_indirect_dma source(%dma_start3A_26 : memref<10000x128xf32, #tpu.memory_space<hbm>>) target(%arg10 : memref<120x128xf32, #tpu.memory_space<vmem>>) offsets(%arg6 : memref<120xi32, #tpu.memory_space<vmem>>) semaphore(%arg12 : memref<!tpu.dma_semaphore, #tpu.memory_space<semaphore_mem>>)
    %add3A_27 = arith.constant 0 : i32
    %add3A_28 = arith.addi %mul3A_2, %add3A_27 : i32
    %dma_start3A_29 = tpu.memref_slice %arg4[%add3A_28] : memref<330240xi32, #tpu.memory_space<hbm>> -> memref<120xi32, #tpu.memory_space<hbm>>
    %dma_start3A_30 = tpu.memref_slice %arg4[%add3A_28] : memref<330240xi32, #tpu.memory_space<hbm>> -> memref<120xi32, #tpu.memory_space<hbm>>
    tpu.enqueue_dma source(%dma_start3A_30 : memref<120xi32, #tpu.memory_space<hbm>>) target(%arg8 : memref<120xi32, #tpu.memory_space<vmem>>) target_semaphore(%arg18 : memref<!tpu.dma_semaphore, #tpu.memory_space<semaphore_mem>>)
    %add3A_31 = arith.constant 120 : i32
    %add3A_32 = arith.addi %mul3A_2, %add3A_31 : i32
    %dma_start3A_33 = tpu.memref_slice %arg3[%add3A_32] : memref<330240xi32, #tpu.memory_space<hbm>> -> memref<120xi32, #tpu.memory_space<hbm>>
    %dma_start3A_34 = tpu.memref_slice %arg3[%add3A_32] : memref<330240xi32, #tpu.memory_space<hbm>> -> memref<120xi32, #tpu.memory_space<hbm>>
    tpu.enqueue_dma source(%dma_start3A_34 : memref<120xi32, #tpu.memory_space<hbm>>) target(%arg7 : memref<120xi32, #tpu.memory_space<vmem>>) target_semaphore(%arg17 : memref<!tpu.dma_semaphore, #tpu.memory_space<semaphore_mem>>)
    %scan3A_35 = arith.constant 0 : i32
    %scan3A_36 = arith.constant 0 : i32
    %scan3A_37 = arith.constant 43 : i32
    %scan3A_38 = arith.addi %scan3A_36, %scan3A_37 : i32
    %scan3A_39 = arith.constant 1 : i32
    scf.for %scan3A_44 = %scan3A_36 to %scan3A_38 step %scan3A_39  : i32 {
      %mul3A_45 = arith.constant 2 : i32
      %mul3A_46 = arith.muli %scan3A_44, %mul3A_45 : i32
      %dma_wait3A_47 = arith.constant 0 : i32
      %dma_wait3A_48 = arith.constant 0 : i32
      %dma_wait3A_49 = tpu.memref_slice %arg2[%dma_wait3A_47, %dma_wait3A_48] : memref<10000x128xf32, #tpu.memory_space<hbm>> -> memref<10000x128xf32, #tpu.memory_space<hbm>>
      tpu.wait_indirect_dma semaphore(%arg12 : memref<!tpu.dma_semaphore, #tpu.memory_space<semaphore_mem>>) src(%dma_wait3A_49 : memref<10000x128xf32, #tpu.memory_space<hbm>>) dst(%arg10 : memref<120x128xf32, #tpu.memory_space<vmem>>)
      %mul3A_50 = arith.constant 120 : i32
      %mul3A_51 = arith.muli %mul3A_46, %mul3A_50 : i32
      %add3A_52 = arith.addi %mul3A_2, %mul3A_51 : i32
      %dma_wait3A_53 = tpu.memref_slice %arg4[%add3A_52] : memref<330240xi32, #tpu.memory_space<hbm>> -> memref<120xi32, #tpu.memory_space<hbm>>
      %dma_wait3A_54 = tpu.memref_slice %arg4[%add3A_52] : memref<330240xi32, #tpu.memory_space<hbm>> -> memref<120xi32, #tpu.memory_space<hbm>>
      tpu.wait_dma2 semaphore(%arg18 : memref<!tpu.dma_semaphore, #tpu.memory_space<semaphore_mem>>) src(%dma_wait3A_54 : memref<120xi32, #tpu.memory_space<hbm>>) dst(%arg8 : memref<120xi32, #tpu.memory_space<vmem>>)
      %dma_start3A_55 = arith.constant 0 : i32
      %dma_start3A_56 = arith.constant 0 : i32
      %dma_start3A_57 = tpu.memref_slice %arg20[%dma_start3A_55, %dma_start3A_56] : memref<10112x128xf32, #tpu.memory_space<vmem_shared>> -> memref<10112x128xf32, #tpu.memory_space<vmem_shared>>
      tpu.enqueue_indirect_dma source(%arg10 : memref<120x128xf32, #tpu.memory_space<vmem>>) target(%dma_start3A_57 : memref<10112x128xf32, #tpu.memory_space<vmem_shared>>) offsets(%arg8 : memref<120xi32, #tpu.memory_space<vmem>>) semaphore(%arg14 : memref<!tpu.dma_semaphore, #tpu.memory_space<semaphore_mem>>) {add = true}
      %ge3A = arith.constant 1 : i32
      %ge3A_58 = arith.cmpi sge, %mul3A_46, %ge3A : i32
      %convert_element_type3A = arith.extui %ge3A_58 : i1 to i32
      %cond3A = arith.constant 0 : i32
      %cond3A_59 = arith.cmpi ne, %convert_element_type3A, %cond3A : i32
      scf.if %cond3A_59 {
        %dma_wait3A_107 = arith.constant 0 : i32
        %dma_wait3A_108 = arith.constant 0 : i32
        %dma_wait3A_109 = tpu.memref_slice %arg20[%dma_wait3A_107, %dma_wait3A_108] : memref<10112x128xf32, #tpu.memory_space<vmem_shared>> -> memref<10112x128xf32, #tpu.memory_space<vmem_shared>>
        tpu.wait_indirect_dma semaphore(%arg15 : memref<!tpu.dma_semaphore, #tpu.memory_space<semaphore_mem>>) src(%arg11 : memref<120x128xf32, #tpu.memory_space<vmem>>) dst(%dma_wait3A_109 : memref<10112x128xf32, #tpu.memory_space<vmem_shared>>)
      } else {
      }
      %add3A_60 = arith.constant 1 : i32
      %add3A_61 = arith.addi %mul3A_46, %add3A_60 : i32
      %lt3A = arith.constant 86 : i32
      %lt3A_62 = arith.cmpi slt, %add3A_61, %lt3A : i32
      %convert_element_type3A_63 = arith.extui %lt3A_62 : i1 to i32
      %cond3A_64 = arith.constant 0 : i32
      %cond3A_65 = arith.cmpi ne, %convert_element_type3A_63, %cond3A_64 : i32
      scf.if %cond3A_65 {
        %add3A_107 = arith.constant 1 : i32
        %add3A_108 = arith.addi %mul3A_46, %add3A_107 : i32
        %mul3A_109 = arith.constant 120 : i32
        %mul3A_110 = arith.muli %add3A_108, %mul3A_109 : i32
        %add3A_111 = arith.addi %mul3A_2, %mul3A_110 : i32
        %dma_wait3A_112 = tpu.memref_slice %arg3[%add3A_111] : memref<330240xi32, #tpu.memory_space<hbm>> -> memref<120xi32, #tpu.memory_space<hbm>>
        %dma_wait3A_113 = tpu.memref_slice %arg3[%add3A_111] : memref<330240xi32, #tpu.memory_space<hbm>> -> memref<120xi32, #tpu.memory_space<hbm>>
        tpu.wait_dma2 semaphore(%arg17 : memref<!tpu.dma_semaphore, #tpu.memory_space<semaphore_mem>>) src(%dma_wait3A_113 : memref<120xi32, #tpu.memory_space<hbm>>) dst(%arg7 : memref<120xi32, #tpu.memory_space<vmem>>)
        %dma_start3A_114 = arith.constant 0 : i32
        %dma_start3A_115 = arith.constant 0 : i32
        %dma_start3A_116 = tpu.memref_slice %arg2[%dma_start3A_114, %dma_start3A_115] : memref<10000x128xf32, #tpu.memory_space<hbm>> -> memref<10000x128xf32, #tpu.memory_space<hbm>>
        tpu.enqueue_indirect_dma source(%dma_start3A_116 : memref<10000x128xf32, #tpu.memory_space<hbm>>) target(%arg11 : memref<120x128xf32, #tpu.memory_space<vmem>>) offsets(%arg7 : memref<120xi32, #tpu.memory_space<vmem>>) semaphore(%arg13 : memref<!tpu.dma_semaphore, #tpu.memory_space<semaphore_mem>>)
        %add3A_117 = arith.constant 1 : i32
        %add3A_118 = arith.addi %mul3A_46, %add3A_117 : i32
        %mul3A_119 = arith.constant 120 : i32
        %mul3A_120 = arith.muli %add3A_118, %mul3A_119 : i32
        %add3A_121 = arith.addi %mul3A_2, %mul3A_120 : i32
        %dma_start3A_122 = tpu.memref_slice %arg4[%add3A_121] : memref<330240xi32, #tpu.memory_space<hbm>> -> memref<120xi32, #tpu.memory_space<hbm>>
        %dma_start3A_123 = tpu.memref_slice %arg4[%add3A_121] : memref<330240xi32, #tpu.memory_space<hbm>> -> memref<120xi32, #tpu.memory_space<hbm>>
        tpu.enqueue_dma source(%dma_start3A_123 : memref<120xi32, #tpu.memory_space<hbm>>) target(%arg9 : memref<120xi32, #tpu.memory_space<vmem>>) target_semaphore(%arg19 : memref<!tpu.dma_semaphore, #tpu.memory_space<semaphore_mem>>)
      } else {
      }
      %add3A_66 = arith.constant 2 : i32
      %add3A_67 = arith.addi %mul3A_46, %add3A_66 : i32
      %lt3A_68 = arith.constant 86 : i32
      %lt3A_69 = arith.cmpi slt, %add3A_67, %lt3A_68 : i32
      %convert_element_type3A_70 = arith.extui %lt3A_69 : i1 to i32
      %cond3A_71 = arith.constant 0 : i32
      %cond3A_72 = arith.cmpi ne, %convert_element_type3A_70, %cond3A_71 : i32
      scf.if %cond3A_72 {
        %add3A_107 = arith.constant 2 : i32
        %add3A_108 = arith.addi %mul3A_46, %add3A_107 : i32
        %mul3A_109 = arith.constant 120 : i32
        %mul3A_110 = arith.muli %add3A_108, %mul3A_109 : i32
        %add3A_111 = arith.addi %mul3A_2, %mul3A_110 : i32
        %dma_start3A_112 = tpu.memref_slice %arg3[%add3A_111] : memref<330240xi32, #tpu.memory_space<hbm>> -> memref<120xi32, #tpu.memory_space<hbm>>
        %dma_start3A_113 = tpu.memref_slice %arg3[%add3A_111] : memref<330240xi32, #tpu.memory_space<hbm>> -> memref<120xi32, #tpu.memory_space<hbm>>
        tpu.enqueue_dma source(%dma_start3A_113 : memref<120xi32, #tpu.memory_space<hbm>>) target(%arg6 : memref<120xi32, #tpu.memory_space<vmem>>) target_semaphore(%arg16 : memref<!tpu.dma_semaphore, #tpu.memory_space<semaphore_mem>>)
      } else {
      }
      %mul3A_73 = arith.constant 2 : i32
      %mul3A_74 = arith.muli %scan3A_44, %mul3A_73 : i32
      %add3A_75 = arith.constant 1 : i32
      %add3A_76 = arith.addi %mul3A_74, %add3A_75 : i32
      %dma_wait3A_77 = arith.constant 0 : i32
      %dma_wait3A_78 = arith.constant 0 : i32
      %dma_wait3A_79 = tpu.memref_slice %arg2[%dma_wait3A_77, %dma_wait3A_78] : memref<10000x128xf32, #tpu.memory_space<hbm>> -> memref<10000x128xf32, #tpu.memory_space<hbm>>
      tpu.wait_indirect_dma semaphore(%arg13 : memref<!tpu.dma_semaphore, #tpu.memory_space<semaphore_mem>>) src(%dma_wait3A_79 : memref<10000x128xf32, #tpu.memory_space<hbm>>) dst(%arg11 : memref<120x128xf32, #tpu.memory_space<vmem>>)
      %mul3A_80 = arith.constant 120 : i32
      %mul3A_81 = arith.muli %add3A_76, %mul3A_80 : i32
      %add3A_82 = arith.addi %mul3A_2, %mul3A_81 : i32
      %dma_wait3A_83 = tpu.memref_slice %arg4[%add3A_82] : memref<330240xi32, #tpu.memory_space<hbm>> -> memref<120xi32, #tpu.memory_space<hbm>>
      %dma_wait3A_84 = tpu.memref_slice %arg4[%add3A_82] : memref<330240xi32, #tpu.memory_space<hbm>> -> memref<120xi32, #tpu.memory_space<hbm>>
      tpu.wait_dma2 semaphore(%arg19 : memref<!tpu.dma_semaphore, #tpu.memory_space<semaphore_mem>>) src(%dma_wait3A_84 : memref<120xi32, #tpu.memory_space<hbm>>) dst(%arg9 : memref<120xi32, #tpu.memory_space<vmem>>)
      %dma_start3A_85 = arith.constant 0 : i32
      %dma_start3A_86 = arith.constant 0 : i32
      %dma_start3A_87 = tpu.memref_slice %arg20[%dma_start3A_85, %dma_start3A_86] : memref<10112x128xf32, #tpu.memory_space<vmem_shared>> -> memref<10112x128xf32, #tpu.memory_space<vmem_shared>>
      tpu.enqueue_indirect_dma source(%arg11 : memref<120x128xf32, #tpu.memory_space<vmem>>) target(%dma_start3A_87 : memref<10112x128xf32, #tpu.memory_space<vmem_shared>>) offsets(%arg9 : memref<120xi32, #tpu.memory_space<vmem>>) semaphore(%arg15 : memref<!tpu.dma_semaphore, #tpu.memory_space<semaphore_mem>>) {add = true}
      %ge3A_88 = arith.constant 1 : i32
      %ge3A_89 = arith.cmpi sge, %add3A_76, %ge3A_88 : i32
      %convert_element_type3A_90 = arith.extui %ge3A_89 : i1 to i32
      %cond3A_91 = arith.constant 0 : i32
      %cond3A_92 = arith.cmpi ne, %convert_element_type3A_90, %cond3A_91 : i32
      scf.if %cond3A_92 {
        %dma_wait3A_107 = arith.constant 0 : i32
        %dma_wait3A_108 = arith.constant 0 : i32
        %dma_wait3A_109 = tpu.memref_slice %arg20[%dma_wait3A_107, %dma_wait3A_108] : memref<10112x128xf32, #tpu.memory_space<vmem_shared>> -> memref<10112x128xf32, #tpu.memory_space<vmem_shared>>
        tpu.wait_indirect_dma semaphore(%arg14 : memref<!tpu.dma_semaphore, #tpu.memory_space<semaphore_mem>>) src(%arg10 : memref<120x128xf32, #tpu.memory_space<vmem>>) dst(%dma_wait3A_109 : memref<10112x128xf32, #tpu.memory_space<vmem_shared>>)
      } else {
      }
      %add3A_93 = arith.constant 1 : i32
      %add3A_94 = arith.addi %add3A_76, %add3A_93 : i32
      %lt3A_95 = arith.constant 86 : i32
      %lt3A_96 = arith.cmpi slt, %add3A_94, %lt3A_95 : i32
      %convert_element_type3A_97 = arith.extui %lt3A_96 : i1 to i32
      %cond3A_98 = arith.constant 0 : i32
      %cond3A_99 = arith.cmpi ne, %convert_element_type3A_97, %cond3A_98 : i32
      scf.if %cond3A_99 {
        %add3A_107 = arith.constant 1 : i32
        %add3A_108 = arith.addi %add3A_76, %add3A_107 : i32
        %mul3A_109 = arith.constant 120 : i32
        %mul3A_110 = arith.muli %add3A_108, %mul3A_109 : i32
        %add3A_111 = arith.addi %mul3A_2, %mul3A_110 : i32
        %dma_wait3A_112 = tpu.memref_slice %arg3[%add3A_111] : memref<330240xi32, #tpu.memory_space<hbm>> -> memref<120xi32, #tpu.memory_space<hbm>>
        %dma_wait3A_113 = tpu.memref_slice %arg3[%add3A_111] : memref<330240xi32, #tpu.memory_space<hbm>> -> memref<120xi32, #tpu.memory_space<hbm>>
        tpu.wait_dma2 semaphore(%arg16 : memref<!tpu.dma_semaphore, #tpu.memory_space<semaphore_mem>>) src(%dma_wait3A_113 : memref<120xi32, #tpu.memory_space<hbm>>) dst(%arg6 : memref<120xi32, #tpu.memory_space<vmem>>)
        %dma_start3A_114 = arith.constant 0 : i32
        %dma_start3A_115 = arith.constant 0 : i32
        %dma_start3A_116 = tpu.memref_slice %arg2[%dma_start3A_114, %dma_start3A_115] : memref<10000x128xf32, #tpu.memory_space<hbm>> -> memref<10000x128xf32, #tpu.memory_space<hbm>>
        tpu.enqueue_indirect_dma source(%dma_start3A_116 : memref<10000x128xf32, #tpu.memory_space<hbm>>) target(%arg10 : memref<120x128xf32, #tpu.memory_space<vmem>>) offsets(%arg6 : memref<120xi32, #tpu.memory_space<vmem>>) semaphore(%arg12 : memref<!tpu.dma_semaphore, #tpu.memory_space<semaphore_mem>>)
        %add3A_117 = arith.constant 1 : i32
        %add3A_118 = arith.addi %add3A_76, %add3A_117 : i32
        %mul3A_119 = arith.constant 120 : i32
        %mul3A_120 = arith.muli %add3A_118, %mul3A_119 : i32
        %add3A_121 = arith.addi %mul3A_2, %mul3A_120 : i32
        %dma_start3A_122 = tpu.memref_slice %arg4[%add3A_121] : memref<330240xi32, #tpu.memory_space<hbm>> -> memref<120xi32, #tpu.memory_space<hbm>>
        %dma_start3A_123 = tpu.memref_slice %arg4[%add3A_121] : memref<330240xi32, #tpu.memory_space<hbm>> -> memref<120xi32, #tpu.memory_space<hbm>>
        tpu.enqueue_dma source(%dma_start3A_123 : memref<120xi32, #tpu.memory_space<hbm>>) target(%arg8 : memref<120xi32, #tpu.memory_space<vmem>>) target_semaphore(%arg18 : memref<!tpu.dma_semaphore, #tpu.memory_space<semaphore_mem>>)
      } else {
      }
      %add3A_100 = arith.constant 2 : i32
      %add3A_101 = arith.addi %add3A_76, %add3A_100 : i32
      %lt3A_102 = arith.constant 86 : i32
      %lt3A_103 = arith.cmpi slt, %add3A_101, %lt3A_102 : i32
      %convert_element_type3A_104 = arith.extui %lt3A_103 : i1 to i32
      %cond3A_105 = arith.constant 0 : i32
      %cond3A_106 = arith.cmpi ne, %convert_element_type3A_104, %cond3A_105 : i32
      scf.if %cond3A_106 {
        %add3A_107 = arith.constant 2 : i32
        %add3A_108 = arith.addi %add3A_76, %add3A_107 : i32
        %mul3A_109 = arith.constant 120 : i32
        %mul3A_110 = arith.muli %add3A_108, %mul3A_109 : i32
        %add3A_111 = arith.addi %mul3A_2, %mul3A_110 : i32
        %dma_start3A_112 = tpu.memref_slice %arg3[%add3A_111] : memref<330240xi32, #tpu.memory_space<hbm>> -> memref<120xi32, #tpu.memory_space<hbm>>
        %dma_start3A_113 = tpu.memref_slice %arg3[%add3A_111] : memref<330240xi32, #tpu.memory_space<hbm>> -> memref<120xi32, #tpu.memory_space<hbm>>
        tpu.enqueue_dma source(%dma_start3A_113 : memref<120xi32, #tpu.memory_space<hbm>>) target(%arg7 : memref<120xi32, #tpu.memory_space<vmem>>) target_semaphore(%arg17 : memref<!tpu.dma_semaphore, #tpu.memory_space<semaphore_mem>>)
      } else {
      }
    }
    %scan3A_40 = arith.constant 43 : i32
    %dma_wait3A = arith.constant 0 : i32
    %dma_wait3A_41 = arith.constant 0 : i32
    %dma_wait3A_42 = tpu.memref_slice %arg20[%dma_wait3A, %dma_wait3A_41] : memref<10112x128xf32, #tpu.memory_space<vmem_shared>> -> memref<10112x128xf32, #tpu.memory_space<vmem_shared>>
    tpu.wait_indirect_dma semaphore(%arg15 : memref<!tpu.dma_semaphore, #tpu.memory_space<semaphore_mem>>) src(%arg11 : memref<120x128xf32, #tpu.memory_space<vmem>>) dst(%dma_wait3A_42 : memref<10112x128xf32, #tpu.memory_space<vmem_shared>>)
    %barrier3A_43 = arith.constant 0 : index
    tpu.barrier barrier_id(%barrier3A_43)
    "tpu.region"() ({
      %run_scoped3A = tpu.sem_alloc : memref<!tpu.dma_semaphore, #tpu.memory_space<semaphore_mem>>
      %dma_start3A_44 = arith.constant 0 : i32
      %dma_start3A_45 = tpu.memref_slice %arg5[%arg0, %mul3A_9, %dma_start3A_44] : memref<2x10112x128xf32, #tpu.memory_space<hbm>> -> memref<1x632x128xf32, #tpu.memory_space<hbm>>
      %dma_start3A_46 = tpu.memref_squeeze %dma_start3A_45 : memref<1x632x128xf32, #tpu.memory_space<hbm>> -> memref<632x128xf32, #tpu.memory_space<hbm>>
      %dma_start3A_47 = arith.constant 0 : i32
      %dma_start3A_48 = tpu.memref_slice %arg20[%mul3A_9, %dma_start3A_47] : memref<10112x128xf32, #tpu.memory_space<vmem_shared>> -> memref<632x128xf32, #tpu.memory_space<vmem_shared>>
      tpu.enqueue_dma source(%dma_start3A_48 : memref<632x128xf32, #tpu.memory_space<vmem_shared>>) target(%dma_start3A_46 : memref<632x128xf32, #tpu.memory_space<hbm>>) target_semaphore(%run_scoped3A : memref<!tpu.dma_semaphore, #tpu.memory_space<semaphore_mem>>)
      %dma_wait3A_49 = arith.constant 0 : i32
      %dma_wait3A_50 = tpu.memref_slice %arg5[%arg0, %mul3A_9, %dma_wait3A_49] : memref<2x10112x128xf32, #tpu.memory_space<hbm>> -> memref<1x632x128xf32, #tpu.memory_space<hbm>>
      %dma_wait3A_51 = tpu.memref_squeeze %dma_wait3A_50 : memref<1x632x128xf32, #tpu.memory_space<hbm>> -> memref<632x128xf32, #tpu.memory_space<hbm>>
      %dma_wait3A_52 = arith.constant 0 : i32
      %dma_wait3A_53 = tpu.memref_slice %arg20[%mul3A_9, %dma_wait3A_52] : memref<10112x128xf32, #tpu.memory_space<vmem_shared>> -> memref<632x128xf32, #tpu.memory_space<vmem_shared>>
      tpu.wait_dma2 semaphore(%run_scoped3A : memref<!tpu.dma_semaphore, #tpu.memory_space<semaphore_mem>>) src(%dma_wait3A_53 : memref<632x128xf32, #tpu.memory_space<vmem_shared>>) dst(%dma_wait3A_51 : memref<632x128xf32, #tpu.memory_space<hbm>>)
      tpu.yield
    }) : () -> ()
    return
  }
}

#map = affine_map<(d0, d1) -> (0, 0)>
#map1 = affine_map<(d0, d1) -> (0)>
#map2 = affine_map<(d0, d1) -> (0, 0, 0)>
module attributes {stable_mosaic.version = 14 : i64} {
  func.func @_sc_aggregate(%arg0: i32, %arg1: i32, %arg2: memref<10000x128xf32, #tpu.memory_space<hbm>>, %arg3: memref<330240xi32, #tpu.memory_space<hbm>>, %arg4: memref<330240xi32, #tpu.memory_space<hbm>>, %arg5: memref<2x10112x128xf32, #tpu.memory_space<hbm>>, %arg6: memref<120xi32, #tpu.memory_space<vmem>>, %arg7: memref<120xi32, #tpu.memory_space<vmem>>, %arg8: memref<120xi32, #tpu.memory_space<vmem>>, %arg9: memref<120xi32, #tpu.memory_space<vmem>>, %arg10: memref<120x128xf32, #tpu.memory_space<vmem>>, %arg11: memref<120x128xf32, #tpu.memory_space<vmem>>, %arg12: memref<!tpu.dma_semaphore, #tpu.memory_space<semaphore_mem>>, %arg13: memref<!tpu.dma_semaphore, #tpu.memory_space<semaphore_mem>>, %arg14: memref<!tpu.dma_semaphore, #tpu.memory_space<semaphore_mem>>, %arg15: memref<!tpu.dma_semaphore, #tpu.memory_space<semaphore_mem>>, %arg16: memref<!tpu.dma_semaphore, #tpu.memory_space<semaphore_mem>>, %arg17: memref<!tpu.dma_semaphore, #tpu.memory_space<semaphore_mem>>, %arg18: memref<!tpu.dma_semaphore, #tpu.memory_space<semaphore_mem>>, %arg19: memref<!tpu.dma_semaphore, #tpu.memory_space<semaphore_mem>>, %arg20: memref<10112x128xf32, #tpu.memory_space<vmem_shared>>) attributes {dimension_semantics = [#tpu.dimension_semantics<core_parallel>, #tpu.dimension_semantics<subcore_parallel>], iteration_bounds = array<i64: 2, 16>, scalar_prefetch = 0 : i64, scratch_operands = 15 : i64, tpu.core_type = #tpu.core_type<sc_vector_subcore>, window_params = [{transform_indices = #map}, {transform_indices = #map1}, {transform_indices = #map1}, {transform_indices = #map2}]} {
    %mul3A = arith.constant 16 : i32
    %mul3A_0 = arith.muli %arg0, %mul3A : i32
    %add3A = arith.addi %mul3A_0, %arg1 : i32
    %mul3A_1 = arith.constant 10320 : i32
    %mul3A_2 = arith.muli %add3A, %mul3A_1 : i32
    %scan3A = arith.constant 0 : i32
    %scan3A_3 = arith.constant 0 : i32
    %scan3A_4 = arith.constant 960 : i32
    %scan3A_5 = arith.addi %scan3A_3, %scan3A_4 : i32
    %scan3A_6 = arith.constant 1 : i32
    scf.for %scan3A_44 = %scan3A_3 to %scan3A_5 step %scan3A_6  : i32 {
      %broadcast_in_dim3A = arith.constant 0.000000e+00 : f32
      %broadcast_in_dim3A_45 = vector.broadcast %broadcast_in_dim3A : f32 to vector<16xf32>
      %jit3A = arith.constant 8 : i32
      %div3A = arith.divsi %scan3A_44, %jit3A : i32
      %sign3A = arith.constant 0 : i32
      %sign3A_46 = arith.cmpi sgt, %scan3A_44, %sign3A : i32
      %sign3A_47 = arith.extui %sign3A_46 : i1 to i32
      %sign3A_48 = arith.constant 0 : i32
      %sign3A_49 = arith.cmpi slt, %scan3A_44, %sign3A_48 : i32
      %sign3A_50 = arith.extui %sign3A_49 : i1 to i32
      %sign3A_51 = arith.subi %sign3A_47, %sign3A_50 : i32
      %sign3A_52 = arith.constant 0 : i32
      %sign3A_53 = arith.cmpi sgt, %jit3A, %sign3A_52 : i32
      %sign3A_54 = arith.extui %sign3A_53 : i1 to i32
      %sign3A_55 = arith.constant 0 : i32
      %sign3A_56 = arith.cmpi slt, %jit3A, %sign3A_55 : i32
      %sign3A_57 = arith.extui %sign3A_56 : i1 to i32
      %sign3A_58 = arith.subi %sign3A_54, %sign3A_57 : i32
      %ne3A = arith.cmpi ne, %sign3A_51, %sign3A_58 : i32
      %rem3A = arith.remsi %scan3A_44, %jit3A : i32
      %ne3A_59 = arith.constant 0 : i32
      %ne3A_60 = arith.cmpi ne, %rem3A, %ne3A_59 : i32
      %and3A = arith.andi %ne3A, %ne3A_60 : i1
      %sub3A_61 = arith.constant 1 : i32
      %sub3A_62 = arith.subi %div3A, %sub3A_61 : i32
      %select_n3A = arith.select %and3A, %sub3A_62, %div3A : i32
      %jit3A_63 = arith.constant 8 : i32
      %eq3A = arith.constant 0 : i32
      %eq3A_64 = arith.cmpi eq, %jit3A_63, %eq3A : i32
      %jit3A_65 = arith.constant 1 : i32
      %select_n3A_66 = arith.select %eq3A_64, %jit3A_65, %jit3A_63 : i32
      %rem3A_67 = arith.remsi %scan3A_44, %select_n3A_66 : i32
      %ne3A_68 = arith.constant 0 : i32
      %ne3A_69 = arith.cmpi ne, %rem3A_67, %ne3A_68 : i32
      %lt3A = arith.constant 0 : i32
      %lt3A_70 = arith.cmpi slt, %rem3A_67, %lt3A : i32
      %lt3A_71 = arith.constant 0 : i32
      %lt3A_72 = arith.cmpi slt, %select_n3A_66, %lt3A_71 : i32
      %ne3A_73 = arith.xori %lt3A_70, %lt3A_72 : i1
      %and3A_74 = arith.andi %ne3A_73, %ne3A_69 : i1
      %add3A_75 = arith.addi %rem3A_67, %select_n3A_66 : i32
      %select_n3A_76 = arith.select %and3A_74, %add3A_75, %rem3A_67 : i32
      %mul3A_77 = arith.constant 16 : i32
      %mul3A_78 = arith.muli %select_n3A_76, %mul3A_77 : i32
      %swap3A = arith.index_cast %select_n3A : i32 to index
      %swap3A_79 = arith.index_cast %mul3A_78 : i32 to index
      %swap3A_80 = tpu.vector_load %arg10[%swap3A, %swap3A_79] {strides = array<i32>} : memref<120x128xf32, #tpu.memory_space<vmem>>, vector<1x16xf32>,
      %swap3A_81 = vector.shape_cast %swap3A_80 : vector<1x16xf32> to vector<16xf32>
      %swap3A_82 = vector.shape_cast %broadcast_in_dim3A_45 : vector<16xf32> to vector<1x16xf32>
      tpu.vector_store %arg10[%swap3A, %swap3A_79], %swap3A_82 {strides = array<i32>} : memref<120x128xf32, #tpu.memory_space<vmem>>, vector<1x16xf32>,
    }
    %scan3A_7 = arith.constant 960 : i32
    %mul3A_8 = arith.constant 632 : i32
    %mul3A_9 = arith.muli %arg1, %mul3A_8 : i32
    %add3A_10 = arith.constant 0 : i32
    %add3A_11 = arith.addi %mul3A_9, %add3A_10 : i32
    "tpu.region"() ({
      %run_scoped3A = tpu.sem_alloc : memref<!tpu.dma_semaphore, #tpu.memory_space<semaphore_mem>>
      %dma_start3A_44 = arith.constant 0 : i32
      %dma_start3A_45 = tpu.memref_slice %arg20[%add3A_11, %dma_start3A_44] : memref<10112x128xf32, #tpu.memory_space<vmem_shared>> -> memref<120x128xf32, #tpu.memory_space<vmem_shared>>
      %dma_start3A_46 = arith.constant 0 : i32
      %dma_start3A_47 = tpu.memref_slice %arg20[%add3A_11, %dma_start3A_46] : memref<10112x128xf32, #tpu.memory_space<vmem_shared>> -> memref<120x128xf32, #tpu.memory_space<vmem_shared>>
      tpu.enqueue_dma source(%arg10 : memref<120x128xf32, #tpu.memory_space<vmem>>) target(%dma_start3A_47 : memref<120x128xf32, #tpu.memory_space<vmem_shared>>) target_semaphore(%run_scoped3A : memref<!tpu.dma_semaphore, #tpu.memory_space<semaphore_mem>>)
      %dma_wait3A_48 = arith.constant 0 : i32
      %dma_wait3A_49 = tpu.memref_slice %arg20[%add3A_11, %dma_wait3A_48] : memref<10112x128xf32, #tpu.memory_space<vmem_shared>> -> memref<120x128xf32, #tpu.memory_space<vmem_shared>>
      %dma_wait3A_50 = arith.constant 0 : i32
      %dma_wait3A_51 = tpu.memref_slice %arg20[%add3A_11, %dma_wait3A_50] : memref<10112x128xf32, #tpu.memory_space<vmem_shared>> -> memref<120x128xf32, #tpu.memory_space<vmem_shared>>
      tpu.wait_dma2 semaphore(%run_scoped3A : memref<!tpu.dma_semaphore, #tpu.memory_space<semaphore_mem>>) src(%arg10 : memref<120x128xf32, #tpu.memory_space<vmem>>) dst(%dma_wait3A_51 : memref<120x128xf32, #tpu.memory_space<vmem_shared>>)
      tpu.yield
    }) : () -> ()
    %add3A_12 = arith.constant 120 : i32
    %add3A_13 = arith.addi %mul3A_9, %add3A_12 : i32
    "tpu.region"() ({
      %run_scoped3A = tpu.sem_alloc : memref<!tpu.dma_semaphore, #tpu.memory_space<semaphore_mem>>
      %dma_start3A_44 = arith.constant 0 : i32
      %dma_start3A_45 = tpu.memref_slice %arg20[%add3A_13, %dma_start3A_44] : memref<10112x128xf32, #tpu.memory_space<vmem_shared>> -> memref<120x128xf32, #tpu.memory_space<vmem_shared>>
      %dma_start3A_46 = arith.constant 0 : i32
      %dma_start3A_47 = tpu.memref_slice %arg20[%add3A_13, %dma_start3A_46] : memref<10112x128xf32, #tpu.memory_space<vmem_shared>> -> memref<120x128xf32, #tpu.memory_space<vmem_shared>>
      tpu.enqueue_dma source(%arg10 : memref<120x128xf32, #tpu.memory_space<vmem>>) target(%dma_start3A_47 : memref<120x128xf32, #tpu.memory_space<vmem_shared>>) target_semaphore(%run_scoped3A : memref<!tpu.dma_semaphore, #tpu.memory_space<semaphore_mem>>)
      %dma_wait3A_48 = arith.constant 0 : i32
      %dma_wait3A_49 = tpu.memref_slice %arg20[%add3A_13, %dma_wait3A_48] : memref<10112x128xf32, #tpu.memory_space<vmem_shared>> -> memref<120x128xf32, #tpu.memory_space<vmem_shared>>
      %dma_wait3A_50 = arith.constant 0 : i32
      %dma_wait3A_51 = tpu.memref_slice %arg20[%add3A_13, %dma_wait3A_50] : memref<10112x128xf32, #tpu.memory_space<vmem_shared>> -> memref<120x128xf32, #tpu.memory_space<vmem_shared>>
      tpu.wait_dma2 semaphore(%run_scoped3A : memref<!tpu.dma_semaphore, #tpu.memory_space<semaphore_mem>>) src(%arg10 : memref<120x128xf32, #tpu.memory_space<vmem>>) dst(%dma_wait3A_51 : memref<120x128xf32, #tpu.memory_space<vmem_shared>>)
      tpu.yield
    }) : () -> ()
    %add3A_14 = arith.constant 240 : i32
    %add3A_15 = arith.addi %mul3A_9, %add3A_14 : i32
    "tpu.region"() ({
      %run_scoped3A = tpu.sem_alloc : memref<!tpu.dma_semaphore, #tpu.memory_space<semaphore_mem>>
      %dma_start3A_44 = arith.constant 0 : i32
      %dma_start3A_45 = tpu.memref_slice %arg20[%add3A_15, %dma_start3A_44] : memref<10112x128xf32, #tpu.memory_space<vmem_shared>> -> memref<120x128xf32, #tpu.memory_space<vmem_shared>>
      %dma_start3A_46 = arith.constant 0 : i32
      %dma_start3A_47 = tpu.memref_slice %arg20[%add3A_15, %dma_start3A_46] : memref<10112x128xf32, #tpu.memory_space<vmem_shared>> -> memref<120x128xf32, #tpu.memory_space<vmem_shared>>
      tpu.enqueue_dma source(%arg10 : memref<120x128xf32, #tpu.memory_space<vmem>>) target(%dma_start3A_47 : memref<120x128xf32, #tpu.memory_space<vmem_shared>>) target_semaphore(%run_scoped3A : memref<!tpu.dma_semaphore, #tpu.memory_space<semaphore_mem>>)
      %dma_wait3A_48 = arith.constant 0 : i32
      %dma_wait3A_49 = tpu.memref_slice %arg20[%add3A_15, %dma_wait3A_48] : memref<10112x128xf32, #tpu.memory_space<vmem_shared>> -> memref<120x128xf32, #tpu.memory_space<vmem_shared>>
      %dma_wait3A_50 = arith.constant 0 : i32
      %dma_wait3A_51 = tpu.memref_slice %arg20[%add3A_15, %dma_wait3A_50] : memref<10112x128xf32, #tpu.memory_space<vmem_shared>> -> memref<120x128xf32, #tpu.memory_space<vmem_shared>>
      tpu.wait_dma2 semaphore(%run_scoped3A : memref<!tpu.dma_semaphore, #tpu.memory_space<semaphore_mem>>) src(%arg10 : memref<120x128xf32, #tpu.memory_space<vmem>>) dst(%dma_wait3A_51 : memref<120x128xf32, #tpu.memory_space<vmem_shared>>)
      tpu.yield
    }) : () -> ()
    %add3A_16 = arith.constant 360 : i32
    %add3A_17 = arith.addi %mul3A_9, %add3A_16 : i32
    "tpu.region"() ({
      %run_scoped3A = tpu.sem_alloc : memref<!tpu.dma_semaphore, #tpu.memory_space<semaphore_mem>>
      %dma_start3A_44 = arith.constant 0 : i32
      %dma_start3A_45 = tpu.memref_slice %arg20[%add3A_17, %dma_start3A_44] : memref<10112x128xf32, #tpu.memory_space<vmem_shared>> -> memref<120x128xf32, #tpu.memory_space<vmem_shared>>
      %dma_start3A_46 = arith.constant 0 : i32
      %dma_start3A_47 = tpu.memref_slice %arg20[%add3A_17, %dma_start3A_46] : memref<10112x128xf32, #tpu.memory_space<vmem_shared>> -> memref<120x128xf32, #tpu.memory_space<vmem_shared>>
      tpu.enqueue_dma source(%arg10 : memref<120x128xf32, #tpu.memory_space<vmem>>) target(%dma_start3A_47 : memref<120x128xf32, #tpu.memory_space<vmem_shared>>) target_semaphore(%run_scoped3A : memref<!tpu.dma_semaphore, #tpu.memory_space<semaphore_mem>>)
      %dma_wait3A_48 = arith.constant 0 : i32
      %dma_wait3A_49 = tpu.memref_slice %arg20[%add3A_17, %dma_wait3A_48] : memref<10112x128xf32, #tpu.memory_space<vmem_shared>> -> memref<120x128xf32, #tpu.memory_space<vmem_shared>>
      %dma_wait3A_50 = arith.constant 0 : i32
      %dma_wait3A_51 = tpu.memref_slice %arg20[%add3A_17, %dma_wait3A_50] : memref<10112x128xf32, #tpu.memory_space<vmem_shared>> -> memref<120x128xf32, #tpu.memory_space<vmem_shared>>
      tpu.wait_dma2 semaphore(%run_scoped3A : memref<!tpu.dma_semaphore, #tpu.memory_space<semaphore_mem>>) src(%arg10 : memref<120x128xf32, #tpu.memory_space<vmem>>) dst(%dma_wait3A_51 : memref<120x128xf32, #tpu.memory_space<vmem_shared>>)
      tpu.yield
    }) : () -> ()
    %add3A_18 = arith.constant 480 : i32
    %add3A_19 = arith.addi %mul3A_9, %add3A_18 : i32
    "tpu.region"() ({
      %run_scoped3A = tpu.sem_alloc : memref<!tpu.dma_semaphore, #tpu.memory_space<semaphore_mem>>
      %dma_start3A_44 = arith.constant 0 : i32
      %dma_start3A_45 = tpu.memref_slice %arg20[%add3A_19, %dma_start3A_44] : memref<10112x128xf32, #tpu.memory_space<vmem_shared>> -> memref<120x128xf32, #tpu.memory_space<vmem_shared>>
      %dma_start3A_46 = arith.constant 0 : i32
      %dma_start3A_47 = tpu.memref_slice %arg20[%add3A_19, %dma_start3A_46] : memref<10112x128xf32, #tpu.memory_space<vmem_shared>> -> memref<120x128xf32, #tpu.memory_space<vmem_shared>>
      tpu.enqueue_dma source(%arg10 : memref<120x128xf32, #tpu.memory_space<vmem>>) target(%dma_start3A_47 : memref<120x128xf32, #tpu.memory_space<vmem_shared>>) target_semaphore(%run_scoped3A : memref<!tpu.dma_semaphore, #tpu.memory_space<semaphore_mem>>)
      %dma_wait3A_48 = arith.constant 0 : i32
      %dma_wait3A_49 = tpu.memref_slice %arg20[%add3A_19, %dma_wait3A_48] : memref<10112x128xf32, #tpu.memory_space<vmem_shared>> -> memref<120x128xf32, #tpu.memory_space<vmem_shared>>
      %dma_wait3A_50 = arith.constant 0 : i32
      %dma_wait3A_51 = tpu.memref_slice %arg20[%add3A_19, %dma_wait3A_50] : memref<10112x128xf32, #tpu.memory_space<vmem_shared>> -> memref<120x128xf32, #tpu.memory_space<vmem_shared>>
      tpu.wait_dma2 semaphore(%run_scoped3A : memref<!tpu.dma_semaphore, #tpu.memory_space<semaphore_mem>>) src(%arg10 : memref<120x128xf32, #tpu.memory_space<vmem>>) dst(%dma_wait3A_51 : memref<120x128xf32, #tpu.memory_space<vmem_shared>>)
      tpu.yield
    }) : () -> ()
    %add3A_20 = arith.constant 632 : i32
    %add3A_21 = arith.addi %mul3A_9, %add3A_20 : i32
    %sub3A = arith.constant 32 : i32
    %sub3A_22 = arith.subi %add3A_21, %sub3A : i32
    "tpu.region"() ({
      %run_scoped3A = tpu.sem_alloc : memref<!tpu.dma_semaphore, #tpu.memory_space<semaphore_mem>>
      %dma_start3A_44 = arith.constant 0 : i32
      %dma_start3A_45 = arith.constant 0 : i32
      %dma_start3A_46 = tpu.memref_slice %arg10[%dma_start3A_44, %dma_start3A_45] : memref<120x128xf32, #tpu.memory_space<vmem>> -> memref<32x128xf32, #tpu.memory_space<vmem>>
      %dma_start3A_47 = arith.constant 0 : i32
      %dma_start3A_48 = tpu.memref_slice %arg20[%sub3A_22, %dma_start3A_47] : memref<10112x128xf32, #tpu.memory_space<vmem_shared>> -> memref<32x128xf32, #tpu.memory_space<vmem_shared>>
      %dma_start3A_49 = arith.constant 0 : i32
      %dma_start3A_50 = tpu.memref_slice %arg20[%sub3A_22, %dma_start3A_49] : memref<10112x128xf32, #tpu.memory_space<vmem_shared>> -> memref<32x128xf32, #tpu.memory_space<vmem_shared>>
      %dma_start3A_51 = arith.constant 0 : i32
      %dma_start3A_52 = arith.constant 0 : i32
      %dma_start3A_53 = tpu.memref_slice %arg10[%dma_start3A_51, %dma_start3A_52] : memref<120x128xf32, #tpu.memory_space<vmem>> -> memref<32x128xf32, #tpu.memory_space<vmem>>
      tpu.enqueue_dma source(%dma_start3A_53 : memref<32x128xf32, #tpu.memory_space<vmem>>) target(%dma_start3A_50 : memref<32x128xf32, #tpu.memory_space<vmem_shared>>) target_semaphore(%run_scoped3A : memref<!tpu.dma_semaphore, #tpu.memory_space<semaphore_mem>>)
      %dma_wait3A_54 = arith.constant 0 : i32
      %dma_wait3A_55 = arith.constant 0 : i32
      %dma_wait3A_56 = tpu.memref_slice %arg10[%dma_wait3A_54, %dma_wait3A_55] : memref<120x128xf32, #tpu.memory_space<vmem>> -> memref<32x128xf32, #tpu.memory_space<vmem>>
      %dma_wait3A_57 = arith.constant 0 : i32
      %dma_wait3A_58 = tpu.memref_slice %arg20[%sub3A_22, %dma_wait3A_57] : memref<10112x128xf32, #tpu.memory_space<vmem_shared>> -> memref<32x128xf32, #tpu.memory_space<vmem_shared>>
      %dma_wait3A_59 = arith.constant 0 : i32
      %dma_wait3A_60 = tpu.memref_slice %arg20[%sub3A_22, %dma_wait3A_59] : memref<10112x128xf32, #tpu.memory_space<vmem_shared>> -> memref<32x128xf32, #tpu.memory_space<vmem_shared>>
      %dma_wait3A_61 = arith.constant 0 : i32
      %dma_wait3A_62 = arith.constant 0 : i32
      %dma_wait3A_63 = tpu.memref_slice %arg10[%dma_wait3A_61, %dma_wait3A_62] : memref<120x128xf32, #tpu.memory_space<vmem>> -> memref<32x128xf32, #tpu.memory_space<vmem>>
      tpu.wait_dma2 semaphore(%run_scoped3A : memref<!tpu.dma_semaphore, #tpu.memory_space<semaphore_mem>>) src(%dma_wait3A_63 : memref<32x128xf32, #tpu.memory_space<vmem>>) dst(%dma_wait3A_60 : memref<32x128xf32, #tpu.memory_space<vmem_shared>>)
      tpu.yield
    }) : () -> ()
    %barrier3A = arith.constant 0 : index
    tpu.barrier barrier_id(%barrier3A)
    %add3A_23 = arith.constant 0 : i32
    %add3A_24 = arith.addi %mul3A_2, %add3A_23 : i32
    "tpu.region"() ({
      %run_scoped3A = tpu.sem_alloc : memref<!tpu.dma_semaphore, #tpu.memory_space<semaphore_mem>>
      %dma_start3A_44 = tpu.memref_slice %arg3[%add3A_24] : memref<330240xi32, #tpu.memory_space<hbm>> -> memref<120xi32, #tpu.memory_space<hbm>>
      %dma_start3A_45 = tpu.memref_slice %arg3[%add3A_24] : memref<330240xi32, #tpu.memory_space<hbm>> -> memref<120xi32, #tpu.memory_space<hbm>>
      tpu.enqueue_dma source(%dma_start3A_45 : memref<120xi32, #tpu.memory_space<hbm>>) target(%arg6 : memref<120xi32, #tpu.memory_space<vmem>>) target_semaphore(%run_scoped3A : memref<!tpu.dma_semaphore, #tpu.memory_space<semaphore_mem>>)
      %dma_wait3A_46 = tpu.memref_slice %arg3[%add3A_24] : memref<330240xi32, #tpu.memory_space<hbm>> -> memref<120xi32, #tpu.memory_space<hbm>>
      %dma_wait3A_47 = tpu.memref_slice %arg3[%add3A_24] : memref<330240xi32, #tpu.memory_space<hbm>> -> memref<120xi32, #tpu.memory_space<hbm>>
      tpu.wait_dma2 semaphore(%run_scoped3A : memref<!tpu.dma_semaphore, #tpu.memory_space<semaphore_mem>>) src(%dma_wait3A_47 : memref<120xi32, #tpu.memory_space<hbm>>) dst(%arg6 : memref<120xi32, #tpu.memory_space<vmem>>)
      tpu.yield
    }) : () -> ()
    %dma_start3A = arith.constant 0 : i32
    %dma_start3A_25 = arith.constant 0 : i32
    %dma_start3A_26 = tpu.memref_slice %arg2[%dma_start3A, %dma_start3A_25] : memref<10000x128xf32, #tpu.memory_space<hbm>> -> memref<10000x128xf32, #tpu.memory_space<hbm>>
    tpu.enqueue_indirect_dma source(%dma_start3A_26 : memref<10000x128xf32, #tpu.memory_space<hbm>>) target(%arg10 : memref<120x128xf32, #tpu.memory_space<vmem>>) offsets(%arg6 : memref<120xi32, #tpu.memory_space<vmem>>) semaphore(%arg12 : memref<!tpu.dma_semaphore, #tpu.memory_space<semaphore_mem>>)
    %add3A_27 = arith.constant 0 : i32
    %add3A_28 = arith.addi %mul3A_2, %add3A_27 : i32
    %dma_start3A_29 = tpu.memref_slice %arg4[%add3A_28] : memref<330240xi32, #tpu.memory_space<hbm>> -> memref<120xi32, #tpu.memory_space<hbm>>
    %dma_start3A_30 = tpu.memref_slice %arg4[%add3A_28] : memref<330240xi32, #tpu.memory_space<hbm>> -> memref<120xi32, #tpu.memory_space<hbm>>
    tpu.enqueue_dma source(%dma_start3A_30 : memref<120xi32, #tpu.memory_space<hbm>>) target(%arg8 : memref<120xi32, #tpu.memory_space<vmem>>) target_semaphore(%arg18 : memref<!tpu.dma_semaphore, #tpu.memory_space<semaphore_mem>>)
    %add3A_31 = arith.constant 120 : i32
    %add3A_32 = arith.addi %mul3A_2, %add3A_31 : i32
    %dma_start3A_33 = tpu.memref_slice %arg3[%add3A_32] : memref<330240xi32, #tpu.memory_space<hbm>> -> memref<120xi32, #tpu.memory_space<hbm>>
    %dma_start3A_34 = tpu.memref_slice %arg3[%add3A_32] : memref<330240xi32, #tpu.memory_space<hbm>> -> memref<120xi32, #tpu.memory_space<hbm>>
    tpu.enqueue_dma source(%dma_start3A_34 : memref<120xi32, #tpu.memory_space<hbm>>) target(%arg7 : memref<120xi32, #tpu.memory_space<vmem>>) target_semaphore(%arg17 : memref<!tpu.dma_semaphore, #tpu.memory_space<semaphore_mem>>)
    %scan3A_35 = arith.constant 0 : i32
    %scan3A_36 = arith.constant 0 : i32
    %scan3A_37 = arith.constant 43 : i32
    %scan3A_38 = arith.addi %scan3A_36, %scan3A_37 : i32
    %scan3A_39 = arith.constant 1 : i32
    scf.for %scan3A_44 = %scan3A_36 to %scan3A_38 step %scan3A_39  : i32 {
      %mul3A_45 = arith.constant 2 : i32
      %mul3A_46 = arith.muli %scan3A_44, %mul3A_45 : i32
      %dma_wait3A_47 = arith.constant 0 : i32
      %dma_wait3A_48 = arith.constant 0 : i32
      %dma_wait3A_49 = tpu.memref_slice %arg2[%dma_wait3A_47, %dma_wait3A_48] : memref<10000x128xf32, #tpu.memory_space<hbm>> -> memref<10000x128xf32, #tpu.memory_space<hbm>>
      tpu.wait_indirect_dma semaphore(%arg12 : memref<!tpu.dma_semaphore, #tpu.memory_space<semaphore_mem>>) src(%dma_wait3A_49 : memref<10000x128xf32, #tpu.memory_space<hbm>>) dst(%arg10 : memref<120x128xf32, #tpu.memory_space<vmem>>)
      %mul3A_50 = arith.constant 120 : i32
      %mul3A_51 = arith.muli %mul3A_46, %mul3A_50 : i32
      %add3A_52 = arith.addi %mul3A_2, %mul3A_51 : i32
      %dma_wait3A_53 = tpu.memref_slice %arg4[%add3A_52] : memref<330240xi32, #tpu.memory_space<hbm>> -> memref<120xi32, #tpu.memory_space<hbm>>
      %dma_wait3A_54 = tpu.memref_slice %arg4[%add3A_52] : memref<330240xi32, #tpu.memory_space<hbm>> -> memref<120xi32, #tpu.memory_space<hbm>>
      tpu.wait_dma2 semaphore(%arg18 : memref<!tpu.dma_semaphore, #tpu.memory_space<semaphore_mem>>) src(%dma_wait3A_54 : memref<120xi32, #tpu.memory_space<hbm>>) dst(%arg8 : memref<120xi32, #tpu.memory_space<vmem>>)
      %dma_start3A_55 = arith.constant 0 : i32
      %dma_start3A_56 = arith.constant 0 : i32
      %dma_start3A_57 = tpu.memref_slice %arg20[%dma_start3A_55, %dma_start3A_56] : memref<10112x128xf32, #tpu.memory_space<vmem_shared>> -> memref<10112x128xf32, #tpu.memory_space<vmem_shared>>
      tpu.enqueue_indirect_dma source(%arg10 : memref<120x128xf32, #tpu.memory_space<vmem>>) target(%dma_start3A_57 : memref<10112x128xf32, #tpu.memory_space<vmem_shared>>) offsets(%arg8 : memref<120xi32, #tpu.memory_space<vmem>>) semaphore(%arg14 : memref<!tpu.dma_semaphore, #tpu.memory_space<semaphore_mem>>) {add = true}
      %ge3A = arith.constant 1 : i32
      %ge3A_58 = arith.cmpi sge, %mul3A_46, %ge3A : i32
      %convert_element_type3A = arith.extui %ge3A_58 : i1 to i32
      %cond3A = arith.constant 0 : i32
      %cond3A_59 = arith.cmpi ne, %convert_element_type3A, %cond3A : i32
      scf.if %cond3A_59 {
        %dma_wait3A_107 = arith.constant 0 : i32
        %dma_wait3A_108 = arith.constant 0 : i32
        %dma_wait3A_109 = tpu.memref_slice %arg20[%dma_wait3A_107, %dma_wait3A_108] : memref<10112x128xf32, #tpu.memory_space<vmem_shared>> -> memref<10112x128xf32, #tpu.memory_space<vmem_shared>>
        tpu.wait_indirect_dma semaphore(%arg15 : memref<!tpu.dma_semaphore, #tpu.memory_space<semaphore_mem>>) src(%arg11 : memref<120x128xf32, #tpu.memory_space<vmem>>) dst(%dma_wait3A_109 : memref<10112x128xf32, #tpu.memory_space<vmem_shared>>)
      } else {
      }
      %add3A_60 = arith.constant 1 : i32
      %add3A_61 = arith.addi %mul3A_46, %add3A_60 : i32
      %lt3A = arith.constant 86 : i32
      %lt3A_62 = arith.cmpi slt, %add3A_61, %lt3A : i32
      %convert_element_type3A_63 = arith.extui %lt3A_62 : i1 to i32
      %cond3A_64 = arith.constant 0 : i32
      %cond3A_65 = arith.cmpi ne, %convert_element_type3A_63, %cond3A_64 : i32
      scf.if %cond3A_65 {
        %add3A_107 = arith.constant 1 : i32
        %add3A_108 = arith.addi %mul3A_46, %add3A_107 : i32
        %mul3A_109 = arith.constant 120 : i32
        %mul3A_110 = arith.muli %add3A_108, %mul3A_109 : i32
        %add3A_111 = arith.addi %mul3A_2, %mul3A_110 : i32
        %dma_wait3A_112 = tpu.memref_slice %arg3[%add3A_111] : memref<330240xi32, #tpu.memory_space<hbm>> -> memref<120xi32, #tpu.memory_space<hbm>>
        %dma_wait3A_113 = tpu.memref_slice %arg3[%add3A_111] : memref<330240xi32, #tpu.memory_space<hbm>> -> memref<120xi32, #tpu.memory_space<hbm>>
        tpu.wait_dma2 semaphore(%arg17 : memref<!tpu.dma_semaphore, #tpu.memory_space<semaphore_mem>>) src(%dma_wait3A_113 : memref<120xi32, #tpu.memory_space<hbm>>) dst(%arg7 : memref<120xi32, #tpu.memory_space<vmem>>)
        %dma_start3A_114 = arith.constant 0 : i32
        %dma_start3A_115 = arith.constant 0 : i32
        %dma_start3A_116 = tpu.memref_slice %arg2[%dma_start3A_114, %dma_start3A_115] : memref<10000x128xf32, #tpu.memory_space<hbm>> -> memref<10000x128xf32, #tpu.memory_space<hbm>>
        tpu.enqueue_indirect_dma source(%dma_start3A_116 : memref<10000x128xf32, #tpu.memory_space<hbm>>) target(%arg11 : memref<120x128xf32, #tpu.memory_space<vmem>>) offsets(%arg7 : memref<120xi32, #tpu.memory_space<vmem>>) semaphore(%arg13 : memref<!tpu.dma_semaphore, #tpu.memory_space<semaphore_mem>>)
        %add3A_117 = arith.constant 1 : i32
        %add3A_118 = arith.addi %mul3A_46, %add3A_117 : i32
        %mul3A_119 = arith.constant 120 : i32
        %mul3A_120 = arith.muli %add3A_118, %mul3A_119 : i32
        %add3A_121 = arith.addi %mul3A_2, %mul3A_120 : i32
        %dma_start3A_122 = tpu.memref_slice %arg4[%add3A_121] : memref<330240xi32, #tpu.memory_space<hbm>> -> memref<120xi32, #tpu.memory_space<hbm>>
        %dma_start3A_123 = tpu.memref_slice %arg4[%add3A_121] : memref<330240xi32, #tpu.memory_space<hbm>> -> memref<120xi32, #tpu.memory_space<hbm>>
        tpu.enqueue_dma source(%dma_start3A_123 : memref<120xi32, #tpu.memory_space<hbm>>) target(%arg9 : memref<120xi32, #tpu.memory_space<vmem>>) target_semaphore(%arg19 : memref<!tpu.dma_semaphore, #tpu.memory_space<semaphore_mem>>)
      } else {
      }
      %add3A_66 = arith.constant 2 : i32
      %add3A_67 = arith.addi %mul3A_46, %add3A_66 : i32
      %lt3A_68 = arith.constant 86 : i32
      %lt3A_69 = arith.cmpi slt, %add3A_67, %lt3A_68 : i32
      %convert_element_type3A_70 = arith.extui %lt3A_69 : i1 to i32
      %cond3A_71 = arith.constant 0 : i32
      %cond3A_72 = arith.cmpi ne, %convert_element_type3A_70, %cond3A_71 : i32
      scf.if %cond3A_72 {
        %add3A_107 = arith.constant 2 : i32
        %add3A_108 = arith.addi %mul3A_46, %add3A_107 : i32
        %mul3A_109 = arith.constant 120 : i32
        %mul3A_110 = arith.muli %add3A_108, %mul3A_109 : i32
        %add3A_111 = arith.addi %mul3A_2, %mul3A_110 : i32
        %dma_start3A_112 = tpu.memref_slice %arg3[%add3A_111] : memref<330240xi32, #tpu.memory_space<hbm>> -> memref<120xi32, #tpu.memory_space<hbm>>
        %dma_start3A_113 = tpu.memref_slice %arg3[%add3A_111] : memref<330240xi32, #tpu.memory_space<hbm>> -> memref<120xi32, #tpu.memory_space<hbm>>
        tpu.enqueue_dma source(%dma_start3A_113 : memref<120xi32, #tpu.memory_space<hbm>>) target(%arg6 : memref<120xi32, #tpu.memory_space<vmem>>) target_semaphore(%arg16 : memref<!tpu.dma_semaphore, #tpu.memory_space<semaphore_mem>>)
      } else {
      }
      %mul3A_73 = arith.constant 2 : i32
      %mul3A_74 = arith.muli %scan3A_44, %mul3A_73 : i32
      %add3A_75 = arith.constant 1 : i32
      %add3A_76 = arith.addi %mul3A_74, %add3A_75 : i32
      %dma_wait3A_77 = arith.constant 0 : i32
      %dma_wait3A_78 = arith.constant 0 : i32
      %dma_wait3A_79 = tpu.memref_slice %arg2[%dma_wait3A_77, %dma_wait3A_78] : memref<10000x128xf32, #tpu.memory_space<hbm>> -> memref<10000x128xf32, #tpu.memory_space<hbm>>
      tpu.wait_indirect_dma semaphore(%arg13 : memref<!tpu.dma_semaphore, #tpu.memory_space<semaphore_mem>>) src(%dma_wait3A_79 : memref<10000x128xf32, #tpu.memory_space<hbm>>) dst(%arg11 : memref<120x128xf32, #tpu.memory_space<vmem>>)
      %mul3A_80 = arith.constant 120 : i32
      %mul3A_81 = arith.muli %add3A_76, %mul3A_80 : i32
      %add3A_82 = arith.addi %mul3A_2, %mul3A_81 : i32
      %dma_wait3A_83 = tpu.memref_slice %arg4[%add3A_82] : memref<330240xi32, #tpu.memory_space<hbm>> -> memref<120xi32, #tpu.memory_space<hbm>>
      %dma_wait3A_84 = tpu.memref_slice %arg4[%add3A_82] : memref<330240xi32, #tpu.memory_space<hbm>> -> memref<120xi32, #tpu.memory_space<hbm>>
      tpu.wait_dma2 semaphore(%arg19 : memref<!tpu.dma_semaphore, #tpu.memory_space<semaphore_mem>>) src(%dma_wait3A_84 : memref<120xi32, #tpu.memory_space<hbm>>) dst(%arg9 : memref<120xi32, #tpu.memory_space<vmem>>)
      %dma_start3A_85 = arith.constant 0 : i32
      %dma_start3A_86 = arith.constant 0 : i32
      %dma_start3A_87 = tpu.memref_slice %arg20[%dma_start3A_85, %dma_start3A_86] : memref<10112x128xf32, #tpu.memory_space<vmem_shared>> -> memref<10112x128xf32, #tpu.memory_space<vmem_shared>>
      tpu.enqueue_indirect_dma source(%arg11 : memref<120x128xf32, #tpu.memory_space<vmem>>) target(%dma_start3A_87 : memref<10112x128xf32, #tpu.memory_space<vmem_shared>>) offsets(%arg9 : memref<120xi32, #tpu.memory_space<vmem>>) semaphore(%arg15 : memref<!tpu.dma_semaphore, #tpu.memory_space<semaphore_mem>>) {add = true}
      %ge3A_88 = arith.constant 1 : i32
      %ge3A_89 = arith.cmpi sge, %add3A_76, %ge3A_88 : i32
      %convert_element_type3A_90 = arith.extui %ge3A_89 : i1 to i32
      %cond3A_91 = arith.constant 0 : i32
      %cond3A_92 = arith.cmpi ne, %convert_element_type3A_90, %cond3A_91 : i32
      scf.if %cond3A_92 {
        %dma_wait3A_107 = arith.constant 0 : i32
        %dma_wait3A_108 = arith.constant 0 : i32
        %dma_wait3A_109 = tpu.memref_slice %arg20[%dma_wait3A_107, %dma_wait3A_108] : memref<10112x128xf32, #tpu.memory_space<vmem_shared>> -> memref<10112x128xf32, #tpu.memory_space<vmem_shared>>
        tpu.wait_indirect_dma semaphore(%arg14 : memref<!tpu.dma_semaphore, #tpu.memory_space<semaphore_mem>>) src(%arg10 : memref<120x128xf32, #tpu.memory_space<vmem>>) dst(%dma_wait3A_109 : memref<10112x128xf32, #tpu.memory_space<vmem_shared>>)
      } else {
      }
      %add3A_93 = arith.constant 1 : i32
      %add3A_94 = arith.addi %add3A_76, %add3A_93 : i32
      %lt3A_95 = arith.constant 86 : i32
      %lt3A_96 = arith.cmpi slt, %add3A_94, %lt3A_95 : i32
      %convert_element_type3A_97 = arith.extui %lt3A_96 : i1 to i32
      %cond3A_98 = arith.constant 0 : i32
      %cond3A_99 = arith.cmpi ne, %convert_element_type3A_97, %cond3A_98 : i32
      scf.if %cond3A_99 {
        %add3A_107 = arith.constant 1 : i32
        %add3A_108 = arith.addi %add3A_76, %add3A_107 : i32
        %mul3A_109 = arith.constant 120 : i32
        %mul3A_110 = arith.muli %add3A_108, %mul3A_109 : i32
        %add3A_111 = arith.addi %mul3A_2, %mul3A_110 : i32
        %dma_wait3A_112 = tpu.memref_slice %arg3[%add3A_111] : memref<330240xi32, #tpu.memory_space<hbm>> -> memref<120xi32, #tpu.memory_space<hbm>>
        %dma_wait3A_113 = tpu.memref_slice %arg3[%add3A_111] : memref<330240xi32, #tpu.memory_space<hbm>> -> memref<120xi32, #tpu.memory_space<hbm>>
        tpu.wait_dma2 semaphore(%arg16 : memref<!tpu.dma_semaphore, #tpu.memory_space<semaphore_mem>>) src(%dma_wait3A_113 : memref<120xi32, #tpu.memory_space<hbm>>) dst(%arg6 : memref<120xi32, #tpu.memory_space<vmem>>)
        %dma_start3A_114 = arith.constant 0 : i32
        %dma_start3A_115 = arith.constant 0 : i32
        %dma_start3A_116 = tpu.memref_slice %arg2[%dma_start3A_114, %dma_start3A_115] : memref<10000x128xf32, #tpu.memory_space<hbm>> -> memref<10000x128xf32, #tpu.memory_space<hbm>>
        tpu.enqueue_indirect_dma source(%dma_start3A_116 : memref<10000x128xf32, #tpu.memory_space<hbm>>) target(%arg10 : memref<120x128xf32, #tpu.memory_space<vmem>>) offsets(%arg6 : memref<120xi32, #tpu.memory_space<vmem>>) semaphore(%arg12 : memref<!tpu.dma_semaphore, #tpu.memory_space<semaphore_mem>>)
        %add3A_117 = arith.constant 1 : i32
        %add3A_118 = arith.addi %add3A_76, %add3A_117 : i32
        %mul3A_119 = arith.constant 120 : i32
        %mul3A_120 = arith.muli %add3A_118, %mul3A_119 : i32
        %add3A_121 = arith.addi %mul3A_2, %mul3A_120 : i32
        %dma_start3A_122 = tpu.memref_slice %arg4[%add3A_121] : memref<330240xi32, #tpu.memory_space<hbm>> -> memref<120xi32, #tpu.memory_space<hbm>>
        %dma_start3A_123 = tpu.memref_slice %arg4[%add3A_121] : memref<330240xi32, #tpu.memory_space<hbm>> -> memref<120xi32, #tpu.memory_space<hbm>>
        tpu.enqueue_dma source(%dma_start3A_123 : memref<120xi32, #tpu.memory_space<hbm>>) target(%arg8 : memref<120xi32, #tpu.memory_space<vmem>>) target_semaphore(%arg18 : memref<!tpu.dma_semaphore, #tpu.memory_space<semaphore_mem>>)
      } else {
      }
      %add3A_100 = arith.constant 2 : i32
      %add3A_101 = arith.addi %add3A_76, %add3A_100 : i32
      %lt3A_102 = arith.constant 86 : i32
      %lt3A_103 = arith.cmpi slt, %add3A_101, %lt3A_102 : i32
      %convert_element_type3A_104 = arith.extui %lt3A_103 : i1 to i32
      %cond3A_105 = arith.constant 0 : i32
      %cond3A_106 = arith.cmpi ne, %convert_element_type3A_104, %cond3A_105 : i32
      scf.if %cond3A_106 {
        %add3A_107 = arith.constant 2 : i32
        %add3A_108 = arith.addi %add3A_76, %add3A_107 : i32
        %mul3A_109 = arith.constant 120 : i32
        %mul3A_110 = arith.muli %add3A_108, %mul3A_109 : i32
        %add3A_111 = arith.addi %mul3A_2, %mul3A_110 : i32
        %dma_start3A_112 = tpu.memref_slice %arg3[%add3A_111] : memref<330240xi32, #tpu.memory_space<hbm>> -> memref<120xi32, #tpu.memory_space<hbm>>
        %dma_start3A_113 = tpu.memref_slice %arg3[%add3A_111] : memref<330240xi32, #tpu.memory_space<hbm>> -> memref<120xi32, #tpu.memory_space<hbm>>
        tpu.enqueue_dma source(%dma_start3A_113 : memref<120xi32, #tpu.memory_space<hbm>>) target(%arg7 : memref<120xi32, #tpu.memory_space<vmem>>) target_semaphore(%arg17 : memref<!tpu.dma_semaphore, #tpu.memory_space<semaphore_mem>>)
      } else {
      }
    }
    %scan3A_40 = arith.constant 43 : i32
    %dma_wait3A = arith.constant 0 : i32
    %dma_wait3A_41 = arith.constant 0 : i32
    %dma_wait3A_42 = tpu.memref_slice %arg20[%dma_wait3A, %dma_wait3A_41] : memref<10112x128xf32, #tpu.memory_space<vmem_shared>> -> memref<10112x128xf32, #tpu.memory_space<vmem_shared>>
    tpu.wait_indirect_dma semaphore(%arg15 : memref<!tpu.dma_semaphore, #tpu.memory_space<semaphore_mem>>) src(%arg11 : memref<120x128xf32, #tpu.memory_space<vmem>>) dst(%dma_wait3A_42 : memref<10112x128xf32, #tpu.memory_space<vmem_shared>>)
    %barrier3A_43 = arith.constant 0 : index
    tpu.barrier barrier_id(%barrier3A_43)
    "tpu.region"() ({
      %run_scoped3A = tpu.sem_alloc : memref<!tpu.dma_semaphore, #tpu.memory_space<semaphore_mem>>
      %dma_start3A_44 = arith.constant 0 : i32
      %dma_start3A_45 = tpu.memref_slice %arg5[%arg0, %mul3A_9, %dma_start3A_44] : memref<2x10112x128xf32, #tpu.memory_space<hbm>> -> memref<1x632x128xf32, #tpu.memory_space<hbm>>
      %dma_start3A_46 = tpu.memref_squeeze %dma_start3A_45 : memref<1x632x128xf32, #tpu.memory_space<hbm>> -> memref<632x128xf32, #tpu.memory_space<hbm>>
      %dma_start3A_47 = arith.constant 0 : i32
      %dma_start3A_48 = tpu.memref_slice %arg20[%mul3A_9, %dma_start3A_47] : memref<10112x128xf32, #tpu.memory_space<vmem_shared>> -> memref<632x128xf32, #tpu.memory_space<vmem_shared>>
      tpu.enqueue_dma source(%dma_start3A_48 : memref<632x128xf32, #tpu.memory_space<vmem_shared>>) target(%dma_start3A_46 : memref<632x128xf32, #tpu.memory_space<hbm>>) target_semaphore(%run_scoped3A : memref<!tpu.dma_semaphore, #tpu.memory_space<semaphore_mem>>)
      %dma_wait3A_49 = arith.constant 0 : i32
      %dma_wait3A_50 = tpu.memref_slice %arg5[%arg0, %mul3A_9, %dma_wait3A_49] : memref<2x10112x128xf32, #tpu.memory_space<hbm>> -> memref<1x632x128xf32, #tpu.memory_space<hbm>>
      %dma_wait3A_51 = tpu.memref_squeeze %dma_wait3A_50 : memref<1x632x128xf32, #tpu.memory_space<hbm>> -> memref<632x128xf32, #tpu.memory_space<hbm>>
      %dma_wait3A_52 = arith.constant 0 : i32
      %dma_wait3A_53 = tpu.memref_slice %arg20[%mul3A_9, %dma_wait3A_52] : memref<10112x128xf32, #tpu.memory_space<vmem_shared>> -> memref<632x128xf32, #tpu.memory_space<vmem_shared>>
      tpu.wait_dma2 semaphore(%run_scoped3A : memref<!tpu.dma_semaphore, #tpu.memory_space<semaphore_mem>>) src(%dma_wait3A_53 : memref<632x128xf32, #tpu.memory_space<vmem_shared>>) dst(%dma_wait3A_51 : memref<632x128xf32, #tpu.memory_space<hbm>>)
      tpu.yield
    }) : () -> ()
    return
  }
}

module attributes {stable_mosaic.version = 14 : i64} {
  func.func @_norm_body(%arg0: memref<2x80x128xf32, #tpu.memory_space<vmem>>, %arg1: memref<80x128xf32, #tpu.memory_space<vmem>>) attributes {dimension_semantics = [], scalar_prefetch = 0 : i64, scratch_operands = 0 : i64, tpu.core_type = #tpu.core_type<tc>} {
    %get3A = arith.constant 0 : index
    %get3A_0 = arith.constant 0 : index
    %get3A_1 = arith.constant 0 : index
    %get3A_2 = vector.load %arg0[%get3A, %get3A_0, %get3A_1] : memref<2x80x128xf32, #tpu.memory_space<vmem>>, vector<1x80x128xf32>
    %get3A_3 = vector.shape_cast %get3A_2 : vector<1x80x128xf32> to vector<80x128xf32>
    %get3A_4 = arith.constant 1 : index
    %get3A_5 = arith.constant 0 : index
    %get3A_6 = arith.constant 0 : index
    %get3A_7 = vector.load %arg0[%get3A_4, %get3A_5, %get3A_6] : memref<2x80x128xf32, #tpu.memory_space<vmem>>, vector<1x80x128xf32>
    %get3A_8 = vector.shape_cast %get3A_7 : vector<1x80x128xf32> to vector<80x128xf32>
    %add3A = arith.addf %get3A_3, %get3A_8 : vector<80x128xf32>
    %max3A = arith.constant 1.000000e+00 : f32
    %max3A_9 = vector.broadcast %max3A : f32 to vector<80x128xf32>
    %max3A_10 = arith.maximumf %add3A, %max3A_9 : vector<80x128xf32>
    %rsqrt3A = math.rsqrt %max3A_10 : vector<80x128xf32>
    %swap3A = arith.constant 0 : index
    %swap3A_11 = arith.constant 0 : index
    %swap3A_12 = vector.load %arg1[%swap3A, %swap3A_11] : memref<80x128xf32, #tpu.memory_space<vmem>>, vector<80x128xf32>
    tpu.vector_store %arg1[%swap3A, %swap3A_11], %rsqrt3A {strides = array<i32>} : memref<80x128xf32, #tpu.memory_space<vmem>>, vector<80x128xf32>,
    return
  }
}

module attributes {stable_mosaic.version = 14 : i64} {
  func.func @_in_body(%arg0: i32, %arg1: memref<2000x128xf32, #tpu.memory_space<vmem>>, %arg2: memref<128x128xf32, #tpu.memory_space<vmem>>, %arg3: memref<2000x1xf32, #tpu.memory_space<vmem>>, %arg4: memref<2000x128xf32, #tpu.memory_space<vmem>>) attributes {dimension_semantics = [#tpu.dimension_semantics<arbitrary>], iteration_bounds = array<i64: 5>, scalar_prefetch = 0 : i64, scratch_operands = 0 : i64, tpu.core_type = #tpu.core_type<tc>, window_params = [{transform_indices = @transform_0, window_bounds = array<i64: 2000, 128>}, {pipeline_mode = #tpu.pipeline_mode<synchronous>, transform_indices = @transform_1, window_bounds = array<i64: 128, 128>}, {transform_indices = @transform_2, window_bounds = array<i64: 2000, 1>}, {transform_indices = @transform_3, window_bounds = array<i64: 2000, 128>}]} {
    %get3A = arith.constant 0 : index
    %get3A_0 = arith.constant 0 : index
    %get3A_1 = vector.load %arg1[%get3A, %get3A_0] : memref<2000x128xf32, #tpu.memory_space<vmem>>, vector<2000x128xf32>
    %get3A_2 = arith.constant 0 : index
    %get3A_3 = arith.constant 0 : index
    %get3A_4 = vector.load %arg2[%get3A_2, %get3A_3] : memref<128x128xf32, #tpu.memory_space<vmem>>, vector<128x128xf32>
    %dot_general3A = arith.constant dense<0.000000e+00> : vector<2000x128xf32>
    %dot_general3A_5 = tpu.matmul %get3A_1, %get3A_4, %dot_general3A {dimension_numbers = #tpu.dot_dimension_numbers<[1], [0], [0], [1], [0, 0, 1, 1], [], []>, transpose_lhs_hint = false} : vector<2000x128xf32>, vector<128x128xf32>, vector<2000x128xf32> -> vector<2000x128xf32>
    %get3A_6 = arith.constant 0 : index
    %get3A_7 = arith.constant 0 : index
    %get3A_8 = vector.load %arg3[%get3A_6, %get3A_7] : memref<2000x1xf32, #tpu.memory_space<vmem>>, vector<2000x1xf32>
    %mul3A = vector.broadcast %get3A_8 : vector<2000x1xf32> to vector<2000x128xf32>
    %mul3A_9 = arith.mulf %dot_general3A_5, %mul3A : vector<2000x128xf32>
    %swap3A = arith.constant 0 : index
    %swap3A_10 = arith.constant 0 : index
    %swap3A_11 = vector.load %arg4[%swap3A, %swap3A_10] : memref<2000x128xf32, #tpu.memory_space<vmem>>, vector<2000x128xf32>
    tpu.vector_store %arg4[%swap3A, %swap3A_10], %mul3A_9 {strides = array<i32>} : memref<2000x128xf32, #tpu.memory_space<vmem>>, vector<2000x128xf32>,
    return
  }
  func.func @transform_0(%arg0: i32) -> (i32, i32) {
    %c0_i32 = arith.constant 0 : i32
    %c0_i32_0 = arith.constant 0 : i32
    return %arg0, %c0_i32 : i32, i32
  }
  func.func @transform_1(%arg0: i32) -> (i32, i32) {
    %c0_i32 = arith.constant 0 : i32
    %c0_i32_0 = arith.constant 0 : i32
    %c0_i32_1 = arith.constant 0 : i32
    return %c0_i32, %c0_i32_0 : i32, i32
  }
  func.func @transform_2(%arg0: i32) -> (i32, i32) {
    %c0_i32 = arith.constant 0 : i32
    %c0_i32_0 = arith.constant 0 : i32
    return %arg0, %c0_i32 : i32, i32
  }
  func.func @transform_3(%arg0: i32) -> (i32, i32) {
    %c0_i32 = arith.constant 0 : i32
    %c0_i32_0 = arith.constant 0 : i32
    return %arg0, %c0_i32 : i32, i32
  }
}

module attributes {stable_mosaic.version = 14 : i64} {
  func.func @_mid_body(%arg0: i32, %arg1: memref<2x2000x128xf32, #tpu.memory_space<vmem>>, %arg2: memref<2000x1xf32, #tpu.memory_space<vmem>>, %arg3: memref<1x128xf32, #tpu.memory_space<vmem>>, %arg4: memref<128x128xf32, #tpu.memory_space<vmem>>, %arg5: memref<2000x128xf32, #tpu.memory_space<vmem>>) attributes {dimension_semantics = [#tpu.dimension_semantics<arbitrary>], iteration_bounds = array<i64: 5>, scalar_prefetch = 0 : i64, scratch_operands = 0 : i64, tpu.core_type = #tpu.core_type<tc>, window_params = [{transform_indices = @transform_0, window_bounds = array<i64: 2, 2000, 128>}, {transform_indices = @transform_1, window_bounds = array<i64: 2000, 1>}, {pipeline_mode = #tpu.pipeline_mode<synchronous>, transform_indices = @transform_2, window_bounds = array<i64: 1, 128>}, {pipeline_mode = #tpu.pipeline_mode<synchronous>, transform_indices = @transform_3, window_bounds = array<i64: 128, 128>}, {transform_indices = @transform_4, window_bounds = array<i64: 2000, 128>}]} {
    %get3A = arith.constant 0 : index
    %get3A_0 = arith.constant 0 : index
    %get3A_1 = arith.constant 0 : index
    %get3A_2 = vector.load %arg1[%get3A, %get3A_0, %get3A_1] : memref<2x2000x128xf32, #tpu.memory_space<vmem>>, vector<1x2000x128xf32>
    %get3A_3 = vector.shape_cast %get3A_2 : vector<1x2000x128xf32> to vector<2000x128xf32>
    %get3A_4 = arith.constant 1 : index
    %get3A_5 = arith.constant 0 : index
    %get3A_6 = arith.constant 0 : index
    %get3A_7 = vector.load %arg1[%get3A_4, %get3A_5, %get3A_6] : memref<2x2000x128xf32, #tpu.memory_space<vmem>>, vector<1x2000x128xf32>
    %get3A_8 = vector.shape_cast %get3A_7 : vector<1x2000x128xf32> to vector<2000x128xf32>
    %add3A = arith.addf %get3A_3, %get3A_8 : vector<2000x128xf32>
    %get3A_9 = arith.constant 0 : index
    %get3A_10 = arith.constant 0 : index
    %get3A_11 = vector.load %arg2[%get3A_9, %get3A_10] : memref<2000x1xf32, #tpu.memory_space<vmem>>, vector<2000x1xf32>
    %mul3A = vector.broadcast %get3A_11 : vector<2000x1xf32> to vector<2000x128xf32>
    %mul3A_12 = arith.mulf %add3A, %mul3A : vector<2000x128xf32>
    %get3A_13 = arith.constant 0 : index
    %get3A_14 = arith.constant 0 : index
    %get3A_15 = vector.load %arg3[%get3A_13, %get3A_14] : memref<1x128xf32, #tpu.memory_space<vmem>>, vector<1x128xf32>
    %add3A_16 = vector.broadcast %get3A_15 : vector<1x128xf32> to vector<2000x128xf32>
    %add3A_17 = arith.addf %mul3A_12, %add3A_16 : vector<2000x128xf32>
    %max3A = arith.constant 0.000000e+00 : f32
    %max3A_18 = vector.broadcast %max3A : f32 to vector<2000x128xf32>
    %max3A_19 = arith.maximumf %add3A_17, %max3A_18 : vector<2000x128xf32>
    %get3A_20 = arith.constant 0 : index
    %get3A_21 = arith.constant 0 : index
    %get3A_22 = vector.load %arg4[%get3A_20, %get3A_21] : memref<128x128xf32, #tpu.memory_space<vmem>>, vector<128x128xf32>
    %dot_general3A = arith.constant dense<0.000000e+00> : vector<2000x128xf32>
    %dot_general3A_23 = tpu.matmul %max3A_19, %get3A_22, %dot_general3A {dimension_numbers = #tpu.dot_dimension_numbers<[1], [0], [0], [1], [0, 0, 1, 1], [], []>, transpose_lhs_hint = false} : vector<2000x128xf32>, vector<128x128xf32>, vector<2000x128xf32> -> vector<2000x128xf32>
    %get3A_24 = arith.constant 0 : index
    %get3A_25 = arith.constant 0 : index
    %get3A_26 = vector.load %arg2[%get3A_24, %get3A_25] : memref<2000x1xf32, #tpu.memory_space<vmem>>, vector<2000x1xf32>
    %mul3A_27 = vector.broadcast %get3A_26 : vector<2000x1xf32> to vector<2000x128xf32>
    %mul3A_28 = arith.mulf %dot_general3A_23, %mul3A_27 : vector<2000x128xf32>
    %swap3A = arith.constant 0 : index
    %swap3A_29 = arith.constant 0 : index
    %swap3A_30 = vector.load %arg5[%swap3A, %swap3A_29] : memref<2000x128xf32, #tpu.memory_space<vmem>>, vector<2000x128xf32>
    tpu.vector_store %arg5[%swap3A, %swap3A_29], %mul3A_28 {strides = array<i32>} : memref<2000x128xf32, #tpu.memory_space<vmem>>, vector<2000x128xf32>,
    return
  }
  func.func @transform_0(%arg0: i32) -> (i32, i32, i32) {
    %c0_i32 = arith.constant 0 : i32
    %c0_i32_0 = arith.constant 0 : i32
    %c0_i32_1 = arith.constant 0 : i32
    return %c0_i32, %arg0, %c0_i32_0 : i32, i32, i32
  }
  func.func @transform_1(%arg0: i32) -> (i32, i32) {
    %c0_i32 = arith.constant 0 : i32
    %c0_i32_0 = arith.constant 0 : i32
    return %arg0, %c0_i32 : i32, i32
  }
  func.func @transform_2(%arg0: i32) -> (i32, i32) {
    %c0_i32 = arith.constant 0 : i32
    %c0_i32_0 = arith.constant 0 : i32
    %c0_i32_1 = arith.constant 0 : i32
    return %c0_i32, %c0_i32_0 : i32, i32
  }
  func.func @transform_3(%arg0: i32) -> (i32, i32) {
    %c0_i32 = arith.constant 0 : i32
    %c0_i32_0 = arith.constant 0 : i32
    %c0_i32_1 = arith.constant 0 : i32
    return %c0_i32, %c0_i32_0 : i32, i32
  }
  func.func @transform_4(%arg0: i32) -> (i32, i32) {
    %c0_i32 = arith.constant 0 : i32
    %c0_i32_0 = arith.constant 0 : i32
    return %arg0, %c0_i32 : i32, i32
  }
}

module attributes {stable_mosaic.version = 14 : i64} {
  func.func @_out_body(%arg0: i32, %arg1: memref<2x2000x128xf32, #tpu.memory_space<vmem>>, %arg2: memref<2000x1xf32, #tpu.memory_space<vmem>>, %arg3: memref<1x128xf32, #tpu.memory_space<vmem>>, %arg4: memref<2000x128xf32, #tpu.memory_space<vmem>>) attributes {dimension_semantics = [#tpu.dimension_semantics<arbitrary>], iteration_bounds = array<i64: 5>, scalar_prefetch = 0 : i64, scratch_operands = 0 : i64, tpu.core_type = #tpu.core_type<tc>, window_params = [{transform_indices = @transform_0, window_bounds = array<i64: 2, 2000, 128>}, {transform_indices = @transform_1, window_bounds = array<i64: 2000, 1>}, {pipeline_mode = #tpu.pipeline_mode<synchronous>, transform_indices = @transform_2, window_bounds = array<i64: 1, 128>}, {transform_indices = @transform_3, window_bounds = array<i64: 2000, 128>}]} {
    %get3A = arith.constant 0 : index
    %get3A_0 = arith.constant 0 : index
    %get3A_1 = arith.constant 0 : index
    %get3A_2 = vector.load %arg1[%get3A, %get3A_0, %get3A_1] : memref<2x2000x128xf32, #tpu.memory_space<vmem>>, vector<1x2000x128xf32>
    %get3A_3 = vector.shape_cast %get3A_2 : vector<1x2000x128xf32> to vector<2000x128xf32>
    %get3A_4 = arith.constant 1 : index
    %get3A_5 = arith.constant 0 : index
    %get3A_6 = arith.constant 0 : index
    %get3A_7 = vector.load %arg1[%get3A_4, %get3A_5, %get3A_6] : memref<2x2000x128xf32, #tpu.memory_space<vmem>>, vector<1x2000x128xf32>
    %get3A_8 = vector.shape_cast %get3A_7 : vector<1x2000x128xf32> to vector<2000x128xf32>
    %add3A = arith.addf %get3A_3, %get3A_8 : vector<2000x128xf32>
    %get3A_9 = arith.constant 0 : index
    %get3A_10 = arith.constant 0 : index
    %get3A_11 = vector.load %arg2[%get3A_9, %get3A_10] : memref<2000x1xf32, #tpu.memory_space<vmem>>, vector<2000x1xf32>
    %mul3A = vector.broadcast %get3A_11 : vector<2000x1xf32> to vector<2000x128xf32>
    %mul3A_12 = arith.mulf %add3A, %mul3A : vector<2000x128xf32>
    %get3A_13 = arith.constant 0 : index
    %get3A_14 = arith.constant 0 : index
    %get3A_15 = vector.load %arg3[%get3A_13, %get3A_14] : memref<1x128xf32, #tpu.memory_space<vmem>>, vector<1x128xf32>
    %add3A_16 = vector.broadcast %get3A_15 : vector<1x128xf32> to vector<2000x128xf32>
    %add3A_17 = arith.addf %mul3A_12, %add3A_16 : vector<2000x128xf32>
    %swap3A = arith.constant 0 : index
    %swap3A_18 = arith.constant 0 : index
    %swap3A_19 = vector.load %arg4[%swap3A, %swap3A_18] : memref<2000x128xf32, #tpu.memory_space<vmem>>, vector<2000x128xf32>
    tpu.vector_store %arg4[%swap3A, %swap3A_18], %add3A_17 {strides = array<i32>} : memref<2000x128xf32, #tpu.memory_space<vmem>>, vector<2000x128xf32>,
    return
  }
  func.func @transform_0(%arg0: i32) -> (i32, i32, i32) {
    %c0_i32 = arith.constant 0 : i32
    %c0_i32_0 = arith.constant 0 : i32
    %c0_i32_1 = arith.constant 0 : i32
    return %c0_i32, %arg0, %c0_i32_0 : i32, i32, i32
  }
  func.func @transform_1(%arg0: i32) -> (i32, i32) {
    %c0_i32 = arith.constant 0 : i32
    %c0_i32_0 = arith.constant 0 : i32
    return %arg0, %c0_i32 : i32, i32
  }
  func.func @transform_2(%arg0: i32) -> (i32, i32) {
    %c0_i32 = arith.constant 0 : i32
    %c0_i32_0 = arith.constant 0 : i32
    %c0_i32_1 = arith.constant 0 : i32
    return %c0_i32, %c0_i32_0 : i32, i32
  }
  func.func @transform_3(%arg0: i32) -> (i32, i32) {
    %c0_i32 = arith.constant 0 : i32
    %c0_i32_0 = arith.constant 0 : i32
    return %arg0, %c0_i32 : i32, i32
  }
}

</mosaic_0001>

<sc_bundles>
// kernel: kernel.11.cloned.1.call-start
scs
__scs_entry_jumppad:
0x0: {  	(pc) =	sbr.rel $0x88, $3  }
0x1: {  	(tag) =	ssettag $0x0;
	lr =	simm.s32 $0x1  }
0x2: {  	[smem:$0x3F99] =	sst lr;
	_ =	strace $0xD0000000  }
0x3: {  	_ = 	snop  }
0x4: {  	_ = 	snop  }
0x5: {  	_ = 	snop  }
0x6: {  	_ = 	snop  }
0x7: {  	_ = 	snop  }
__scs_overlays_trampoline_lowered:
0x8: {  	[smem:$0x3FA8] =	sst s0  }
0x9: {  	[smem:$0x3FA9] =	sst s1  }
0xa: {  	[smem:$0x3FAA] =	sst s2  }
0xb: {  	[smem:$0x3FAB] =	sst s3  }
0xc: {  	[smem:$0x3FAC] =	sst s4  }
0xd: {  	[smem:$0x3FAD] =	sst s5  }
0xe: {  	[smem:$0x3FAE] =	sst s6  }
0xf: {  	[smem:$0x3FAF] =	sst s7  }
0x10: {  	[smem:$0x3FB0] =	sst s8  }
0x11: {  	[smem:$0x3FB1] =	sst s9;
	s0 =	simm.s32 @!p0 $0x0  }
0x12: {  	s1 =	sld [smem:$0x3F97];
	s0 =	simm.s32 @p0 $0x1  }
0x13: {  	[smem:$0x3FB2] =	sst s0;
	s0 =	simm.s32 @!p1 $0x0  }
0x14: {  	s2 =	sld [smem:$0x3F96];
	s0 =	simm.s32 @p1 $0x1  }
0x15: {  	[smem:$0x3FB3] =	sst s0;
	s0 =	simm.s32 @!p2 $0x0  }
0x16: {  	s3 =	sld [smem:$0x3FDB];
	s0 =	simm.s32 @p2 $0x1  }
0x17: {  	s4 =	simm.s32 $0x1BF5;
	[smem:$0x3FB5] =	sst s0  }
0x18: {  	s0 =	sld [smem:$0x3F98];
	_ =	swait.ge [sflag:s4], $0x0  }
0x19: {  	s7 =	sld [smem:$0x3F99]  }
0x1a: {  	s8 =	sadd.s32 $0xFFFFE003, lr  }
0x1b: {  	s9 =	sadd.s32 $0xFFFFFEF7, lr;
	s5 =	simm.s32 $0xFFFFFFFF;
	p2 =	slt.u32 s8, $0xFFFFF086  }
0x1c: {  	p1 =	slt.u32 s9, $0xF7A;
	s5 =	simm.s32 @!p2 $0x0  }
0x1d: {  	s5 =	simm.s32 @p1 $0x1;
	p0 =	seq.s32 s7, s2  }
0x1e: {  	s7 =	smul.u32 @!p0 $0xF7A, s2;
	p2 =	seq.s32 @!p0 s5, $0x0  }
0x1f: {  	s9 =	smul.u32 $0xF7A, s1;
	s8 =	simm.s32 @!p0 $0x1BF5;
	p2 =	por !p2, p0  }
0x20: {  	[sflag:s8] =	ssyncset.s32 @!p0 $0xFFFFF086;
	s6 =	sadd.s32 @!p0 s3, s7;
	s7 =	simm.s32 @!p0 $0x108  }
0x21: {  	s3 =	sadd.s32 s3, s9;
	s6 =	sadd.s32 @!p0 $0x88, s6;
	s7 =	simm.s32 @p2 $0x1082  }
0x22: {  	[simem:s7], [sflag:s8] =	dma.local @!p0 [hbm:s6], $0xF7A  }
0x23: {  	s9 =	sor.u32 $0xD0000000, s2;
	s6 =	simm.s32 $0x108;
	_ =	swait.ge @!p0 [sflag:s8], $0x0  }
0x24: {  	s3 =	sadd.s32 $0x88, s3;
	s6 =	simm.s32 @!p1 $0x1082;
	[sflag:s4] =	ssyncset.s32 $0xFFFFF086  }
0x25: {  	[simem:s6], [sflag:s4] =	dma.local [hbm:s3], $0xF7A  }
0x26: {  	[smem:$0x3F99] =	sst s1;
	(tag) =	ssettag s2;
	_ =	strace s9  }
0x27: {  	s1 =	sld [smem:$0x3FA9]  }
0x28: {  	s2 =	sld [smem:$0x3FAA]  }
0x29: {  	s4 =	sld [smem:$0x3FAC]  }
0x2a: {  	p0 =	seq.s32 s5, $0x0;
	s5 =	sld [smem:$0x3FAD]  }
0x2b: {  	s6 =	sld [smem:$0x3FAE]  }
0x2c: {  	s7 =	sld [smem:$0x3FAF]  }
0x2d: {  	s3 =	simm.s32 $0x108;
	s8 =	sld [smem:$0x3FB0]  }
0x2e: {  	s3 =	simm.s32 @!p0 $0x1082;
	s9 =	sld [smem:$0x3FB1]  }
0x2f: {  	lr =	sadd.s32 s0, s3;
	s0 =	sld [smem:$0x3FA8]  }
0x30: {  	s3 =	sld [smem:$0x3FAB]  }
0x31: {  	[smem:$0x3FB4] =	sst s10  }
0x32: {  	s10 =	sld [smem:$0x3FB2];
	_ =	sdelay $0x3  }
0x33: {  	p0 =	seq.s32 s10, $0x1;
	s10 =	sld [smem:$0x3FB4];
	_ =	sdelay $0x3  }
0x34: {  	[smem:$0x3FB4] =	sst s10  }
0x35: {  	s10 =	sld [smem:$0x3FB3];
	_ =	sdelay $0x3  }
0x36: {  	p1 =	seq.s32 s10, $0x1;
	s10 =	sld [smem:$0x3FB4];
	_ =	sdelay $0x3  }
0x37: {  	[smem:$0x3FB4] =	sst s10  }
0x38: {  	s10 =	sld [smem:$0x3FB5]  }
0x39: {  	_ = 	snop;
	(pc) =	sbr.ind lr, $3  }
0x3a: {  	_ = 	snop  }
0x3b: {  	_ = 	snop  }
0x3c: {  	p2 =	seq.s32 s10, $0x1;
	s10 =	sld [smem:$0x3FB4]  }
0x3d: {  	_ =	shalt  }
0x3e: {  	_ =	shalt  }
0x3f: {  	_ =	shalt  }
0x40: {  	_ =	shalt  }
0x41: {  	_ =	shalt  }
0x42: {  	_ =	shalt  }
0x43: {  	_ =	shalt  }
0x44: {  	_ =	shalt  }
0x45: {  	_ =	shalt  }
0x46: {  	_ =	shalt  }
0x47: {  	_ =	shalt  }
0x48: {  	_ =	shalt  }
0x49: {  	_ =	shalt  }
0x4a: {  	_ =	shalt  }
0x4b: {  	_ =	shalt  }
0x4c: {  	_ =	shalt  }
0x4d: {  	_ =	shalt  }
0x4e: {  	_ =	shalt  }
0x4f: {  	_ =	shalt  }
0x50: {  	_ =	shalt  }
0x51: {  	_ =	shalt  }
0x52: {  	_ =	shalt  }
0x53: {  	_ =	shalt  }
0x54: {  	_ =	shalt  }
0x55: {  	_ =	shalt  }
0x56: {  	_ =	shalt  }
0x57: {  	_ =	shalt  }
0x58: {  	_ =	shalt  }
0x59: {  	_ =	shalt  }
0x5a: {  	_ =	shalt  }
0x5b: {  	_ =	shalt  }
0x5c: {  	_ =	shalt  }
0x5d: {  	_ =	shalt  }
0x5e: {  	_ =	shalt  }
0x5f: {  	_ =	shalt  }
0x60: {  	_ =	shalt  }
0x61: {  	_ =	shalt  }
0x62: {  	_ =	shalt  }
0x63: {  	_ =	shalt  }
0x64: {  	_ =	shalt  }
0x65: {  	_ =	shalt  }
0x66: {  	_ =	shalt  }
0x67: {  	_ =	shalt  }
0x68: {  	_ =	shalt  }
0x69: {  	_ =	shalt  }
0x6a: {  	_ =	shalt  }
0x6b: {  	_ =	shalt  }
0x6c: {  	_ =	shalt  }
0x6d: {  	_ =	shalt  }
0x6e: {  	_ =	shalt  }
0x6f: {  	_ =	shalt  }
0x70: {  	_ =	shalt  }
0x71: {  	_ =	shalt  }
0x72: {  	_ =	shalt  }
0x73: {  	_ =	shalt  }
0x74: {  	_ =	shalt  }
0x75: {  	_ =	shalt  }
0x76: {  	_ =	shalt  }
0x77: {  	_ =	shalt  }
0x78: {  	_ =	shalt  }
0x79: {  	_ =	shalt  }
0x7a: {  	_ =	shalt  }
0x7b: {  	_ =	shalt  }
0x7c: {  	_ =	shalt  }
0x7d: {  	_ =	shalt  }
0x7e: {  	_ =	shalt  }
0x7f: {  	_ =	shalt  }
0x80: {  	_ =	shalt  }
0x81: {  	_ =	shalt  }
0x82: {  	_ =	shalt  }
0x83: {  	_ =	shalt  }
0x84: {  	_ =	shalt  }
0x85: {  	_ =	shalt  }
0x86: {  	_ =	shalt  }
0x87: {  	_ =	shalt  }
.Lfunc_end0:
.L_simem_size_0:
called_computation_lowered:
.L_overlay_start_0:
0x88: {  	s2 =	sld [smem:$0x3FD9]  }
0x89: {  	s3 =	sld [smem:$0x3FFE];
	_ =	sdelay $0x1  }
0x8a: {  	s1 =	srdreg.scid  }
0x8b: {  	s0 =	sand.u32 $0x1, s1  }
0x8c: {  	s17 =	sshll.u32 s0, $0xA;
	s2 =	sadd.s32 s3, s2  }
0x8d: {  	s2 =	sadd.s32 s2, s17  }
0x8e: {  	[smem:$0x3FC0] =	sst s2  }
0x8f: {  	_ = 	snop  }
0x90: {  	s2 =	sld [smem:$0x3FD0];
	(tm) =	ssettm $0x1  }
0x91: {  	s18 =	sld [smem:$0x3FFB];
	_ =	sdelay $0x3  }
0x92: {  	_ =	strace s18  }
0x93: {  	s3 =	sld [smem:$0x3FFC];
	_ =	sdelay $0x3  }
0x94: {  	_ =	strace s3  }
0x95: {  	s3 =	sld [smem:$0x3FFD];
	_ =	sdelay $0x3  }
0x96: {  	_ =	strace s3  }
0x97: {  	_ =	strace $0x8FFFFFFF  }
0x98: {  	s19 =	sld [smem:$0x3FDB];
	_ =	sdelay $0x1  }
0x99: {  	s4 =	simm.s32 $_scs_section_size  }
0x9a: {  	s5 =	simm.s32 $_size__tile_overlayer_lowered;
	s6 =	simm.s32 $_tile_overlayer_lowered  }
0x9b: {  	s22 =	simm.s32 $0x1BFF;
	s21 =	sshll.u32 s6, $0x1;
	s3 =	sadd.s32 s4, s19  }
0x9c: {  	s7 =	simm.s32 $0x0;
	s20 =	sshll.u32 s5, $0x1;
	s5 =	sadd.s32 s21, s3  }
0x9d: {  	[timem:s7], [sflag:s22] =	dma.local [hbm:s5], s20  }
0x9e: {  	_ =	swait.ge [sflag:s22], s20  }
0x9f: {  	s4 =	ssub.s32 $0x0, s20;
	[sflag:s22] =	ssyncset.done $0x0  }
0xa0: {  	[sflag:s22] =	ssyncadd.s32 s4;
	_ =	sdelay $0x1  }
0xa1: {  	s23 =	simm.s32 $0x1B8B  }
0xa2: {  	_ =	swait.ge [sflag:s23], $0x1  }
0xa3: {  	[sflag:s23] =	ssyncset.done $0x0  }
0xa4: {  	s25 =	simm.s32 $0x1B8E;
	s24 =	sld [smem:$0x3FFE];
	[sflag:s23] =	ssyncadd.s32 $0xFFFFFFFF  }
0xa5: {  	s26 =	simm.s32 $execute0_lowered;
	[smem:$0x3FD2] =	sst s25  }
0xa6: {  	s5 =	sshll.u32 s26, $0x1;
	_ =	strace $0x80000046;
	[dreg:$0x1] =	wrdreg $0xFFFFFFFF  }
0xa7: {  	s28 =	simm.s32 $_size_execute0_lowered;
	s3 =	sadd.s32 s3, s5;
	[dreg:$0x0] =	wrdreg $0x0  }
0xa8: {  	s5 =	sshll.u32 s28, $0x1;
	[dreg:$0x2] =	wrdreg s3  }
0xa9: {  	[dreg:$0x3] =	wrdreg s5  }
0xaa: {  	[dreg:$0x4] =	wrdreg $0xC0  }
0xab: {  	_ =	task [dreg:s7], $0x5FFFF  }
0xac: {  	[dreg:$0x1] =	wrdreg $0xFFFFFFFF  }
0xad: {  	[dreg:$0x0] =	wrdreg $0x60  }
0xae: {  	[dreg:$0x2] =	wrdreg s24  }
0xaf: {  	[dreg:$0x3] =	wrdreg s2  }
0xb0: {  	[dreg:$0x4] =	wrdreg $0x13800  }
0xb1: {  	[dreg:$0x5] =	wrdreg $0x9  }
0xb2: {  	_ =	task.clear_ibuf [dreg:s7], $0x6FFFF;
	_ =	strace $0x90000046  }
0xb3: {  	s29 =	simm.s32 $0x9;
	_ =	strace $0x80000048  }
0xb4: {  	_ =	swait.ge [sflag:s29], $0x1  }
0xb5: {  	[sflag:s29] =	ssyncadd.s32 $0xFFFFFFFF  }
0xb6: {  	_ =	strace $0x90000048  }
0xb7: {  	_ =	sfence  }
0xb8: {  	s30 =	sld [smem:$0x0];
	_ =	sdelay $0x2  }
0xb9: {  	s31 =	sshll.u32 s1, $0xD;
	s1 =	sshrl.u32 s1, $0x2  }
0xba: {  	s3 =	sand.u32 $0x4000, s31;
	s1 =	sadd.s32 s1, s30  }
0xbb: {  	s0 =	sor.u32 s3, s0;
	s1 =	sshll.u32 s1, $0x11  }
0xbc: {  	s0 =	sor.u32 s1, s0  }
0xbd: {  	s0 =	sadd.s32 $0x8F2B, s0  }
0xbe: {  	[sflag:s0] =	ssyncadd.remote.s32 $0x1  }
0xbf: {  	_ =	sfence.sel $0xFFFF  }
0xc0: {  	[dreg:$0x0] =	wrdreg $0xFFFFFFFF;
	(pc) =	sbr.abs _section_cstart, $3  }
0xc1: {  	[dreg:$0x1] =	wrdreg $0xFFFFFFFF  }
0xc2: {  	_ =	task.clear_ibuf [dreg:s7], $0x2FFFF;
	_ =	strace $0x9FFFFFFF  }
0xc3: {  	(tm) =	ssettm $0x7FFFFFFF  }
tec
execute0_lowered:
.L_overlay_start_1:
0x0: {  	(tag) =	ssettag $0x1  }
0x1: {  	s5 =	rddreg [dreg:$0x0]  }
0x2: {  	s6 =	rddreg [dreg:$0x1]  }
0x3: {  	s0 =	srdreg.scid;
	s2 =	rddreg [dreg:$0x2];
	s3 =	simm.s32 $0x0  }
0x4: {  	s12 =	simm.s32 $0x1100;
	s13 =	simm.s32 $0x1;
	s14 =	simm.s32 $0x810  }
0x5: {  	s15 =	simm.s32 $0x880;
	s4 =	sand.u32 $0x1, s0;
	s0 =	stileid.u32  }
0x6: {  	s18 =	simm.s32 $0x0;
	[smem:$0x7FF] =	sst s3;
	s8 =	smul.u32 $0x280, s0  }
0x7: {  	s1 =	sshll.u32 s4, $0x4;
	s9 =	smul.u32 $0x2800, s4;
	s4 =	ssub.s32 $0x2, s4  }
0x8: {  	s16 =	sshll.u32 s0, $0x6;
	s1 =	sor.u32 s0, s1;
	s28 =	sshrl.u32 s4, $0x1  }
0x9: {  	s16 =	sor.u32 $0x1C01, s16;
	s7 =	smul.u32 $0x2850, s1;
	s1 =	rddreg [dreg:$0x3]  }
0xa: {  	_ =	strace $0x80000047;
	s29 =	sadd.s32 s8, s9;
	s30 =	ssub.s32 s4, s28  }
0xb: {  	s4 =	sadd.s32 s8, s2;
	s31 =	sshrl.u32 s29, $0x3;
	s7 =	sshrl.u32 s7, $0x3  }
0xc: {  	s17 =	sshrl.u32 s4, $0x3;
	s11 =	sadd.s32 s7, s5;
	s5 =	sadd.s32 s6, s31  }
0xd: {  	s7 =	smax.u32 s30, $0x1;
	s6 =	sadd.s32 $0x2A00, s11;
	s8 =	sadd.s32 $0x2B02, s11  }
0xe: {  	v0 =	vimm.f32 $1.000000000e+00;
	v1 =	vimm.f32 $0.0e+00;
	s9 =	sadd.s32 $0x2C04, s11;
	s10 =	sadd.s32 $0x2D06, s11;
	s11 =	sadd.s32 $0x2E08, s11  }
.LBB2_1:
0xf: {  	s19 =	simm.s32 $0x40;
	s20 =	simm.s32 $0x0  }
.LBB2_2:
0x10: {  	p0 =	sne.s32 s19, $0x2000;
	[tilespmem:s20+$0x880] =	vst v0;
	s20 =	smov.u32 s19;
	s19 =	sadd.s32 $0x40, s19  }
.Ltmp0:
0x11: {  	(pc) =	sbr.rel @p0 .LBB2_2-.Ltmp0, $2  }
0x12: {  	_ =	sdelay $0x2  }
0x13: {  	s20 =	sshra.s32 s20, $0x2  }
0x14: {  	[tilespmem:s20+$0x880] =	vst v0  }
0x15: {  	[tilespmem:$0x1100] =	vst v1  }
0x16: {  	[tilespmem:$0x1110] =	vst v1  }
0x17: {  	[tilespmem:$0x1120] =	vst v1  }
0x18: {  	[tilespmem:$0x1130] =	vst v1  }
0x19: {  	[tilespmem:$0x1140] =	vst v1  }
0x1a: {  	[tilespmem:$0x1150] =	vst v1  }
0x1b: {  	[tilespmem:$0x1160] =	vst v1  }
0x1c: {  	[tilespmem:$0x1170] =	vst v1  }
0x1d: {  	[tilespmem:$0x1180] =	vst v1  }
0x1e: {  	[tilespmem:$0x1190] =	vst v1  }
0x1f: {  	[tilespmem:$0x11A0] =	vst v1  }
0x20: {  	[tilespmem:$0x11B0] =	vst v1  }
0x21: {  	[tilespmem:$0x11C0] =	vst v1  }
0x22: {  	[tilespmem:$0x11D0] =	vst v1  }
0x23: {  	[tilespmem:$0x11E0] =	vst v1  }
0x24: {  	[tilespmem:$0x11F0] =	vst v1  }
0x25: {  	[tilespmem:$0x1200] =	vst v1  }
0x26: {  	[tilespmem:$0x1210] =	vst v1  }
0x27: {  	[tilespmem:$0x1220] =	vst v1  }
0x28: {  	[tilespmem:$0x1230] =	vst v1  }
0x29: {  	[tilespmem:$0x1240] =	vst v1  }
0x2a: {  	[tilespmem:$0x1250] =	vst v1  }
0x2b: {  	[tilespmem:$0x1260] =	vst v1  }
0x2c: {  	[tilespmem:$0x1270] =	vst v1  }
0x2d: {  	[tilespmem:$0x1280] =	vst v1  }
0x2e: {  	[tilespmem:$0x1290] =	vst v1  }
0x2f: {  	[tilespmem:$0x12A0] =	vst v1  }
0x30: {  	[tilespmem:$0x12B0] =	vst v1  }
0x31: {  	[tilespmem:$0x12C0] =	vst v1  }
0x32: {  	[tilespmem:$0x12D0] =	vst v1  }
0x33: {  	[tilespmem:$0x12E0] =	vst v1  }
0x34: {  	[tilespmem:$0x12F0] =	vst v1  }
0x35: {  	[tilespmem:$0x1300] =	vst v1  }
0x36: {  	[tilespmem:$0x1310] =	vst v1  }
0x37: {  	[tilespmem:$0x1320] =	vst v1  }
0x38: {  	[tilespmem:$0x1330] =	vst v1  }
0x39: {  	[tilespmem:$0x1340] =	vst v1  }
0x3a: {  	[tilespmem:$0x1350] =	vst v1  }
0x3b: {  	[tilespmem:$0x1360] =	vst v1  }
0x3c: {  	[tilespmem:$0x1370] =	vst v1  }
0x3d: {  	[spmem:s4] =	stream.linear.scatter [tilespmem:s12], [sflag:$0x1], $0x280, $0x38;
	[tilespmem:$0x1600] =	vst v63  }
0x3e: {  	_ =	swait.ge [sflag:s13], $0x280  }
0x3f: {  	[sflag:s13] =	ssyncset.done $0x0  }
0x40: {  	[sflag:s13] =	ssyncadd.s32 $0xFFFFFD80  }
0x41: {  	[bflag:$0x0] =	sbarrier.arrive $0xFFFF  }
0x42: {  	[tilespmem:s3], [sflag:$0x1] =	stream.linear.gather [hbm4b:s6+s3], $0x810, $0x38;
	[tilespmem:$0x1600] =	vst v63  }
0x43: {  	_ =	swait.ge [sflag:s13], $0x810  }
0x44: {  	[sflag:s13] =	ssyncset.done $0x0  }
0x45: {  	[sflag:s13] =	ssyncadd.s32 $0xFFFFF7F0  }
0x46: {  	[spmem:s2] =	stream.indirect.scatter.add.f32 [tilespmem:s15], [sflag:$0x1], $0x1, s3, s14, $0xb8;
	[tilespmem:$0x1600] =	vst v63  }
0x47: {  	_ =	swait.ge [sflag:s13], $0x810  }
0x48: {  	[sflag:s13] =	ssyncset.done $0x0  }
0x49: {  	[sflag:s13] =	ssyncadd.s32 $0xFFFFF7F0  }
0x4a: {  	[tilespmem:s3], [sflag:$0x1] =	stream.linear.gather [hbm4b:s8+s3], $0x810, $0x38;
	[tilespmem:$0x1600] =	vst v63  }
0x4b: {  	_ =	swait.ge [sflag:s13], $0x810  }
0x4c: {  	[sflag:s13] =	ssyncset.done $0x0  }
0x4d: {  	[sflag:s13] =	ssyncadd.s32 $0xFFFFF7F0  }
0x4e: {  	[spmem:s2] =	stream.indirect.scatter.add.f32 [tilespmem:s15], [sflag:$0x1], $0x1, s3, s14, $0xb8;
	[tilespmem:$0x1600] =	vst v63  }
0x4f: {  	_ =	swait.ge [sflag:s13], $0x810  }
0x50: {  	[sflag:s13] =	ssyncset.done $0x0  }
0x51: {  	[sflag:s13] =	ssyncadd.s32 $0xFFFFF7F0  }
0x52: {  	[tilespmem:s3], [sflag:$0x1] =	stream.linear.gather [hbm4b:s9+s3], $0x810, $0x38;
	[tilespmem:$0x1600] =	vst v63  }
0x53: {  	_ =	swait.ge [sflag:s13], $0x810  }
0x54: {  	[sflag:s13] =	ssyncset.done $0x0  }
0x55: {  	[sflag:s13] =	ssyncadd.s32 $0xFFFFF7F0  }
0x56: {  	[spmem:s2] =	stream.indirect.scatter.add.f32 [tilespmem:s15], [sflag:$0x1], $0x1, s3, s14, $0xb8;
	[tilespmem:$0x1600] =	vst v63  }
0x57: {  	_ =	swait.ge [sflag:s13], $0x810  }
0x58: {  	[sflag:s13] =	ssyncset.done $0x0  }
0x59: {  	[sflag:s13] =	ssyncadd.s32 $0xFFFFF7F0  }
0x5a: {  	[tilespmem:s3], [sflag:$0x1] =	stream.linear.gather [hbm4b:s10+s3], $0x810, $0x38;
	[tilespmem:$0x1600] =	vst v63  }
0x5b: {  	_ =	swait.ge [sflag:s13], $0x810  }
0x5c: {  	[sflag:s13] =	ssyncset.done $0x0  }
0x5d: {  	[sflag:s13] =	ssyncadd.s32 $0xFFFFF7F0  }
0x5e: {  	[spmem:s2] =	stream.indirect.scatter.add.f32 [tilespmem:s15], [sflag:$0x1], $0x1, s3, s14, $0xb8;
	[tilespmem:$0x1600] =	vst v63  }
0x5f: {  	_ =	swait.ge [sflag:s13], $0x810  }
0x60: {  	[sflag:s13] =	ssyncset.done $0x0  }
0x61: {  	[sflag:s13] =	ssyncadd.s32 $0xFFFFF7F0  }
0x62: {  	[tilespmem:s3], [sflag:$0x1] =	stream.linear.gather [hbm4b:s11+s3], $0x810, $0x38;
	[tilespmem:$0x1600] =	vst v63  }
0x63: {  	_ =	swait.ge [sflag:s13], $0x810  }
0x64: {  	[sflag:s13] =	ssyncset.done $0x0  }
0x65: {  	[sflag:s13] =	ssyncadd.s32 $0xFFFFF7F0  }
0x66: {  	[spmem:s2] =	stream.indirect.scatter.add.f32 [tilespmem:s15], [sflag:$0x1], $0x1, s3, s14, $0xb8;
	[tilespmem:$0x1600] =	vst v63  }
0x67: {  	_ =	swait.ge [sflag:s13], $0x810  }
0x68: {  	s18 =	sadd.s32 $0x1, s18;
	[sflag:s13] =	ssyncset.done $0x0  }
0x69: {  	p0 =	sne.s32 s18, s7;
	[sflag:s13] =	ssyncadd.s32 $0xFFFFF7F0  }
.Ltmp1:
0x6a: {  	[bflag:$0x0] =	sbarrier.arrive $0xFFFF;
	(pc) =	sbr.rel @p0 .LBB2_1-.Ltmp1, $4  }
0x6b: {  	[hbm:s5], [sflag:s16] =	dma.local [spmem:s17], $0x50  }
0x6c: {  	_ =	swait.ge [sflag:s13], $0x50  }
0x6d: {  	[sflag:s13] =	ssyncset.done $0x0  }
0x6e: {  	[sflag:s13] =	ssyncadd.s32 $0xFFFFFFB0  }
0x6f: {  	_ =	sfence.sel $0x180000  }
0x70: {  	[bflag:$0x0] =	sbarrier.arrive $0xFFFF  }
0x71: {  	p0 =	sne.s32 s0, $0x0;
	_ =	strace $0x90000047  }
0x72: {  	s0 =	sadd.s32 @!p0 $0x100000, s1;
	[bflag:$0x2] =	sbarrier.arrive $0xFFFF  }
0x73: {  	[sflag:s0] =	ssyncadd.tile.s32 @!p0 $0x1;
	_ =	shalt  }
.Lfunc_end2:
_tile_overlayer_lowered:
.L_overlay_start_2:
0x74: {  	(tag) =	ssettag $0x2  }
0x75: {  	s0 =	rddreg [dreg:$0x0];
	s2 =	stileid.u32  }
0x76: {  	s1 =	rddreg [dreg:$0x1];
	p0 =	sne.s32 s2, $0x0  }
0x77: {  	s3 =	rddreg [dreg:$0x2];
	[bflag:$0x3] =	sbarrier.arrive $0xFFFF;
	s2 =	simm.s32 @!p0 $0x1C01  }
0x78: {  	[timem:s3], [sflag:s2] =	dma.local @!p0 [hbm:s0], s1  }
0x79: {  	s0 =	simm.s32 @!p0 $0x1  }
0x7a: {  	_ =	swait.ge @!p0 [sflag:s0], s1  }
0x7b: {  	s1 =	ssub.s32 @!p0 $0x0, s1;
	[sflag:s0] =	ssyncset.done @!p0 $0x0  }
0x7c: {  	[sflag:s0] =	ssyncadd.s32 @!p0 s1  }
0x7d: {  	[bflag:$0x3] =	sbarrier.arrive $0xFFFF  }
0x7e: {  	_ =	shalt  }

// kernel: kernel.14.cloned.1.call-start
scs
__scs_entry_jumppad:
0x0: {  	(pc) =	sbr.rel $0x88, $3  }
0x1: {  	(tag) =	ssettag $0x0;
	lr =	simm.s32 $0x1  }
0x2: {  	[smem:$0x3F99] =	sst lr;
	_ =	strace $0xD0000000  }
0x3: {  	_ = 	snop  }
0x4: {  	_ = 	snop  }
0x5: {  	_ = 	snop  }
0x6: {  	_ = 	snop  }
0x7: {  	_ = 	snop  }
__scs_overlays_trampoline_lowered:
0x8: {  	[smem:$0x3FA8] =	sst s0  }
0x9: {  	[smem:$0x3FA9] =	sst s1  }
0xa: {  	[smem:$0x3FAA] =	sst s2  }
0xb: {  	[smem:$0x3FAB] =	sst s3  }
0xc: {  	[smem:$0x3FAC] =	sst s4  }
0xd: {  	[smem:$0x3FAD] =	sst s5  }
0xe: {  	[smem:$0x3FAE] =	sst s6  }
0xf: {  	[smem:$0x3FAF] =	sst s7  }
0x10: {  	[smem:$0x3FB0] =	sst s8  }
0x11: {  	[smem:$0x3FB1] =	sst s9;
	s0 =	simm.s32 @!p0 $0x0  }
0x12: {  	s1 =	sld [smem:$0x3F97];
	s0 =	simm.s32 @p0 $0x1  }
0x13: {  	[smem:$0x3FB2] =	sst s0;
	s0 =	simm.s32 @!p1 $0x0  }
0x14: {  	s2 =	sld [smem:$0x3F96];
	s0 =	simm.s32 @p1 $0x1  }
0x15: {  	[smem:$0x3FB3] =	sst s0;
	s0 =	simm.s32 @!p2 $0x0  }
0x16: {  	s3 =	sld [smem:$0x3FDB];
	s0 =	simm.s32 @p2 $0x1  }
0x17: {  	s4 =	simm.s32 $0x1BF5;
	[smem:$0x3FB5] =	sst s0  }
0x18: {  	s0 =	sld [smem:$0x3F98];
	_ =	swait.ge [sflag:s4], $0x0  }
0x19: {  	s7 =	sld [smem:$0x3F99]  }
0x1a: {  	s8 =	sadd.s32 $0xFFFFE003, lr  }
0x1b: {  	s9 =	sadd.s32 $0xFFFFFEF7, lr;
	s5 =	simm.s32 $0xFFFFFFFF;
	p2 =	slt.u32 s8, $0xFFFFF086  }
0x1c: {  	p1 =	slt.u32 s9, $0xF7A;
	s5 =	simm.s32 @!p2 $0x0  }
0x1d: {  	s5 =	simm.s32 @p1 $0x1;
	p0 =	seq.s32 s7, s2  }
0x1e: {  	s7 =	smul.u32 @!p0 $0xF7A, s2;
	p2 =	seq.s32 @!p0 s5, $0x0  }
0x1f: {  	s9 =	smul.u32 $0xF7A, s1;
	s8 =	simm.s32 @!p0 $0x1BF5;
	p2 =	por !p2, p0  }
0x20: {  	[sflag:s8] =	ssyncset.s32 @!p0 $0xFFFFF086;
	s6 =	sadd.s32 @!p0 s3, s7;
	s7 =	simm.s32 @!p0 $0x108  }
0x21: {  	s3 =	sadd.s32 s3, s9;
	s6 =	sadd.s32 @!p0 $0x88, s6;
	s7 =	simm.s32 @p2 $0x1082  }
0x22: {  	[simem:s7], [sflag:s8] =	dma.local @!p0 [hbm:s6], $0xF7A  }
0x23: {  	s9 =	sor.u32 $0xD0000000, s2;
	s6 =	simm.s32 $0x108;
	_ =	swait.ge @!p0 [sflag:s8], $0x0  }
0x24: {  	s3 =	sadd.s32 $0x88, s3;
	s6 =	simm.s32 @!p1 $0x1082;
	[sflag:s4] =	ssyncset.s32 $0xFFFFF086  }
0x25: {  	[simem:s6], [sflag:s4] =	dma.local [hbm:s3], $0xF7A  }
0x26: {  	[smem:$0x3F99] =	sst s1;
	(tag) =	ssettag s2;
	_ =	strace s9  }
0x27: {  	s1 =	sld [smem:$0x3FA9]  }
0x28: {  	s2 =	sld [smem:$0x3FAA]  }
0x29: {  	s4 =	sld [smem:$0x3FAC]  }
0x2a: {  	p0 =	seq.s32 s5, $0x0;
	s5 =	sld [smem:$0x3FAD]  }
0x2b: {  	s6 =	sld [smem:$0x3FAE]  }
0x2c: {  	s7 =	sld [smem:$0x3FAF]  }
0x2d: {  	s3 =	simm.s32 $0x108;
	s8 =	sld [smem:$0x3FB0]  }
0x2e: {  	s3 =	simm.s32 @!p0 $0x1082;
	s9 =	sld [smem:$0x3FB1]  }
0x2f: {  	lr =	sadd.s32 s0, s3;
	s0 =	sld [smem:$0x3FA8]  }
0x30: {  	s3 =	sld [smem:$0x3FAB]  }
0x31: {  	[smem:$0x3FB4] =	sst s10  }
0x32: {  	s10 =	sld [smem:$0x3FB2];
	_ =	sdelay $0x3  }
0x33: {  	p0 =	seq.s32 s10, $0x1;
	s10 =	sld [smem:$0x3FB4];
	_ =	sdelay $0x3  }
0x34: {  	[smem:$0x3FB4] =	sst s10  }
0x35: {  	s10 =	sld [smem:$0x3FB3];
	_ =	sdelay $0x3  }
0x36: {  	p1 =	seq.s32 s10, $0x1;
	s10 =	sld [smem:$0x3FB4];
	_ =	sdelay $0x3  }
0x37: {  	[smem:$0x3FB4] =	sst s10  }
0x38: {  	s10 =	sld [smem:$0x3FB5]  }
0x39: {  	_ = 	snop;
	(pc) =	sbr.ind lr, $3  }
0x3a: {  	_ = 	snop  }
0x3b: {  	_ = 	snop  }
0x3c: {  	p2 =	seq.s32 s10, $0x1;
	s10 =	sld [smem:$0x3FB4]  }
0x3d: {  	_ =	shalt  }
0x3e: {  	_ =	shalt  }
0x3f: {  	_ =	shalt  }
0x40: {  	_ =	shalt  }
0x41: {  	_ =	shalt  }
0x42: {  	_ =	shalt  }
0x43: {  	_ =	shalt  }
0x44: {  	_ =	shalt  }
0x45: {  	_ =	shalt  }
0x46: {  	_ =	shalt  }
0x47: {  	_ =	shalt  }
0x48: {  	_ =	shalt  }
0x49: {  	_ =	shalt  }
0x4a: {  	_ =	shalt  }
0x4b: {  	_ =	shalt  }
0x4c: {  	_ =	shalt  }
0x4d: {  	_ =	shalt  }
0x4e: {  	_ =	shalt  }
0x4f: {  	_ =	shalt  }
0x50: {  	_ =	shalt  }
0x51: {  	_ =	shalt  }
0x52: {  	_ =	shalt  }
0x53: {  	_ =	shalt  }
0x54: {  	_ =	shalt  }
0x55: {  	_ =	shalt  }
0x56: {  	_ =	shalt  }
0x57: {  	_ =	shalt  }
0x58: {  	_ =	shalt  }
0x59: {  	_ =	shalt  }
0x5a: {  	_ =	shalt  }
0x5b: {  	_ =	shalt  }
0x5c: {  	_ =	shalt  }
0x5d: {  	_ =	shalt  }
0x5e: {  	_ =	shalt  }
0x5f: {  	_ =	shalt  }
0x60: {  	_ =	shalt  }
0x61: {  	_ =	shalt  }
0x62: {  	_ =	shalt  }
0x63: {  	_ =	shalt  }
0x64: {  	_ =	shalt  }
0x65: {  	_ =	shalt  }
0x66: {  	_ =	shalt  }
0x67: {  	_ =	shalt  }
0x68: {  	_ =	shalt  }
0x69: {  	_ =	shalt  }
0x6a: {  	_ =	shalt  }
0x6b: {  	_ =	shalt  }
0x6c: {  	_ =	shalt  }
0x6d: {  	_ =	shalt  }
0x6e: {  	_ =	shalt  }
0x6f: {  	_ =	shalt  }
0x70: {  	_ =	shalt  }
0x71: {  	_ =	shalt  }
0x72: {  	_ =	shalt  }
0x73: {  	_ =	shalt  }
0x74: {  	_ =	shalt  }
0x75: {  	_ =	shalt  }
0x76: {  	_ =	shalt  }
0x77: {  	_ =	shalt  }
0x78: {  	_ =	shalt  }
0x79: {  	_ =	shalt  }
0x7a: {  	_ =	shalt  }
0x7b: {  	_ =	shalt  }
0x7c: {  	_ =	shalt  }
0x7d: {  	_ =	shalt  }
0x7e: {  	_ =	shalt  }
0x7f: {  	_ =	shalt  }
0x80: {  	_ =	shalt  }
0x81: {  	_ =	shalt  }
0x82: {  	_ =	shalt  }
0x83: {  	_ =	shalt  }
0x84: {  	_ =	shalt  }
0x85: {  	_ =	shalt  }
0x86: {  	_ =	shalt  }
0x87: {  	_ =	shalt  }
.Lfunc_end0:
.L_simem_size_0:
called_computation.1_lowered:
.L_overlay_start_0:
0x88: {  	s2 =	sld [smem:$0x3FD9]  }
0x89: {  	s3 =	sld [smem:$0x3FFE];
	_ =	sdelay $0x1  }
0x8a: {  	s1 =	srdreg.scid  }
0x8b: {  	s0 =	sand.u32 $0x1, s1  }
0x8c: {  	s17 =	sshll.u32 s0, $0xA;
	s2 =	sadd.s32 s3, s2  }
0x8d: {  	s2 =	sadd.s32 s2, s17  }
0x8e: {  	[smem:$0x3FC0] =	sst s2  }
0x8f: {  	_ = 	snop  }
0x90: {  	s2 =	sld [smem:$0x3FD0];
	(tm) =	ssettm $0x1  }
0x91: {  	s18 =	sld [smem:$0x3FFB];
	_ =	sdelay $0x3  }
0x92: {  	_ =	strace s18  }
0x93: {  	s3 =	sld [smem:$0x3FFC];
	_ =	sdelay $0x3  }
0x94: {  	_ =	strace s3  }
0x95: {  	s3 =	sld [smem:$0x3FFD];
	_ =	sdelay $0x3  }
0x96: {  	_ =	strace s3  }
0x97: {  	_ =	strace $0x8FFFFFFF  }
0x98: {  	s19 =	sld [smem:$0x3FDB];
	_ =	sdelay $0x1  }
0x99: {  	s4 =	simm.s32 $_scs_section_size  }
0x9a: {  	s5 =	simm.s32 $_size__tile_overlayer_lowered;
	s6 =	simm.s32 $_tile_overlayer_lowered  }
0x9b: {  	s22 =	simm.s32 $0x1BFF;
	s21 =	sshll.u32 s6, $0x1;
	s3 =	sadd.s32 s4, s19  }
0x9c: {  	s7 =	simm.s32 $0x0;
	s20 =	sshll.u32 s5, $0x1;
	s5 =	sadd.s32 s21, s3  }
0x9d: {  	[timem:s7], [sflag:s22] =	dma.local [hbm:s5], s20  }
0x9e: {  	_ =	swait.ge [sflag:s22], s20  }
0x9f: {  	s4 =	ssub.s32 $0x0, s20;
	[sflag:s22] =	ssyncset.done $0x0  }
0xa0: {  	[sflag:s22] =	ssyncadd.s32 s4;
	_ =	sdelay $0x1  }
0xa1: {  	s23 =	simm.s32 $0x1B8B  }
0xa2: {  	_ =	swait.ge [sflag:s23], $0x1  }
0xa3: {  	[sflag:s23] =	ssyncset.done $0x0  }
0xa4: {  	s25 =	simm.s32 $0x1B8E;
	s24 =	sld [smem:$0x3FFE];
	[sflag:s23] =	ssyncadd.s32 $0xFFFFFFFF  }
0xa5: {  	s26 =	simm.s32 $execute0_lowered;
	[smem:$0x3FD2] =	sst s25  }
0xa6: {  	s5 =	sshll.u32 s26, $0x1;
	_ =	strace $0x80000049;
	[dreg:$0x1] =	wrdreg $0xFFFFFFFF  }
0xa7: {  	s28 =	simm.s32 $_size_execute0_lowered;
	s3 =	sadd.s32 s3, s5;
	[dreg:$0x0] =	wrdreg $0x0  }
0xa8: {  	s5 =	sshll.u32 s28, $0x1;
	[dreg:$0x2] =	wrdreg s3  }
0xa9: {  	[dreg:$0x3] =	wrdreg s5  }
0xaa: {  	[dreg:$0x4] =	wrdreg $0xC0  }
0xab: {  	_ =	task [dreg:s7], $0x5FFFF  }
0xac: {  	[dreg:$0x1] =	wrdreg $0xFFFFFFFF  }
0xad: {  	[dreg:$0x0] =	wrdreg $0x60  }
0xae: {  	[dreg:$0x2] =	wrdreg s2  }
0xaf: {  	[dreg:$0x3] =	wrdreg s24  }
0xb0: {  	[dreg:$0x4] =	wrdreg $0x7A000  }
0xb1: {  	[dreg:$0x5] =	wrdreg $0x9  }
0xb2: {  	_ =	task.clear_ibuf [dreg:s7], $0x6FFFF;
	_ =	strace $0x90000049  }
0xb3: {  	s29 =	simm.s32 $0x9;
	_ =	strace $0x8000004B  }
0xb4: {  	_ =	swait.ge [sflag:s29], $0x1  }
0xb5: {  	[sflag:s29] =	ssyncadd.s32 $0xFFFFFFFF  }
0xb6: {  	_ =	strace $0x9000004B  }
0xb7: {  	_ =	sfence  }
0xb8: {  	s30 =	sld [smem:$0x0];
	_ =	sdelay $0x2  }
0xb9: {  	s31 =	sshll.u32 s1, $0xD;
	s1 =	sshrl.u32 s1, $0x2  }
0xba: {  	s3 =	sand.u32 $0x4000, s31;
	s1 =	sadd.s32 s1, s30  }
0xbb: {  	s0 =	sor.u32 s3, s0;
	s1 =	sshll.u32 s1, $0x11  }
0xbc: {  	s0 =	sor.u32 s1, s0  }
0xbd: {  	s0 =	sadd.s32 $0x8F2B, s0  }
0xbe: {  	[sflag:s0] =	ssyncadd.remote.s32 $0x1  }
0xbf: {  	_ =	sfence.sel $0xFFFF  }
0xc0: {  	[dreg:$0x0] =	wrdreg $0xFFFFFFFF;
	(pc) =	sbr.abs _section_cstart, $3  }
0xc1: {  	[dreg:$0x1] =	wrdreg $0xFFFFFFFF  }
0xc2: {  	_ =	task.clear_ibuf [dreg:s7], $0x2FFFF;
	_ =	strace $0x9FFFFFFF  }
0xc3: {  	(tm) =	ssettm $0x7FFFFFFF  }
tec
execute0_lowered:
.L_overlay_start_1:
0x0: {  	(tag) =	ssettag $0x1  }
0x1: {  	s1 =	rddreg [dreg:$0x0]  }
0x2: {  	s0 =	srdreg.scid;
	s2 =	rddreg [dreg:$0x1]  }
0x3: {  	s12 =	stileid.u32;
	s3 =	rddreg [dreg:$0x2]  }
0x4: {  	s4 =	simm.s32 $0x0;
	s28 =	simm.s32 $0x100;
	s29 =	simm.s32 $0x80  }
0x5: {  	s30 =	simm.s32 $0x1;
	s31 =	simm.s32 $0x7;
	s6 =	smul.u32 $0x13C00, s12  }
0x6: {  	s0 =	sand.u32 $0x1, s0;
	[smem:$0x7FF] =	sst s4;
	s22 =	smul.u32 $0x4F000, s12  }
0x7: {  	s7 =	sadd.s32 $0xCC00, s2;
	s8 =	sadd.s32 $0x2A00, s2;
	s5 =	smul.u32 $0x13C000, s0  }
0x8: {  	_ =	strace $0x8000004A;
	s9 =	ssub.s32 $0x2, s0;
	s23 =	sshll.u32 s0, $0x4  }
0x9: {  	s0 =	smul.u32 $0x28500, s0;
	s10 =	sshrl.u32 s9, $0x1;
	s11 =	sor.u32 s12, s23  }
0xa: {  	s12 =	smul.u32 $0x2850, s12;
	s5 =	sadd.s32 s6, s5;
	s6 =	sshrl.u32 s22, $0x2  }
0xb: {  	s24 =	ssub.s32 s9, s10;
	s25 =	smul.u32 $0x2850, s11;
	s10 =	simm.s32 $0x5  }
0xc: {  	s5 =	sshrl.u32 s5, $0x3;
	s19 =	smax.u32 s24, $0x1;
	s0 =	sadd.s32 s12, s0  }
0xd: {  	s12 =	simm.s32 $0x0;
	s2 =	sadd.s32 s5, s2;
	s5 =	sadd.s32 s6, s3  }
0xe: {  	s16 =	sshrl.u32 s25, $0x3;
	s9 =	sadd.s32 $0x168, s25;
	[dreg:$0xd] =	wrdreg s19  }
0xf: {  	s23 =	sadd.s32 $0x1E0, s0;
	s6 =	simm.s32 $0x180;
	s26 =	sadd.s32 $0x3C00, s5  }
0x10: {  	s11 =	sadd.s32 $0x7800, s5;
	s13 =	sadd.s32 $0xB400, s5;
	[dreg:$0x4] =	wrdreg s26  }
0x11: {  	s14 =	sadd.s32 $0xF000, s5;
	s15 =	sadd.s32 $0x12C00, s5;
	[dreg:$0x5] =	wrdreg s11  }
0x12: {  	s17 =	sadd.s32 s8, s16;
	s2 =	sadd.s32 $0x16E00, s2;
	[dreg:$0x6] =	wrdreg s13  }
0x13: {  	s21 =	sadd.s32 $0x1E, s16;
	s22 =	sshrl.u32 s9, $0x3;
	[dreg:$0x7] =	wrdreg s14  }
0x14: {  	s24 =	sshrl.u32 s23, $0x3;
	s9 =	simm.s32 $0x3;
	[dreg:$0x8] =	wrdreg s15  }
0x15: {  	s11 =	sadd.s32 $0x78, s25;
	s13 =	sadd.s32 s7, s16;
	[dreg:$0xa] =	wrdreg s17  }
0x16: {  	[dreg:$0xc] =	wrdreg s2;
	s17 =	sadd.s32 s7, s21;
	s19 =	sadd.s32 s7, s22  }
0x17: {  	s25 =	sadd.s32 $0x258, s0;
	s0 =	sadd.s32 $0x168, s0;
	s2 =	simm.s32 $0x6  }
0x18: {  	[dreg:$0x9] =	wrdreg s13;
	s11 =	sshrl.u32 s11, $0x3;
	s26 =	sshrl.u32 s25, $0x3  }
0x19: {  	s0 =	sshrl.u32 s0, $0x3;
	s25 =	simm.s32 $0x9;
	s18 =	sadd.s32 s7, s11  }
.Ltmp0:
0x1a: {  	s20 =	sadd.s32 s8, s11;
	s22 =	sadd.s32 s26, s7;
	(pc) =	sbr.rel .LBB2_1-.Ltmp0, $4  }
0x1b: {  	s23 =	sadd.s32 s0, s8;
	s26 =	simm.s32 $0x78;
	[dreg:$0xb] =	wrdreg s18  }
0x1c: {  	s0 =	simm.s32 $0x3E00;
	s11 =	simm.s32 $0x4;
	[dreg:$0xe] =	wrdreg s20  }
0x1d: {  	s18 =	sadd.s32 s8, s21;
	s20 =	sadd.s32 s24, s8;
	s21 =	sadd.s32 s24, s7  }
0x1e: {  	v0 =	vimm.f32 $0.0e+00;
	s24 =	simm.s32 $0x200;
	s7 =	simm.s32 $0x2;
	s8 =	simm.s32 $0x8  }
.LBB2_6:
0x1f: {  	_ =	swait.ge [sflag:s7], $0x3C00  }
0x20: {  	[sflag:s7] =	ssyncset.done $0x0  }
0x21: {  	[sflag:s7] =	ssyncadd.s32 $0xFFFFC400  }
0x22: {  	_ =	swait.ge [sflag:s8], $0x78  }
0x23: {  	[sflag:s8] =	ssyncset.done $0x0  }
0x24: {  	[sflag:s8] =	ssyncadd.s32 $0xFFFFFF88  }
0x25: {  	[spmem:s3] =	stream.indirect.scatter.add.f32 [tilespmem:s0], [sflag:$0x4], $0x80, s6, s26, $0xb8;
	[tilespmem:$0x1B600] =	vst v63  }
0x26: {  	_ =	swait.ge [sflag:s9], $0x3C00  }
0x27: {  	[sflag:s9] =	ssyncset.done $0x0  }
0x28: {  	[sflag:s9] =	ssyncadd.s32 $0xFFFFC400  }
0x29: {  	_ =	swait.ge [sflag:s11], $0x3C00  }
0x2a: {  	[sflag:s11] =	ssyncset.done $0x0  }
0x2b: {  	s13 =	stileid.u32;
	[sflag:s11] =	ssyncadd.s32 $0xFFFFC400  }
0x2c: {  	s13 =	sshll.u32 s13, $0x6;
	[bflag:$0x0] =	sbarrier.arrive $0xFFFF  }
0x2d: {  	s14 =	sshrl.u32 s5, $0x3;
	s13 =	sor.u32 $0x1C09, s13;
	s15 =	rddreg [dreg:$0xc]  }
0x2e: {  	[hbm:s15], [sflag:s13] =	dma.local [spmem:s14], $0x2780  }
0x2f: {  	_ =	swait.ge [sflag:s25], $0x2780  }
0x30: {  	s12 =	sadd.s32 $0x1, s12;
	s16 =	rddreg [dreg:$0xd]  }
0x31: {  	p0 =	sne.s32 s12, s16  }
.Ltmp1:
0x32: {  	_ = 	snop;
	(pc) =	sbr.rel @!p0 .LBB2_7-.Ltmp1, $3  }
0x33: {  	_ =	sdelay $0x1  }
0x34: {  	[sflag:s25] =	ssyncset.done $0x0  }
0x35: {  	[sflag:s25] =	ssyncadd.s32 $0xFFFFD880  }
.LBB2_1:
0x36: {  	s13 =	sand.u32 $0xFE00, s4  }
0x37: {  	s14 =	sand.u32 $0x70, s4;
	s15 =	sshrl.u32 s13, $0x2  }
0x38: {  	s13 =	simm.s32 $0x40;
	s15 =	sor.u32 s14, s15;
	s14 =	simm.s32 $0x0  }
.LBB2_2:
0x39: {  	p0 =	sne.s32 s13, $0xEFC0  }
0x3a: {  	[tilespmem:s15+$0x200] =	vst v0;
	s14 =	sadd.s32 $0x10, s14;
	s15 =	smov.u32 s13;
	s13 =	sadd.s32 $0x40, s13  }
.Ltmp2:
0x3b: {  	(pc) =	sbr.rel @p0 .LBB2_2-.Ltmp2, $4  }
0x3c: {  	_ = 	snop  }
0x3d: {  	s15 =	sand.u32 $0xFE00, s15  }
0x3e: {  	s16 =	sand.u32 $0x70, s14;
	s15 =	sshrl.u32 s15, $0x2  }
0x3f: {  	s15 =	sor.u32 s16, s15  }
0x40: {  	[tilespmem:s15+$0x200] =	vst v0  }
0x41: {  	[spmem:s5] =	stream.linear.scatter [tilespmem:s24], [sflag:$0x9], $0x3C00, $0x38;
	[tilespmem:$0x1B600] =	vst v63  }
0x42: {  	_ =	swait.ge [sflag:s25], $0x3C00  }
0x43: {  	[sflag:s25] =	ssyncset.done $0x0  }
0x44: {  	s13 =	rddreg [dreg:$0x4];
	[sflag:s25] =	ssyncadd.s32 $0xFFFFC400  }
0x45: {  	[spmem:s13] =	stream.linear.scatter [tilespmem:s24], [sflag:$0x9], $0x3C00, $0x38;
	[tilespmem:$0x1B600] =	vst v63  }
0x46: {  	_ =	swait.ge [sflag:s25], $0x3C00  }
0x47: {  	[sflag:s25] =	ssyncset.done $0x0  }
0x48: {  	s15 =	rddreg [dreg:$0x5];
	[sflag:s25] =	ssyncadd.s32 $0xFFFFC400  }
0x49: {  	[spmem:s15] =	stream.linear.scatter [tilespmem:s24], [sflag:$0x9], $0x3C00, $0x38;
	[tilespmem:$0x1B600] =	vst v63  }
0x4a: {  	_ =	swait.ge [sflag:s25], $0x3C00  }
0x4b: {  	[sflag:s25] =	ssyncset.done $0x0  }
0x4c: {  	s16 =	rddreg [dreg:$0x6];
	[sflag:s25] =	ssyncadd.s32 $0xFFFFC400  }
0x4d: {  	[spmem:s16] =	stream.linear.scatter [tilespmem:s24], [sflag:$0x9], $0x3C00, $0x38;
	[tilespmem:$0x1B600] =	vst v63  }
0x4e: {  	_ =	swait.ge [sflag:s25], $0x3C00  }
0x4f: {  	[sflag:s25] =	ssyncset.done $0x0  }
0x50: {  	s14 =	rddreg [dreg:$0x7];
	[sflag:s25] =	ssyncadd.s32 $0xFFFFC400  }
0x51: {  	[spmem:s14] =	stream.linear.scatter [tilespmem:s24], [sflag:$0x9], $0x3C00, $0x38;
	[tilespmem:$0x1B600] =	vst v63  }
0x52: {  	_ =	swait.ge [sflag:s25], $0x3C00  }
0x53: {  	[sflag:s25] =	ssyncset.done $0x0  }
0x54: {  	s15 =	rddreg [dreg:$0x8];
	[sflag:s25] =	ssyncadd.s32 $0xFFFFC400  }
0x55: {  	[spmem:s15] =	stream.linear.scatter [tilespmem:s24], [sflag:$0x9], $0x1000, $0x38;
	[tilespmem:$0x1B600] =	vst v63  }
0x56: {  	_ =	swait.ge [sflag:s25], $0x1000  }
0x57: {  	[sflag:s25] =	ssyncset.done $0x0  }
0x58: {  	[sflag:s25] =	ssyncadd.s32 $0xFFFFF000  }
0x59: {  	[bflag:$0x0] =	sbarrier.arrive $0xFFFF  }
0x5a: {  	s13 =	simm.s32 $0x0;
	s14 =	rddreg [dreg:$0x9]  }
0x5b: {  	[tilespmem:s13], [sflag:$0x9] =	stream.linear.gather [hbm4b:s14+s13], $0x78, $0x38;
	[tilespmem:$0x1B600] =	vst v63  }
0x5c: {  	_ =	swait.ge [sflag:s25], $0x78  }
0x5d: {  	[sflag:s25] =	ssyncset.done $0x0  }
0x5e: {  	[sflag:s25] =	ssyncadd.s32 $0xFFFFFF88  }
0x5f: {  	[tilespmem:s24], [sflag:$0x1] =	stream.indirect.gather [hbm4b:s1+s26], $0x80, s13, s26, $0xb8;
	[tilespmem:$0x1B600] =	vst v63  }
0x60: {  	s16 =	rddreg [dreg:$0xa]  }
0x61: {  	[tilespmem:s28], [sflag:$0x7] =	stream.linear.gather [hbm4b:s16+s13], $0x78, $0x38;
	[tilespmem:$0x1B600] =	vst v63  }
0x62: {  	s15 =	rddreg [dreg:$0xb]  }
0x63: {  	[tilespmem:s29], [sflag:$0x6] =	stream.linear.gather [hbm4b:s15+s13], $0x78, $0x38;
	[tilespmem:$0x1B600] =	vst v63  }
0x64: {  	_ =	swait.ge [sflag:s30], $0x3C00  }
0x65: {  	[sflag:s30] =	ssyncset.done $0x0  }
0x66: {  	[sflag:s30] =	ssyncadd.s32 $0xFFFFC400  }
0x67: {  	_ =	swait.ge [sflag:s31], $0x78  }
0x68: {  	[sflag:s31] =	ssyncset.done $0x0  }
0x69: {  	[sflag:s31] =	ssyncadd.s32 $0xFFFFFF88  }
0x6a: {  	[spmem:s3] =	stream.indirect.scatter.add.f32 [tilespmem:s24], [sflag:$0x3], $0x80, s28, s26, $0xb8;
	[tilespmem:$0x1B600] =	vst v63  }
0x6b: {  	_ =	swait.ge [sflag:s2], $0x78  }
0x6c: {  	[sflag:s2] =	ssyncset.done $0x0  }
0x6d: {  	[sflag:s2] =	ssyncadd.s32 $0xFFFFFF88  }
0x6e: {  	[tilespmem:s0], [sflag:$0x2] =	stream.indirect.gather [hbm4b:s1+s26], $0x80, s29, s26, $0xb8;
	[tilespmem:$0x1B600] =	vst v63  }
0x6f: {  	s16 =	rddreg [dreg:$0xe]  }
0x70: {  	[tilespmem:s6], [sflag:$0x8] =	stream.linear.gather [hbm4b:s16+s13], $0x78, $0x38;
	[tilespmem:$0x1B600] =	vst v63  }
0x71: {  	_ = 	snop  }
0x72: {  	[tilespmem:s13], [sflag:$0x5] =	stream.linear.gather [hbm4b:s17+s13], $0x78, $0x38;
	[tilespmem:$0x1B600] =	vst v63  }
0x73: {  	_ =	swait.ge [sflag:s7], $0x3C00  }
0x74: {  	[sflag:s7] =	ssyncset.done $0x0  }
0x75: {  	[sflag:s7] =	ssyncadd.s32 $0xFFFFC400  }
0x76: {  	_ =	swait.ge [sflag:s8], $0x78  }
0x77: {  	[sflag:s8] =	ssyncset.done $0x0  }
0x78: {  	[sflag:s8] =	ssyncadd.s32 $0xFFFFFF88  }
0x79: {  	[spmem:s3] =	stream.indirect.scatter.add.f32 [tilespmem:s0], [sflag:$0x4], $0x80, s6, s26, $0xb8;
	[tilespmem:$0x1B600] =	vst v63  }
0x7a: {  	_ =	swait.ge [sflag:s9], $0x3C00  }
0x7b: {  	[sflag:s9] =	ssyncset.done $0x0  }
0x7c: {  	[sflag:s9] =	ssyncadd.s32 $0xFFFFC400  }
0x7d: {  	_ =	swait.ge [sflag:s10], $0x78  }
0x7e: {  	[sflag:s10] =	ssyncset.done $0x0  }
0x7f: {  	[sflag:s10] =	ssyncadd.s32 $0xFFFFFF88  }
0x80: {  	[tilespmem:s24], [sflag:$0x1] =	stream.indirect.gather [hbm4b:s1+s26], $0x80, s13, s26, $0xb8;
	[tilespmem:$0x1B600] =	vst v63  }
0x81: {  	_ = 	snop  }
0x82: {  	[tilespmem:s28], [sflag:$0x7] =	stream.linear.gather [hbm4b:s18+s13], $0x78, $0x38;
	[tilespmem:$0x1B600] =	vst v63  }
0x83: {  	_ = 	snop  }
0x84: {  	[tilespmem:s29], [sflag:$0x6] =	stream.linear.gather [hbm4b:s19+s13], $0x78, $0x38;
	[tilespmem:$0x1B600] =	vst v63  }
.LBB2_4:
0x85: {  	_ =	swait.ge [sflag:s30], $0x3C00  }
0x86: {  	[sflag:s30] =	ssyncset.done $0x0  }
0x87: {  	[sflag:s30] =	ssyncadd.s32 $0xFFFFC400  }
0x88: {  	_ =	swait.ge [sflag:s31], $0x78  }
0x89: {  	[sflag:s31] =	ssyncset.done $0x0  }
0x8a: {  	[sflag:s31] =	ssyncadd.s32 $0xFFFFFF88  }
0x8b: {  	[spmem:s3] =	stream.indirect.scatter.add.f32 [tilespmem:s24], [sflag:$0x3], $0x80, s28, s26, $0xb8;
	[tilespmem:$0x1B600] =	vst v63  }
0x8c: {  	_ =	swait.ge [sflag:s11], $0x3C00  }
0x8d: {  	[sflag:s11] =	ssyncset.done $0x0  }
0x8e: {  	[sflag:s11] =	ssyncadd.s32 $0xFFFFC400  }
0x8f: {  	p0 =	seq.s32 s13, $0x4CE;
	_ =	swait.ge [sflag:s2], $0x78  }
.Ltmp3:
0x90: {  	[sflag:s2] =	ssyncset.done $0x0;
	(pc) =	sbr.rel @p0 .LBB2_6-.Ltmp3, $4  }
0x91: {  	[sflag:s2] =	ssyncadd.s32 $0xFFFFFF88  }
0x92: {  	[tilespmem:s0], [sflag:$0x2] =	stream.indirect.gather [hbm4b:s1+s26], $0x80, s29, s26, $0xb8;
	[tilespmem:$0x1B600] =	vst v63  }
0x93: {  	s14 =	sadd.s32 s13, s23  }
0x94: {  	[tilespmem:s6], [sflag:$0x8] =	stream.linear.gather [hbm4b:s14+s4], $0x78, $0x38;
	[tilespmem:$0x1B600] =	vst v63  }
0x95: {  	s14 =	sadd.s32 s13, s21  }
0x96: {  	[tilespmem:s4], [sflag:$0x5] =	stream.linear.gather [hbm4b:s14+s4], $0x78, $0x38;
	[tilespmem:$0x1B600] =	vst v63  }
0x97: {  	_ =	swait.ge [sflag:s7], $0x3C00  }
0x98: {  	[sflag:s7] =	ssyncset.done $0x0  }
0x99: {  	[sflag:s7] =	ssyncadd.s32 $0xFFFFC400  }
0x9a: {  	_ =	swait.ge [sflag:s8], $0x78  }
0x9b: {  	[sflag:s8] =	ssyncset.done $0x0  }
0x9c: {  	[sflag:s8] =	ssyncadd.s32 $0xFFFFFF88  }
0x9d: {  	[spmem:s3] =	stream.indirect.scatter.add.f32 [tilespmem:s0], [sflag:$0x4], $0x80, s6, s26, $0xb8;
	[tilespmem:$0x1B600] =	vst v63  }
0x9e: {  	_ =	swait.ge [sflag:s9], $0x3C00  }
0x9f: {  	[sflag:s9] =	ssyncset.done $0x0  }
0xa0: {  	[sflag:s9] =	ssyncadd.s32 $0xFFFFC400  }
0xa1: {  	_ =	swait.ge [sflag:s10], $0x78  }
0xa2: {  	[sflag:s10] =	ssyncset.done $0x0  }
0xa3: {  	[sflag:s10] =	ssyncadd.s32 $0xFFFFFF88  }
0xa4: {  	[tilespmem:s24], [sflag:$0x1] =	stream.indirect.gather [hbm4b:s1+s26], $0x80, s4, s26, $0xb8;
	[tilespmem:$0x1B600] =	vst v63  }
.Ltmp4:
0xa5: {  	_ = 	snop;
	(pc) =	sbr.rel .LBB2_4-.Ltmp4, $4  }
0xa6: {  	s15 =	sadd.s32 s13, s20  }
0xa7: {  	[tilespmem:s28], [sflag:$0x7] =	stream.linear.gather [hbm4b:s15+s4], $0x78, $0x38;
	[tilespmem:$0x1B600] =	vst v63  }
0xa8: {  	s16 =	sadd.s32 s13, s22;
	s13 =	sadd.s32 $0x1E, s13  }
0xa9: {  	[tilespmem:s29], [sflag:$0x6] =	stream.linear.gather [hbm4b:s16+s4], $0x78, $0x38;
	[tilespmem:$0x1B600] =	vst v63  }
.LBB2_7:
0xaa: {  	_ =	sfence.sel $0x180000  }
0xab: {  	[bflag:$0x0] =	sbarrier.arrive $0xFFFF  }
0xac: {  	_ =	strace $0x9000004A  }
0xad: {  	s0 =	stileid.u32;
	[bflag:$0x2] =	sbarrier.arrive $0xFFFF  }
0xae: {  	p0 =	sne.s32 s0, $0x0;
	s0 =	rddreg [dreg:$0x3]  }
0xaf: {  	s0 =	sadd.s32 @!p0 $0x100000, s0  }
0xb0: {  	[sflag:s0] =	ssyncadd.tile.s32 @!p0 $0x1;
	_ =	shalt  }
.Lfunc_end2:
_tile_overlayer_lowered:
.L_overlay_start_2:
0xb1: {  	(tag) =	ssettag $0x2  }
0xb2: {  	s0 =	rddreg [dreg:$0x0];
	s2 =	stileid.u32  }
0xb3: {  	s1 =	rddreg [dreg:$0x1];
	p0 =	sne.s32 s2, $0x0  }
0xb4: {  	s3 =	rddreg [dreg:$0x2];
	[bflag:$0x3] =	sbarrier.arrive $0xFFFF;
	s2 =	simm.s32 @!p0 $0x1C09  }
0xb5: {  	[timem:s3], [sflag:s2] =	dma.local @!p0 [hbm:s0], s1  }
0xb6: {  	s0 =	simm.s32 @!p0 $0x9  }
0xb7: {  	_ =	swait.ge @!p0 [sflag:s0], s1  }
0xb8: {  	s1 =	ssub.s32 @!p0 $0x0, s1;
	[sflag:s0] =	ssyncset.done @!p0 $0x0  }
0xb9: {  	[sflag:s0] =	ssyncadd.s32 @!p0 s1  }
0xba: {  	[bflag:$0x3] =	sbarrier.arrive $0xFFFF  }
0xbb: {  	_ =	shalt  }

// kernel: kernel.17.cloned.1.call-start
scs
__scs_entry_jumppad:
0x0: {  	(pc) =	sbr.rel $0x88, $3  }
0x1: {  	(tag) =	ssettag $0x0;
	lr =	simm.s32 $0x1  }
0x2: {  	[smem:$0x3F99] =	sst lr;
	_ =	strace $0xD0000000  }
0x3: {  	_ = 	snop  }
0x4: {  	_ = 	snop  }
0x5: {  	_ = 	snop  }
0x6: {  	_ = 	snop  }
0x7: {  	_ = 	snop  }
__scs_overlays_trampoline_lowered:
0x8: {  	[smem:$0x3FA8] =	sst s0  }
0x9: {  	[smem:$0x3FA9] =	sst s1  }
0xa: {  	[smem:$0x3FAA] =	sst s2  }
0xb: {  	[smem:$0x3FAB] =	sst s3  }
0xc: {  	[smem:$0x3FAC] =	sst s4  }
0xd: {  	[smem:$0x3FAD] =	sst s5  }
0xe: {  	[smem:$0x3FAE] =	sst s6  }
0xf: {  	[smem:$0x3FAF] =	sst s7  }
0x10: {  	[smem:$0x3FB0] =	sst s8  }
0x11: {  	[smem:$0x3FB1] =	sst s9;
	s0 =	simm.s32 @!p0 $0x0  }
0x12: {  	s1 =	sld [smem:$0x3F97];
	s0 =	simm.s32 @p0 $0x1  }
0x13: {  	[smem:$0x3FB2] =	sst s0;
	s0 =	simm.s32 @!p1 $0x0  }
0x14: {  	s2 =	sld [smem:$0x3F96];
	s0 =	simm.s32 @p1 $0x1  }
0x15: {  	[smem:$0x3FB3] =	sst s0;
	s0 =	simm.s32 @!p2 $0x0  }
0x16: {  	s3 =	sld [smem:$0x3FDB];
	s0 =	simm.s32 @p2 $0x1  }
0x17: {  	s4 =	simm.s32 $0x1BF5;
	[smem:$0x3FB5] =	sst s0  }
0x18: {  	s0 =	sld [smem:$0x3F98];
	_ =	swait.ge [sflag:s4], $0x0  }
0x19: {  	s7 =	sld [smem:$0x3F99]  }
0x1a: {  	s8 =	sadd.s32 $0xFFFFE003, lr  }
0x1b: {  	s9 =	sadd.s32 $0xFFFFFEF7, lr;
	s5 =	simm.s32 $0xFFFFFFFF;
	p2 =	slt.u32 s8, $0xFFFFF086  }
0x1c: {  	p1 =	slt.u32 s9, $0xF7A;
	s5 =	simm.s32 @!p2 $0x0  }
0x1d: {  	s5 =	simm.s32 @p1 $0x1;
	p0 =	seq.s32 s7, s2  }
0x1e: {  	s7 =	smul.u32 @!p0 $0xF7A, s2;
	p2 =	seq.s32 @!p0 s5, $0x0  }
0x1f: {  	s9 =	smul.u32 $0xF7A, s1;
	s8 =	simm.s32 @!p0 $0x1BF5;
	p2 =	por !p2, p0  }
0x20: {  	[sflag:s8] =	ssyncset.s32 @!p0 $0xFFFFF086;
	s6 =	sadd.s32 @!p0 s3, s7;
	s7 =	simm.s32 @!p0 $0x108  }
0x21: {  	s3 =	sadd.s32 s3, s9;
	s6 =	sadd.s32 @!p0 $0x88, s6;
	s7 =	simm.s32 @p2 $0x1082  }
0x22: {  	[simem:s7], [sflag:s8] =	dma.local @!p0 [hbm:s6], $0xF7A  }
0x23: {  	s9 =	sor.u32 $0xD0000000, s2;
	s6 =	simm.s32 $0x108;
	_ =	swait.ge @!p0 [sflag:s8], $0x0  }
0x24: {  	s3 =	sadd.s32 $0x88, s3;
	s6 =	simm.s32 @!p1 $0x1082;
	[sflag:s4] =	ssyncset.s32 $0xFFFFF086  }
0x25: {  	[simem:s6], [sflag:s4] =	dma.local [hbm:s3], $0xF7A  }
0x26: {  	[smem:$0x3F99] =	sst s1;
	(tag) =	ssettag s2;
	_ =	strace s9  }
0x27: {  	s1 =	sld [smem:$0x3FA9]  }
0x28: {  	s2 =	sld [smem:$0x3FAA]  }
0x29: {  	s4 =	sld [smem:$0x3FAC]  }
0x2a: {  	p0 =	seq.s32 s5, $0x0;
	s5 =	sld [smem:$0x3FAD]  }
0x2b: {  	s6 =	sld [smem:$0x3FAE]  }
0x2c: {  	s7 =	sld [smem:$0x3FAF]  }
0x2d: {  	s3 =	simm.s32 $0x108;
	s8 =	sld [smem:$0x3FB0]  }
0x2e: {  	s3 =	simm.s32 @!p0 $0x1082;
	s9 =	sld [smem:$0x3FB1]  }
0x2f: {  	lr =	sadd.s32 s0, s3;
	s0 =	sld [smem:$0x3FA8]  }
0x30: {  	s3 =	sld [smem:$0x3FAB]  }
0x31: {  	[smem:$0x3FB4] =	sst s10  }
0x32: {  	s10 =	sld [smem:$0x3FB2];
	_ =	sdelay $0x3  }
0x33: {  	p0 =	seq.s32 s10, $0x1;
	s10 =	sld [smem:$0x3FB4];
	_ =	sdelay $0x3  }
0x34: {  	[smem:$0x3FB4] =	sst s10  }
0x35: {  	s10 =	sld [smem:$0x3FB3];
	_ =	sdelay $0x3  }
0x36: {  	p1 =	seq.s32 s10, $0x1;
	s10 =	sld [smem:$0x3FB4];
	_ =	sdelay $0x3  }
0x37: {  	[smem:$0x3FB4] =	sst s10  }
0x38: {  	s10 =	sld [smem:$0x3FB5]  }
0x39: {  	_ = 	snop;
	(pc) =	sbr.ind lr, $3  }
0x3a: {  	_ = 	snop  }
0x3b: {  	_ = 	snop  }
0x3c: {  	p2 =	seq.s32 s10, $0x1;
	s10 =	sld [smem:$0x3FB4]  }
0x3d: {  	_ =	shalt  }
0x3e: {  	_ =	shalt  }
0x3f: {  	_ =	shalt  }
0x40: {  	_ =	shalt  }
0x41: {  	_ =	shalt  }
0x42: {  	_ =	shalt  }
0x43: {  	_ =	shalt  }
0x44: {  	_ =	shalt  }
0x45: {  	_ =	shalt  }
0x46: {  	_ =	shalt  }
0x47: {  	_ =	shalt  }
0x48: {  	_ =	shalt  }
0x49: {  	_ =	shalt  }
0x4a: {  	_ =	shalt  }
0x4b: {  	_ =	shalt  }
0x4c: {  	_ =	shalt  }
0x4d: {  	_ =	shalt  }
0x4e: {  	_ =	shalt  }
0x4f: {  	_ =	shalt  }
0x50: {  	_ =	shalt  }
0x51: {  	_ =	shalt  }
0x52: {  	_ =	shalt  }
0x53: {  	_ =	shalt  }
0x54: {  	_ =	shalt  }
0x55: {  	_ =	shalt  }
0x56: {  	_ =	shalt  }
0x57: {  	_ =	shalt  }
0x58: {  	_ =	shalt  }
0x59: {  	_ =	shalt  }
0x5a: {  	_ =	shalt  }
0x5b: {  	_ =	shalt  }
0x5c: {  	_ =	shalt  }
0x5d: {  	_ =	shalt  }
0x5e: {  	_ =	shalt  }
0x5f: {  	_ =	shalt  }
0x60: {  	_ =	shalt  }
0x61: {  	_ =	shalt  }
0x62: {  	_ =	shalt  }
0x63: {  	_ =	shalt  }
0x64: {  	_ =	shalt  }
0x65: {  	_ =	shalt  }
0x66: {  	_ =	shalt  }
0x67: {  	_ =	shalt  }
0x68: {  	_ =	shalt  }
0x69: {  	_ =	shalt  }
0x6a: {  	_ =	shalt  }
0x6b: {  	_ =	shalt  }
0x6c: {  	_ =	shalt  }
0x6d: {  	_ =	shalt  }
0x6e: {  	_ =	shalt  }
0x6f: {  	_ =	shalt  }
0x70: {  	_ =	shalt  }
0x71: {  	_ =	shalt  }
0x72: {  	_ =	shalt  }
0x73: {  	_ =	shalt  }
0x74: {  	_ =	shalt  }
0x75: {  	_ =	shalt  }
0x76: {  	_ =	shalt  }
0x77: {  	_ =	shalt  }
0x78: {  	_ =	shalt  }
0x79: {  	_ =	shalt  }
0x7a: {  	_ =	shalt  }
0x7b: {  	_ =	shalt  }
0x7c: {  	_ =	shalt  }
0x7d: {  	_ =	shalt  }
0x7e: {  	_ =	shalt  }
0x7f: {  	_ =	shalt  }
0x80: {  	_ =	shalt  }
0x81: {  	_ =	shalt  }
0x82: {  	_ =	shalt  }
0x83: {  	_ =	shalt  }
0x84: {  	_ =	shalt  }
0x85: {  	_ =	shalt  }
0x86: {  	_ =	shalt  }
0x87: {  	_ =	shalt  }
.Lfunc_end0:
.L_simem_size_0:
called_computation.2_lowered:
.L_overlay_start_0:
0x88: {  	s2 =	sld [smem:$0x3FD9]  }
0x89: {  	s3 =	sld [smem:$0x3FFE];
	_ =	sdelay $0x1  }
0x8a: {  	s1 =	srdreg.scid  }
0x8b: {  	s0 =	sand.u32 $0x1, s1  }
0x8c: {  	s17 =	sshll.u32 s0, $0xA;
	s2 =	sadd.s32 s3, s2  }
0x8d: {  	s2 =	sadd.s32 s2, s17  }
0x8e: {  	[smem:$0x3FC0] =	sst s2  }
0x8f: {  	_ = 	snop  }
0x90: {  	s2 =	sld [smem:$0x3FD0];
	(tm) =	ssettm $0x1  }
0x91: {  	s18 =	sld [smem:$0x3FFB];
	_ =	sdelay $0x3  }
0x92: {  	_ =	strace s18  }
0x93: {  	s3 =	sld [smem:$0x3FFC];
	_ =	sdelay $0x3  }
0x94: {  	_ =	strace s3  }
0x95: {  	s3 =	sld [smem:$0x3FFD];
	_ =	sdelay $0x3  }
0x96: {  	_ =	strace s3  }
0x97: {  	_ =	strace $0x8FFFFFFF  }
0x98: {  	s19 =	sld [smem:$0x3FDB];
	_ =	sdelay $0x1  }
0x99: {  	s4 =	simm.s32 $_scs_section_size  }
0x9a: {  	s5 =	simm.s32 $_size__tile_overlayer_lowered;
	s6 =	simm.s32 $_tile_overlayer_lowered  }
0x9b: {  	s22 =	simm.s32 $0x1BFF;
	s21 =	sshll.u32 s6, $0x1;
	s3 =	sadd.s32 s4, s19  }
0x9c: {  	s7 =	simm.s32 $0x0;
	s20 =	sshll.u32 s5, $0x1;
	s5 =	sadd.s32 s21, s3  }
0x9d: {  	[timem:s7], [sflag:s22] =	dma.local [hbm:s5], s20  }
0x9e: {  	_ =	swait.ge [sflag:s22], s20  }
0x9f: {  	s4 =	ssub.s32 $0x0, s20;
	[sflag:s22] =	ssyncset.done $0x0  }
0xa0: {  	[sflag:s22] =	ssyncadd.s32 s4;
	_ =	sdelay $0x1  }
0xa1: {  	s23 =	simm.s32 $0x1B8B  }
0xa2: {  	_ =	swait.ge [sflag:s23], $0x1  }
0xa3: {  	[sflag:s23] =	ssyncset.done $0x0  }
0xa4: {  	s25 =	simm.s32 $0x1B8E;
	s24 =	sld [smem:$0x3FFE];
	[sflag:s23] =	ssyncadd.s32 $0xFFFFFFFF  }
0xa5: {  	s26 =	simm.s32 $execute0_lowered;
	[smem:$0x3FD2] =	sst s25  }
0xa6: {  	s5 =	sshll.u32 s26, $0x1;
	_ =	strace $0x8000004C;
	[dreg:$0x1] =	wrdreg $0xFFFFFFFF  }
0xa7: {  	s28 =	simm.s32 $_size_execute0_lowered;
	s3 =	sadd.s32 s3, s5;
	[dreg:$0x0] =	wrdreg $0x0  }
0xa8: {  	s5 =	sshll.u32 s28, $0x1;
	[dreg:$0x2] =	wrdreg s3  }
0xa9: {  	[dreg:$0x3] =	wrdreg s5  }
0xaa: {  	[dreg:$0x4] =	wrdreg $0xC0  }
0xab: {  	_ =	task [dreg:s7], $0x5FFFF  }
0xac: {  	[dreg:$0x1] =	wrdreg $0xFFFFFFFF  }
0xad: {  	[dreg:$0x0] =	wrdreg $0x60  }
0xae: {  	[dreg:$0x2] =	wrdreg s2  }
0xaf: {  	[dreg:$0x3] =	wrdreg s24  }
0xb0: {  	[dreg:$0x4] =	wrdreg $0x7A000  }
0xb1: {  	[dreg:$0x5] =	wrdreg $0x9  }
0xb2: {  	_ =	task.clear_ibuf [dreg:s7], $0x6FFFF;
	_ =	strace $0x9000004C  }
0xb3: {  	s29 =	simm.s32 $0x9;
	_ =	strace $0x8000004E  }
0xb4: {  	_ =	swait.ge [sflag:s29], $0x1  }
0xb5: {  	[sflag:s29] =	ssyncadd.s32 $0xFFFFFFFF  }
0xb6: {  	_ =	strace $0x9000004E  }
0xb7: {  	_ =	sfence  }
0xb8: {  	s30 =	sld [smem:$0x0];
	_ =	sdelay $0x2  }
0xb9: {  	s31 =	sshll.u32 s1, $0xD;
	s1 =	sshrl.u32 s1, $0x2  }
0xba: {  	s3 =	sand.u32 $0x4000, s31;
	s1 =	sadd.s32 s1, s30  }
0xbb: {  	s0 =	sor.u32 s3, s0;
	s1 =	sshll.u32 s1, $0x11  }
0xbc: {  	s0 =	sor.u32 s1, s0  }
0xbd: {  	s0 =	sadd.s32 $0x8F2B, s0  }
0xbe: {  	[sflag:s0] =	ssyncadd.remote.s32 $0x1  }
0xbf: {  	_ =	sfence.sel $0xFFFF  }
0xc0: {  	[dreg:$0x0] =	wrdreg $0xFFFFFFFF;
	(pc) =	sbr.abs _section_cstart, $3  }
0xc1: {  	[dreg:$0x1] =	wrdreg $0xFFFFFFFF  }
0xc2: {  	_ =	task.clear_ibuf [dreg:s7], $0x2FFFF;
	_ =	strace $0x9FFFFFFF  }
0xc3: {  	(tm) =	ssettm $0x7FFFFFFF  }
tec
execute0_lowered:
.L_overlay_start_1:
0x0: {  	(tag) =	ssettag $0x1  }
0x1: {  	s1 =	rddreg [dreg:$0x0]  }
0x2: {  	s0 =	srdreg.scid;
	s2 =	rddreg [dreg:$0x1]  }
0x3: {  	s12 =	stileid.u32;
	s3 =	rddreg [dreg:$0x2]  }
0x4: {  	s4 =	simm.s32 $0x0;
	s28 =	simm.s32 $0x100;
	s29 =	simm.s32 $0x80  }
0x5: {  	s30 =	simm.s32 $0x1;
	s31 =	simm.s32 $0x7;
	s6 =	smul.u32 $0x13C00, s12  }
0x6: {  	s0 =	sand.u32 $0x1, s0;
	[smem:$0x7FF] =	sst s4;
	s22 =	smul.u32 $0x4F000, s12  }
0x7: {  	s7 =	sadd.s32 $0xCC00, s2;
	s8 =	sadd.s32 $0x2A00, s2;
	s5 =	smul.u32 $0x13C000, s0  }
0x8: {  	_ =	strace $0x8000004D;
	s9 =	ssub.s32 $0x2, s0;
	s23 =	sshll.u32 s0, $0x4  }
0x9: {  	s0 =	smul.u32 $0x28500, s0;
	s10 =	sshrl.u32 s9, $0x1;
	s11 =	sor.u32 s12, s23  }
0xa: {  	s12 =	smul.u32 $0x2850, s12;
	s5 =	sadd.s32 s6, s5;
	s6 =	sshrl.u32 s22, $0x2  }
0xb: {  	s24 =	ssub.s32 s9, s10;
	s25 =	smul.u32 $0x2850, s11;
	s10 =	simm.s32 $0x5  }
0xc: {  	s5 =	sshrl.u32 s5, $0x3;
	s19 =	smax.u32 s24, $0x1;
	s0 =	sadd.s32 s12, s0  }
0xd: {  	s12 =	simm.s32 $0x0;
	s2 =	sadd.s32 s5, s2;
	s5 =	sadd.s32 s6, s3  }
0xe: {  	s16 =	sshrl.u32 s25, $0x3;
	s9 =	sadd.s32 $0x168, s25;
	[dreg:$0xd] =	wrdreg s19  }
0xf: {  	s23 =	sadd.s32 $0x1E0, s0;
	s6 =	simm.s32 $0x180;
	s26 =	sadd.s32 $0x3C00, s5  }
0x10: {  	s11 =	sadd.s32 $0x7800, s5;
	s13 =	sadd.s32 $0xB400, s5;
	[dreg:$0x4] =	wrdreg s26  }
0x11: {  	s14 =	sadd.s32 $0xF000, s5;
	s15 =	sadd.s32 $0x12C00, s5;
	[dreg:$0x5] =	wrdreg s11  }
0x12: {  	s17 =	sadd.s32 s8, s16;
	s2 =	sadd.s32 $0x16E00, s2;
	[dreg:$0x6] =	wrdreg s13  }
0x13: {  	s21 =	sadd.s32 $0x1E, s16;
	s22 =	sshrl.u32 s9, $0x3;
	[dreg:$0x7] =	wrdreg s14  }
0x14: {  	s24 =	sshrl.u32 s23, $0x3;
	s9 =	simm.s32 $0x3;
	[dreg:$0x8] =	wrdreg s15  }
0x15: {  	s11 =	sadd.s32 $0x78, s25;
	s13 =	sadd.s32 s7, s16;
	[dreg:$0xa] =	wrdreg s17  }
0x16: {  	[dreg:$0xc] =	wrdreg s2;
	s17 =	sadd.s32 s7, s21;
	s19 =	sadd.s32 s7, s22  }
0x17: {  	s25 =	sadd.s32 $0x258, s0;
	s0 =	sadd.s32 $0x168, s0;
	s2 =	simm.s32 $0x6  }
0x18: {  	[dreg:$0x9] =	wrdreg s13;
	s11 =	sshrl.u32 s11, $0x3;
	s26 =	sshrl.u32 s25, $0x3  }
0x19: {  	s0 =	sshrl.u32 s0, $0x3;
	s25 =	simm.s32 $0x9;
	s18 =	sadd.s32 s7, s11  }
.Ltmp0:
0x1a: {  	s20 =	sadd.s32 s8, s11;
	s22 =	sadd.s32 s26, s7;
	(pc) =	sbr.rel .LBB2_1-.Ltmp0, $4  }
0x1b: {  	s23 =	sadd.s32 s0, s8;
	s26 =	simm.s32 $0x78;
	[dreg:$0xb] =	wrdreg s18  }
0x1c: {  	s0 =	simm.s32 $0x3E00;
	s11 =	simm.s32 $0x4;
	[dreg:$0xe] =	wrdreg s20  }
0x1d: {  	s18 =	sadd.s32 s8, s21;
	s20 =	sadd.s32 s24, s8;
	s21 =	sadd.s32 s24, s7  }
0x1e: {  	v0 =	vimm.f32 $0.0e+00;
	s24 =	simm.s32 $0x200;
	s7 =	simm.s32 $0x2;
	s8 =	simm.s32 $0x8  }
.LBB2_6:
0x1f: {  	_ =	swait.ge [sflag:s7], $0x3C00  }
0x20: {  	[sflag:s7] =	ssyncset.done $0x0  }
0x21: {  	[sflag:s7] =	ssyncadd.s32 $0xFFFFC400  }
0x22: {  	_ =	swait.ge [sflag:s8], $0x78  }
0x23: {  	[sflag:s8] =	ssyncset.done $0x0  }
0x24: {  	[sflag:s8] =	ssyncadd.s32 $0xFFFFFF88  }
0x25: {  	[spmem:s3] =	stream.indirect.scatter.add.f32 [tilespmem:s0], [sflag:$0x4], $0x80, s6, s26, $0xb8;
	[tilespmem:$0x1B600] =	vst v63  }
0x26: {  	_ =	swait.ge [sflag:s9], $0x3C00  }
0x27: {  	[sflag:s9] =	ssyncset.done $0x0  }
0x28: {  	[sflag:s9] =	ssyncadd.s32 $0xFFFFC400  }
0x29: {  	_ =	swait.ge [sflag:s11], $0x3C00  }
0x2a: {  	[sflag:s11] =	ssyncset.done $0x0  }
0x2b: {  	s13 =	stileid.u32;
	[sflag:s11] =	ssyncadd.s32 $0xFFFFC400  }
0x2c: {  	s13 =	sshll.u32 s13, $0x6;
	[bflag:$0x0] =	sbarrier.arrive $0xFFFF  }
0x2d: {  	s14 =	sshrl.u32 s5, $0x3;
	s13 =	sor.u32 $0x1C09, s13;
	s15 =	rddreg [dreg:$0xc]  }
0x2e: {  	[hbm:s15], [sflag:s13] =	dma.local [spmem:s14], $0x2780  }
0x2f: {  	_ =	swait.ge [sflag:s25], $0x2780  }
0x30: {  	s12 =	sadd.s32 $0x1, s12;
	s16 =	rddreg [dreg:$0xd]  }
0x31: {  	p0 =	sne.s32 s12, s16  }
.Ltmp1:
0x32: {  	_ = 	snop;
	(pc) =	sbr.rel @!p0 .LBB2_7-.Ltmp1, $3  }
0x33: {  	_ =	sdelay $0x1  }
0x34: {  	[sflag:s25] =	ssyncset.done $0x0  }
0x35: {  	[sflag:s25] =	ssyncadd.s32 $0xFFFFD880  }
.LBB2_1:
0x36: {  	s13 =	sand.u32 $0xFE00, s4  }
0x37: {  	s14 =	sand.u32 $0x70, s4;
	s15 =	sshrl.u32 s13, $0x2  }
0x38: {  	s13 =	simm.s32 $0x40;
	s15 =	sor.u32 s14, s15;
	s14 =	simm.s32 $0x0  }
.LBB2_2:
0x39: {  	p0 =	sne.s32 s13, $0xEFC0  }
0x3a: {  	[tilespmem:s15+$0x200] =	vst v0;
	s14 =	sadd.s32 $0x10, s14;
	s15 =	smov.u32 s13;
	s13 =	sadd.s32 $0x40, s13  }
.Ltmp2:
0x3b: {  	(pc) =	sbr.rel @p0 .LBB2_2-.Ltmp2, $4  }
0x3c: {  	_ = 	snop  }
0x3d: {  	s15 =	sand.u32 $0xFE00, s15  }
0x3e: {  	s16 =	sand.u32 $0x70, s14;
	s15 =	sshrl.u32 s15, $0x2  }
0x3f: {  	s15 =	sor.u32 s16, s15  }
0x40: {  	[tilespmem:s15+$0x200] =	vst v0  }
0x41: {  	[spmem:s5] =	stream.linear.scatter [tilespmem:s24], [sflag:$0x9], $0x3C00, $0x38;
	[tilespmem:$0x1B600] =	vst v63  }
0x42: {  	_ =	swait.ge [sflag:s25], $0x3C00  }
0x43: {  	[sflag:s25] =	ssyncset.done $0x0  }
0x44: {  	s13 =	rddreg [dreg:$0x4];
	[sflag:s25] =	ssyncadd.s32 $0xFFFFC400  }
0x45: {  	[spmem:s13] =	stream.linear.scatter [tilespmem:s24], [sflag:$0x9], $0x3C00, $0x38;
	[tilespmem:$0x1B600] =	vst v63  }
0x46: {  	_ =	swait.ge [sflag:s25], $0x3C00  }
0x47: {  	[sflag:s25] =	ssyncset.done $0x0  }
0x48: {  	s15 =	rddreg [dreg:$0x5];
	[sflag:s25] =	ssyncadd.s32 $0xFFFFC400  }
0x49: {  	[spmem:s15] =	stream.linear.scatter [tilespmem:s24], [sflag:$0x9], $0x3C00, $0x38;
	[tilespmem:$0x1B600] =	vst v63  }
0x4a: {  	_ =	swait.ge [sflag:s25], $0x3C00  }
0x4b: {  	[sflag:s25] =	ssyncset.done $0x0  }
0x4c: {  	s16 =	rddreg [dreg:$0x6];
	[sflag:s25] =	ssyncadd.s32 $0xFFFFC400  }
0x4d: {  	[spmem:s16] =	stream.linear.scatter [tilespmem:s24], [sflag:$0x9], $0x3C00, $0x38;
	[tilespmem:$0x1B600] =	vst v63  }
0x4e: {  	_ =	swait.ge [sflag:s25], $0x3C00  }
0x4f: {  	[sflag:s25] =	ssyncset.done $0x0  }
0x50: {  	s14 =	rddreg [dreg:$0x7];
	[sflag:s25] =	ssyncadd.s32 $0xFFFFC400  }
0x51: {  	[spmem:s14] =	stream.linear.scatter [tilespmem:s24], [sflag:$0x9], $0x3C00, $0x38;
	[tilespmem:$0x1B600] =	vst v63  }
0x52: {  	_ =	swait.ge [sflag:s25], $0x3C00  }
0x53: {  	[sflag:s25] =	ssyncset.done $0x0  }
0x54: {  	s15 =	rddreg [dreg:$0x8];
	[sflag:s25] =	ssyncadd.s32 $0xFFFFC400  }
0x55: {  	[spmem:s15] =	stream.linear.scatter [tilespmem:s24], [sflag:$0x9], $0x1000, $0x38;
	[tilespmem:$0x1B600] =	vst v63  }
0x56: {  	_ =	swait.ge [sflag:s25], $0x1000  }
0x57: {  	[sflag:s25] =	ssyncset.done $0x0  }
0x58: {  	[sflag:s25] =	ssyncadd.s32 $0xFFFFF000  }
0x59: {  	[bflag:$0x0] =	sbarrier.arrive $0xFFFF  }
0x5a: {  	s13 =	simm.s32 $0x0;
	s14 =	rddreg [dreg:$0x9]  }
0x5b: {  	[tilespmem:s13], [sflag:$0x9] =	stream.linear.gather [hbm4b:s14+s13], $0x78, $0x38;
	[tilespmem:$0x1B600] =	vst v63  }
0x5c: {  	_ =	swait.ge [sflag:s25], $0x78  }
0x5d: {  	[sflag:s25] =	ssyncset.done $0x0  }
0x5e: {  	[sflag:s25] =	ssyncadd.s32 $0xFFFFFF88  }
0x5f: {  	[tilespmem:s24], [sflag:$0x1] =	stream.indirect.gather [hbm4b:s1+s26], $0x80, s13, s26, $0xb8;
	[tilespmem:$0x1B600] =	vst v63  }
0x60: {  	s16 =	rddreg [dreg:$0xa]  }
0x61: {  	[tilespmem:s28], [sflag:$0x7] =	stream.linear.gather [hbm4b:s16+s13], $0x78, $0x38;
	[tilespmem:$0x1B600] =	vst v63  }
0x62: {  	s15 =	rddreg [dreg:$0xb]  }
0x63: {  	[tilespmem:s29], [sflag:$0x6] =	stream.linear.gather [hbm4b:s15+s13], $0x78, $0x38;
	[tilespmem:$0x1B600] =	vst v63  }
0x64: {  	_ =	swait.ge [sflag:s30], $0x3C00  }
0x65: {  	[sflag:s30] =	ssyncset.done $0x0  }
0x66: {  	[sflag:s30] =	ssyncadd.s32 $0xFFFFC400  }
0x67: {  	_ =	swait.ge [sflag:s31], $0x78  }
0x68: {  	[sflag:s31] =	ssyncset.done $0x0  }
0x69: {  	[sflag:s31] =	ssyncadd.s32 $0xFFFFFF88  }
0x6a: {  	[spmem:s3] =	stream.indirect.scatter.add.f32 [tilespmem:s24], [sflag:$0x3], $0x80, s28, s26, $0xb8;
	[tilespmem:$0x1B600] =	vst v63  }
0x6b: {  	_ =	swait.ge [sflag:s2], $0x78  }
0x6c: {  	[sflag:s2] =	ssyncset.done $0x0  }
0x6d: {  	[sflag:s2] =	ssyncadd.s32 $0xFFFFFF88  }
0x6e: {  	[tilespmem:s0], [sflag:$0x2] =	stream.indirect.gather [hbm4b:s1+s26], $0x80, s29, s26, $0xb8;
	[tilespmem:$0x1B600] =	vst v63  }
0x6f: {  	s16 =	rddreg [dreg:$0xe]  }
0x70: {  	[tilespmem:s6], [sflag:$0x8] =	stream.linear.gather [hbm4b:s16+s13], $0x78, $0x38;
	[tilespmem:$0x1B600] =	vst v63  }
0x71: {  	_ = 	snop  }
0x72: {  	[tilespmem:s13], [sflag:$0x5] =	stream.linear.gather [hbm4b:s17+s13], $0x78, $0x38;
	[tilespmem:$0x1B600] =	vst v63  }
0x73: {  	_ =	swait.ge [sflag:s7], $0x3C00  }
0x74: {  	[sflag:s7] =	ssyncset.done $0x0  }
0x75: {  	[sflag:s7] =	ssyncadd.s32 $0xFFFFC400  }
0x76: {  	_ =	swait.ge [sflag:s8], $0x78  }
0x77: {  	[sflag:s8] =	ssyncset.done $0x0  }
0x78: {  	[sflag:s8] =	ssyncadd.s32 $0xFFFFFF88  }
0x79: {  	[spmem:s3] =	stream.indirect.scatter.add.f32 [tilespmem:s0], [sflag:$0x4], $0x80, s6, s26, $0xb8;
	[tilespmem:$0x1B600] =	vst v63  }
0x7a: {  	_ =	swait.ge [sflag:s9], $0x3C00  }
0x7b: {  	[sflag:s9] =	ssyncset.done $0x0  }
0x7c: {  	[sflag:s9] =	ssyncadd.s32 $0xFFFFC400  }
0x7d: {  	_ =	swait.ge [sflag:s10], $0x78  }
0x7e: {  	[sflag:s10] =	ssyncset.done $0x0  }
0x7f: {  	[sflag:s10] =	ssyncadd.s32 $0xFFFFFF88  }
0x80: {  	[tilespmem:s24], [sflag:$0x1] =	stream.indirect.gather [hbm4b:s1+s26], $0x80, s13, s26, $0xb8;
	[tilespmem:$0x1B600] =	vst v63  }
0x81: {  	_ = 	snop  }
0x82: {  	[tilespmem:s28], [sflag:$0x7] =	stream.linear.gather [hbm4b:s18+s13], $0x78, $0x38;
	[tilespmem:$0x1B600] =	vst v63  }
0x83: {  	_ = 	snop  }
0x84: {  	[tilespmem:s29], [sflag:$0x6] =	stream.linear.gather [hbm4b:s19+s13], $0x78, $0x38;
	[tilespmem:$0x1B600] =	vst v63  }
.LBB2_4:
0x85: {  	_ =	swait.ge [sflag:s30], $0x3C00  }
0x86: {  	[sflag:s30] =	ssyncset.done $0x0  }
0x87: {  	[sflag:s30] =	ssyncadd.s32 $0xFFFFC400  }
0x88: {  	_ =	swait.ge [sflag:s31], $0x78  }
0x89: {  	[sflag:s31] =	ssyncset.done $0x0  }
0x8a: {  	[sflag:s31] =	ssyncadd.s32 $0xFFFFFF88  }
0x8b: {  	[spmem:s3] =	stream.indirect.scatter.add.f32 [tilespmem:s24], [sflag:$0x3], $0x80, s28, s26, $0xb8;
	[tilespmem:$0x1B600] =	vst v63  }
0x8c: {  	_ =	swait.ge [sflag:s11], $0x3C00  }
0x8d: {  	[sflag:s11] =	ssyncset.done $0x0  }
0x8e: {  	[sflag:s11] =	ssyncadd.s32 $0xFFFFC400  }
0x8f: {  	p0 =	seq.s32 s13, $0x4CE;
	_ =	swait.ge [sflag:s2], $0x78  }
.Ltmp3:
0x90: {  	[sflag:s2] =	ssyncset.done $0x0;
	(pc) =	sbr.rel @p0 .LBB2_6-.Ltmp3, $4  }
0x91: {  	[sflag:s2] =	ssyncadd.s32 $0xFFFFFF88  }
0x92: {  	[tilespmem:s0], [sflag:$0x2] =	stream.indirect.gather [hbm4b:s1+s26], $0x80, s29, s26, $0xb8;
	[tilespmem:$0x1B600] =	vst v63  }
0x93: {  	s14 =	sadd.s32 s13, s23  }
0x94: {  	[tilespmem:s6], [sflag:$0x8] =	stream.linear.gather [hbm4b:s14+s4], $0x78, $0x38;
	[tilespmem:$0x1B600] =	vst v63  }
0x95: {  	s14 =	sadd.s32 s13, s21  }
0x96: {  	[tilespmem:s4], [sflag:$0x5] =	stream.linear.gather [hbm4b:s14+s4], $0x78, $0x38;
	[tilespmem:$0x1B600] =	vst v63  }
0x97: {  	_ =	swait.ge [sflag:s7], $0x3C00  }
0x98: {  	[sflag:s7] =	ssyncset.done $0x0  }
0x99: {  	[sflag:s7] =	ssyncadd.s32 $0xFFFFC400  }
0x9a: {  	_ =	swait.ge [sflag:s8], $0x78  }
0x9b: {  	[sflag:s8] =	ssyncset.done $0x0  }
0x9c: {  	[sflag:s8] =	ssyncadd.s32 $0xFFFFFF88  }
0x9d: {  	[spmem:s3] =	stream.indirect.scatter.add.f32 [tilespmem:s0], [sflag:$0x4], $0x80, s6, s26, $0xb8;
	[tilespmem:$0x1B600] =	vst v63  }
0x9e: {  	_ =	swait.ge [sflag:s9], $0x3C00  }
0x9f: {  	[sflag:s9] =	ssyncset.done $0x0  }
0xa0: {  	[sflag:s9] =	ssyncadd.s32 $0xFFFFC400  }
0xa1: {  	_ =	swait.ge [sflag:s10], $0x78  }
0xa2: {  	[sflag:s10] =	ssyncset.done $0x0  }
0xa3: {  	[sflag:s10] =	ssyncadd.s32 $0xFFFFFF88  }
0xa4: {  	[tilespmem:s24], [sflag:$0x1] =	stream.indirect.gather [hbm4b:s1+s26], $0x80, s4, s26, $0xb8;
	[tilespmem:$0x1B600] =	vst v63  }
.Ltmp4:
0xa5: {  	_ = 	snop;
	(pc) =	sbr.rel .LBB2_4-.Ltmp4, $4  }
0xa6: {  	s15 =	sadd.s32 s13, s20  }
0xa7: {  	[tilespmem:s28], [sflag:$0x7] =	stream.linear.gather [hbm4b:s15+s4], $0x78, $0x38;
	[tilespmem:$0x1B600] =	vst v63  }
0xa8: {  	s16 =	sadd.s32 s13, s22;
	s13 =	sadd.s32 $0x1E, s13  }
0xa9: {  	[tilespmem:s29], [sflag:$0x6] =	stream.linear.gather [hbm4b:s16+s4], $0x78, $0x38;
	[tilespmem:$0x1B600] =	vst v63  }
.LBB2_7:
0xaa: {  	_ =	sfence.sel $0x180000  }
0xab: {  	[bflag:$0x0] =	sbarrier.arrive $0xFFFF  }
0xac: {  	_ =	strace $0x9000004D  }
0xad: {  	s0 =	stileid.u32;
	[bflag:$0x2] =	sbarrier.arrive $0xFFFF  }
0xae: {  	p0 =	sne.s32 s0, $0x0;
	s0 =	rddreg [dreg:$0x3]  }
0xaf: {  	s0 =	sadd.s32 @!p0 $0x100000, s0  }
0xb0: {  	[sflag:s0] =	ssyncadd.tile.s32 @!p0 $0x1;
	_ =	shalt  }
.Lfunc_end2:
_tile_overlayer_lowered:
.L_overlay_start_2:
0xb1: {  	(tag) =	ssettag $0x2  }
0xb2: {  	s0 =	rddreg [dreg:$0x0];
	s2 =	stileid.u32  }
0xb3: {  	s1 =	rddreg [dreg:$0x1];
	p0 =	sne.s32 s2, $0x0  }
0xb4: {  	s3 =	rddreg [dreg:$0x2];
	[bflag:$0x3] =	sbarrier.arrive $0xFFFF;
	s2 =	simm.s32 @!p0 $0x1C09  }
0xb5: {  	[timem:s3], [sflag:s2] =	dma.local @!p0 [hbm:s0], s1  }
0xb6: {  	s0 =	simm.s32 @!p0 $0x9  }
0xb7: {  	_ =	swait.ge @!p0 [sflag:s0], s1  }
0xb8: {  	s1 =	ssub.s32 @!p0 $0x0, s1;
	[sflag:s0] =	ssyncset.done @!p0 $0x0  }
0xb9: {  	[sflag:s0] =	ssyncadd.s32 @!p0 s1  }
0xba: {  	[bflag:$0x3] =	sbarrier.arrive $0xFFFF  }
0xbb: {  	_ =	shalt  }

// kernel: kernel.20.cloned.1.call-start
scs
__scs_entry_jumppad:
0x0: {  	(pc) =	sbr.rel $0x88, $3  }
0x1: {  	(tag) =	ssettag $0x0;
	lr =	simm.s32 $0x1  }
0x2: {  	[smem:$0x3F99] =	sst lr;
	_ =	strace $0xD0000000  }
0x3: {  	_ = 	snop  }
0x4: {  	_ = 	snop  }
0x5: {  	_ = 	snop  }
0x6: {  	_ = 	snop  }
0x7: {  	_ = 	snop  }
__scs_overlays_trampoline_lowered:
0x8: {  	[smem:$0x3FA8] =	sst s0  }
0x9: {  	[smem:$0x3FA9] =	sst s1  }
0xa: {  	[smem:$0x3FAA] =	sst s2  }
0xb: {  	[smem:$0x3FAB] =	sst s3  }
0xc: {  	[smem:$0x3FAC] =	sst s4  }
0xd: {  	[smem:$0x3FAD] =	sst s5  }
0xe: {  	[smem:$0x3FAE] =	sst s6  }
0xf: {  	[smem:$0x3FAF] =	sst s7  }
0x10: {  	[smem:$0x3FB0] =	sst s8  }
0x11: {  	[smem:$0x3FB1] =	sst s9;
	s0 =	simm.s32 @!p0 $0x0  }
0x12: {  	s1 =	sld [smem:$0x3F97];
	s0 =	simm.s32 @p0 $0x1  }
0x13: {  	[smem:$0x3FB2] =	sst s0;
	s0 =	simm.s32 @!p1 $0x0  }
0x14: {  	s2 =	sld [smem:$0x3F96];
	s0 =	simm.s32 @p1 $0x1  }
0x15: {  	[smem:$0x3FB3] =	sst s0;
	s0 =	simm.s32 @!p2 $0x0  }
0x16: {  	s3 =	sld [smem:$0x3FDB];
	s0 =	simm.s32 @p2 $0x1  }
0x17: {  	s4 =	simm.s32 $0x1BF5;
	[smem:$0x3FB5] =	sst s0  }
0x18: {  	s0 =	sld [smem:$0x3F98];
	_ =	swait.ge [sflag:s4], $0x0  }
0x19: {  	s7 =	sld [smem:$0x3F99]  }
0x1a: {  	s8 =	sadd.s32 $0xFFFFE003, lr  }
0x1b: {  	s9 =	sadd.s32 $0xFFFFFEF7, lr;
	s5 =	simm.s32 $0xFFFFFFFF;
	p2 =	slt.u32 s8, $0xFFFFF086  }
0x1c: {  	p1 =	slt.u32 s9, $0xF7A;
	s5 =	simm.s32 @!p2 $0x0  }
0x1d: {  	s5 =	simm.s32 @p1 $0x1;
	p0 =	seq.s32 s7, s2  }
0x1e: {  	s7 =	smul.u32 @!p0 $0xF7A, s2;
	p2 =	seq.s32 @!p0 s5, $0x0  }
0x1f: {  	s9 =	smul.u32 $0xF7A, s1;
	s8 =	simm.s32 @!p0 $0x1BF5;
	p2 =	por !p2, p0  }
0x20: {  	[sflag:s8] =	ssyncset.s32 @!p0 $0xFFFFF086;
	s6 =	sadd.s32 @!p0 s3, s7;
	s7 =	simm.s32 @!p0 $0x108  }
0x21: {  	s3 =	sadd.s32 s3, s9;
	s6 =	sadd.s32 @!p0 $0x88, s6;
	s7 =	simm.s32 @p2 $0x1082  }
0x22: {  	[simem:s7], [sflag:s8] =	dma.local @!p0 [hbm:s6], $0xF7A  }
0x23: {  	s9 =	sor.u32 $0xD0000000, s2;
	s6 =	simm.s32 $0x108;
	_ =	swait.ge @!p0 [sflag:s8], $0x0  }
0x24: {  	s3 =	sadd.s32 $0x88, s3;
	s6 =	simm.s32 @!p1 $0x1082;
	[sflag:s4] =	ssyncset.s32 $0xFFFFF086  }
0x25: {  	[simem:s6], [sflag:s4] =	dma.local [hbm:s3], $0xF7A  }
0x26: {  	[smem:$0x3F99] =	sst s1;
	(tag) =	ssettag s2;
	_ =	strace s9  }
0x27: {  	s1 =	sld [smem:$0x3FA9]  }
0x28: {  	s2 =	sld [smem:$0x3FAA]  }
0x29: {  	s4 =	sld [smem:$0x3FAC]  }
0x2a: {  	p0 =	seq.s32 s5, $0x0;
	s5 =	sld [smem:$0x3FAD]  }
0x2b: {  	s6 =	sld [smem:$0x3FAE]  }
0x2c: {  	s7 =	sld [smem:$0x3FAF]  }
0x2d: {  	s3 =	simm.s32 $0x108;
	s8 =	sld [smem:$0x3FB0]  }
0x2e: {  	s3 =	simm.s32 @!p0 $0x1082;
	s9 =	sld [smem:$0x3FB1]  }
0x2f: {  	lr =	sadd.s32 s0, s3;
	s0 =	sld [smem:$0x3FA8]  }
0x30: {  	s3 =	sld [smem:$0x3FAB]  }
0x31: {  	[smem:$0x3FB4] =	sst s10  }
0x32: {  	s10 =	sld [smem:$0x3FB2];
	_ =	sdelay $0x3  }
0x33: {  	p0 =	seq.s32 s10, $0x1;
	s10 =	sld [smem:$0x3FB4];
	_ =	sdelay $0x3  }
0x34: {  	[smem:$0x3FB4] =	sst s10  }
0x35: {  	s10 =	sld [smem:$0x3FB3];
	_ =	sdelay $0x3  }
0x36: {  	p1 =	seq.s32 s10, $0x1;
	s10 =	sld [smem:$0x3FB4];
	_ =	sdelay $0x3  }
0x37: {  	[smem:$0x3FB4] =	sst s10  }
0x38: {  	s10 =	sld [smem:$0x3FB5]  }
0x39: {  	_ = 	snop;
	(pc) =	sbr.ind lr, $3  }
0x3a: {  	_ = 	snop  }
0x3b: {  	_ = 	snop  }
0x3c: {  	p2 =	seq.s32 s10, $0x1;
	s10 =	sld [smem:$0x3FB4]  }
0x3d: {  	_ =	shalt  }
0x3e: {  	_ =	shalt  }
0x3f: {  	_ =	shalt  }
0x40: {  	_ =	shalt  }
0x41: {  	_ =	shalt  }
0x42: {  	_ =	shalt  }
0x43: {  	_ =	shalt  }
0x44: {  	_ =	shalt  }
0x45: {  	_ =	shalt  }
0x46: {  	_ =	shalt  }
0x47: {  	_ =	shalt  }
0x48: {  	_ =	shalt  }
0x49: {  	_ =	shalt  }
0x4a: {  	_ =	shalt  }
0x4b: {  	_ =	shalt  }
0x4c: {  	_ =	shalt  }
0x4d: {  	_ =	shalt  }
0x4e: {  	_ =	shalt  }
0x4f: {  	_ =	shalt  }
0x50: {  	_ =	shalt  }
0x51: {  	_ =	shalt  }
0x52: {  	_ =	shalt  }
0x53: {  	_ =	shalt  }
0x54: {  	_ =	shalt  }
0x55: {  	_ =	shalt  }
0x56: {  	_ =	shalt  }
0x57: {  	_ =	shalt  }
0x58: {  	_ =	shalt  }
0x59: {  	_ =	shalt  }
0x5a: {  	_ =	shalt  }
0x5b: {  	_ =	shalt  }
0x5c: {  	_ =	shalt  }
0x5d: {  	_ =	shalt  }
0x5e: {  	_ =	shalt  }
0x5f: {  	_ =	shalt  }
0x60: {  	_ =	shalt  }
0x61: {  	_ =	shalt  }
0x62: {  	_ =	shalt  }
0x63: {  	_ =	shalt  }
0x64: {  	_ =	shalt  }
0x65: {  	_ =	shalt  }
0x66: {  	_ =	shalt  }
0x67: {  	_ =	shalt  }
0x68: {  	_ =	shalt  }
0x69: {  	_ =	shalt  }
0x6a: {  	_ =	shalt  }
0x6b: {  	_ =	shalt  }
0x6c: {  	_ =	shalt  }
0x6d: {  	_ =	shalt  }
0x6e: {  	_ =	shalt  }
0x6f: {  	_ =	shalt  }
0x70: {  	_ =	shalt  }
0x71: {  	_ =	shalt  }
0x72: {  	_ =	shalt  }
0x73: {  	_ =	shalt  }
0x74: {  	_ =	shalt  }
0x75: {  	_ =	shalt  }
0x76: {  	_ =	shalt  }
0x77: {  	_ =	shalt  }
0x78: {  	_ =	shalt  }
0x79: {  	_ =	shalt  }
0x7a: {  	_ =	shalt  }
0x7b: {  	_ =	shalt  }
0x7c: {  	_ =	shalt  }
0x7d: {  	_ =	shalt  }
0x7e: {  	_ =	shalt  }
0x7f: {  	_ =	shalt  }
0x80: {  	_ =	shalt  }
0x81: {  	_ =	shalt  }
0x82: {  	_ =	shalt  }
0x83: {  	_ =	shalt  }
0x84: {  	_ =	shalt  }
0x85: {  	_ =	shalt  }
0x86: {  	_ =	shalt  }
0x87: {  	_ =	shalt  }
.Lfunc_end0:
.L_simem_size_0:
called_computation.3_lowered:
.L_overlay_start_0:
0x88: {  	s2 =	sld [smem:$0x3FD9]  }
0x89: {  	s3 =	sld [smem:$0x3FFE];
	_ =	sdelay $0x1  }
0x8a: {  	s1 =	srdreg.scid  }
0x8b: {  	s0 =	sand.u32 $0x1, s1  }
0x8c: {  	s17 =	sshll.u32 s0, $0xA;
	s2 =	sadd.s32 s3, s2  }
0x8d: {  	s2 =	sadd.s32 s2, s17  }
0x8e: {  	[smem:$0x3FC0] =	sst s2  }
0x8f: {  	_ = 	snop  }
0x90: {  	s2 =	sld [smem:$0x3FD0];
	(tm) =	ssettm $0x1  }
0x91: {  	s18 =	sld [smem:$0x3FFB];
	_ =	sdelay $0x3  }
0x92: {  	_ =	strace s18  }
0x93: {  	s3 =	sld [smem:$0x3FFC];
	_ =	sdelay $0x3  }
0x94: {  	_ =	strace s3  }
0x95: {  	s3 =	sld [smem:$0x3FFD];
	_ =	sdelay $0x3  }
0x96: {  	_ =	strace s3  }
0x97: {  	_ =	strace $0x8FFFFFFF  }
0x98: {  	s19 =	sld [smem:$0x3FDB];
	_ =	sdelay $0x1  }
0x99: {  	s4 =	simm.s32 $_scs_section_size  }
0x9a: {  	s5 =	simm.s32 $_size__tile_overlayer_lowered;
	s6 =	simm.s32 $_tile_overlayer_lowered  }
0x9b: {  	s22 =	simm.s32 $0x1BFF;
	s21 =	sshll.u32 s6, $0x1;
	s3 =	sadd.s32 s4, s19  }
0x9c: {  	s7 =	simm.s32 $0x0;
	s20 =	sshll.u32 s5, $0x1;
	s5 =	sadd.s32 s21, s3  }
0x9d: {  	[timem:s7], [sflag:s22] =	dma.local [hbm:s5], s20  }
0x9e: {  	_ =	swait.ge [sflag:s22], s20  }
0x9f: {  	s4 =	ssub.s32 $0x0, s20;
	[sflag:s22] =	ssyncset.done $0x0  }
0xa0: {  	[sflag:s22] =	ssyncadd.s32 s4;
	_ =	sdelay $0x1  }
0xa1: {  	s23 =	simm.s32 $0x1B8B  }
0xa2: {  	_ =	swait.ge [sflag:s23], $0x1  }
0xa3: {  	[sflag:s23] =	ssyncset.done $0x0  }
0xa4: {  	s25 =	simm.s32 $0x1B8E;
	s24 =	sld [smem:$0x3FFE];
	[sflag:s23] =	ssyncadd.s32 $0xFFFFFFFF  }
0xa5: {  	s26 =	simm.s32 $execute0_lowered;
	[smem:$0x3FD2] =	sst s25  }
0xa6: {  	s5 =	sshll.u32 s26, $0x1;
	_ =	strace $0x8000004F;
	[dreg:$0x1] =	wrdreg $0xFFFFFFFF  }
0xa7: {  	s28 =	simm.s32 $_size_execute0_lowered;
	s3 =	sadd.s32 s3, s5;
	[dreg:$0x0] =	wrdreg $0x0  }
0xa8: {  	s5 =	sshll.u32 s28, $0x1;
	[dreg:$0x2] =	wrdreg s3  }
0xa9: {  	[dreg:$0x3] =	wrdreg s5  }
0xaa: {  	[dreg:$0x4] =	wrdreg $0xC0  }
0xab: {  	_ =	task [dreg:s7], $0x5FFFF  }
0xac: {  	[dreg:$0x1] =	wrdreg $0xFFFFFFFF  }
0xad: {  	[dreg:$0x0] =	wrdreg $0x60  }
0xae: {  	[dreg:$0x2] =	wrdreg s2  }
0xaf: {  	[dreg:$0x3] =	wrdreg s24  }
0xb0: {  	[dreg:$0x4] =	wrdreg $0x7A000  }
0xb1: {  	[dreg:$0x5] =	wrdreg $0x9  }
0xb2: {  	_ =	task.clear_ibuf [dreg:s7], $0x6FFFF;
	_ =	strace $0x9000004F  }
0xb3: {  	s29 =	simm.s32 $0x9;
	_ =	strace $0x80000051  }
0xb4: {  	_ =	swait.ge [sflag:s29], $0x1  }
0xb5: {  	[sflag:s29] =	ssyncadd.s32 $0xFFFFFFFF  }
0xb6: {  	_ =	strace $0x90000051  }
0xb7: {  	_ =	sfence  }
0xb8: {  	s30 =	sld [smem:$0x0];
	_ =	sdelay $0x2  }
0xb9: {  	s31 =	sshll.u32 s1, $0xD;
	s1 =	sshrl.u32 s1, $0x2  }
0xba: {  	s3 =	sand.u32 $0x4000, s31;
	s1 =	sadd.s32 s1, s30  }
0xbb: {  	s0 =	sor.u32 s3, s0;
	s1 =	sshll.u32 s1, $0x11  }
0xbc: {  	s0 =	sor.u32 s1, s0  }
0xbd: {  	s0 =	sadd.s32 $0x8F2B, s0  }
0xbe: {  	[sflag:s0] =	ssyncadd.remote.s32 $0x1  }
0xbf: {  	_ =	sfence.sel $0xFFFF  }
0xc0: {  	[dreg:$0x0] =	wrdreg $0xFFFFFFFF;
	(pc) =	sbr.abs _section_cstart, $3  }
0xc1: {  	[dreg:$0x1] =	wrdreg $0xFFFFFFFF  }
0xc2: {  	_ =	task.clear_ibuf [dreg:s7], $0x2FFFF;
	_ =	strace $0x9FFFFFFF  }
0xc3: {  	(tm) =	ssettm $0x7FFFFFFF  }
tec
execute0_lowered:
.L_overlay_start_1:
0x0: {  	(tag) =	ssettag $0x1  }
0x1: {  	s1 =	rddreg [dreg:$0x0]  }
0x2: {  	s0 =	srdreg.scid;
	s2 =	rddreg [dreg:$0x1]  }
0x3: {  	s12 =	stileid.u32;
	s3 =	rddreg [dreg:$0x2]  }
0x4: {  	s4 =	simm.s32 $0x0;
	s28 =	simm.s32 $0x100;
	s29 =	simm.s32 $0x80  }
0x5: {  	s30 =	simm.s32 $0x1;
	s31 =	simm.s32 $0x7;
	s6 =	smul.u32 $0x13C00, s12  }
0x6: {  	s0 =	sand.u32 $0x1, s0;
	[smem:$0x7FF] =	sst s4;
	s22 =	smul.u32 $0x4F000, s12  }
0x7: {  	s7 =	sadd.s32 $0xCC00, s2;
	s8 =	sadd.s32 $0x2A00, s2;
	s5 =	smul.u32 $0x13C000, s0  }
0x8: {  	_ =	strace $0x80000050;
	s9 =	ssub.s32 $0x2, s0;
	s23 =	sshll.u32 s0, $0x4  }
0x9: {  	s0 =	smul.u32 $0x28500, s0;
	s10 =	sshrl.u32 s9, $0x1;
	s11 =	sor.u32 s12, s23  }
0xa: {  	s12 =	smul.u32 $0x2850, s12;
	s5 =	sadd.s32 s6, s5;
	s6 =	sshrl.u32 s22, $0x2  }
0xb: {  	s24 =	ssub.s32 s9, s10;
	s25 =	smul.u32 $0x2850, s11;
	s10 =	simm.s32 $0x5  }
0xc: {  	s5 =	sshrl.u32 s5, $0x3;
	s19 =	smax.u32 s24, $0x1;
	s0 =	sadd.s32 s12, s0  }
0xd: {  	s12 =	simm.s32 $0x0;
	s2 =	sadd.s32 s5, s2;
	s5 =	sadd.s32 s6, s3  }
0xe: {  	s16 =	sshrl.u32 s25, $0x3;
	s9 =	sadd.s32 $0x168, s25;
	[dreg:$0xd] =	wrdreg s19  }
0xf: {  	s23 =	sadd.s32 $0x1E0, s0;
	s6 =	simm.s32 $0x180;
	s26 =	sadd.s32 $0x3C00, s5  }
0x10: {  	s11 =	sadd.s32 $0x7800, s5;
	s13 =	sadd.s32 $0xB400, s5;
	[dreg:$0x4] =	wrdreg s26  }
0x11: {  	s14 =	sadd.s32 $0xF000, s5;
	s15 =	sadd.s32 $0x12C00, s5;
	[dreg:$0x5] =	wrdreg s11  }
0x12: {  	s17 =	sadd.s32 s8, s16;
	s2 =	sadd.s32 $0x16E00, s2;
	[dreg:$0x6] =	wrdreg s13  }
0x13: {  	s21 =	sadd.s32 $0x1E, s16;
	s22 =	sshrl.u32 s9, $0x3;
	[dreg:$0x7] =	wrdreg s14  }
0x14: {  	s24 =	sshrl.u32 s23, $0x3;
	s9 =	simm.s32 $0x3;
	[dreg:$0x8] =	wrdreg s15  }
0x15: {  	s11 =	sadd.s32 $0x78, s25;
	s13 =	sadd.s32 s7, s16;
	[dreg:$0xa] =	wrdreg s17  }
0x16: {  	[dreg:$0xc] =	wrdreg s2;
	s17 =	sadd.s32 s7, s21;
	s19 =	sadd.s32 s7, s22  }
0x17: {  	s25 =	sadd.s32 $0x258, s0;
	s0 =	sadd.s32 $0x168, s0;
	s2 =	simm.s32 $0x6  }
0x18: {  	[dreg:$0x9] =	wrdreg s13;
	s11 =	sshrl.u32 s11, $0x3;
	s26 =	sshrl.u32 s25, $0x3  }
0x19: {  	s0 =	sshrl.u32 s0, $0x3;
	s25 =	simm.s32 $0x9;
	s18 =	sadd.s32 s7, s11  }
.Ltmp0:
0x1a: {  	s20 =	sadd.s32 s8, s11;
	s22 =	sadd.s32 s26, s7;
	(pc) =	sbr.rel .LBB2_1-.Ltmp0, $4  }
0x1b: {  	s23 =	sadd.s32 s0, s8;
	s26 =	simm.s32 $0x78;
	[dreg:$0xb] =	wrdreg s18  }
0x1c: {  	s0 =	simm.s32 $0x3E00;
	s11 =	simm.s32 $0x4;
	[dreg:$0xe] =	wrdreg s20  }
0x1d: {  	s18 =	sadd.s32 s8, s21;
	s20 =	sadd.s32 s24, s8;
	s21 =	sadd.s32 s24, s7  }
0x1e: {  	v0 =	vimm.f32 $0.0e+00;
	s24 =	simm.s32 $0x200;
	s7 =	simm.s32 $0x2;
	s8 =	simm.s32 $0x8  }
.LBB2_6:
0x1f: {  	_ =	swait.ge [sflag:s7], $0x3C00  }
0x20: {  	[sflag:s7] =	ssyncset.done $0x0  }
0x21: {  	[sflag:s7] =	ssyncadd.s32 $0xFFFFC400  }
0x22: {  	_ =	swait.ge [sflag:s8], $0x78  }
0x23: {  	[sflag:s8] =	ssyncset.done $0x0  }
0x24: {  	[sflag:s8] =	ssyncadd.s32 $0xFFFFFF88  }
0x25: {  	[spmem:s3] =	stream.indirect.scatter.add.f32 [tilespmem:s0], [sflag:$0x4], $0x80, s6, s26, $0xb8;
	[tilespmem:$0x1B600] =	vst v63  }
0x26: {  	_ =	swait.ge [sflag:s9], $0x3C00  }
0x27: {  	[sflag:s9] =	ssyncset.done $0x0  }
0x28: {  	[sflag:s9] =	ssyncadd.s32 $0xFFFFC400  }
0x29: {  	_ =	swait.ge [sflag:s11], $0x3C00  }
0x2a: {  	[sflag:s11] =	ssyncset.done $0x0  }
0x2b: {  	s13 =	stileid.u32;
	[sflag:s11] =	ssyncadd.s32 $0xFFFFC400  }
0x2c: {  	s13 =	sshll.u32 s13, $0x6;
	[bflag:$0x0] =	sbarrier.arrive $0xFFFF  }
0x2d: {  	s14 =	sshrl.u32 s5, $0x3;
	s13 =	sor.u32 $0x1C09, s13;
	s15 =	rddreg [dreg:$0xc]  }
0x2e: {  	[hbm:s15], [sflag:s13] =	dma.local [spmem:s14], $0x2780  }
0x2f: {  	_ =	swait.ge [sflag:s25], $0x2780  }
0x30: {  	s12 =	sadd.s32 $0x1, s12;
	s16 =	rddreg [dreg:$0xd]  }
0x31: {  	p0 =	sne.s32 s12, s16  }
.Ltmp1:
0x32: {  	_ = 	snop;
	(pc) =	sbr.rel @!p0 .LBB2_7-.Ltmp1, $3  }
0x33: {  	_ =	sdelay $0x1  }
0x34: {  	[sflag:s25] =	ssyncset.done $0x0  }
0x35: {  	[sflag:s25] =	ssyncadd.s32 $0xFFFFD880  }
.LBB2_1:
0x36: {  	s13 =	sand.u32 $0xFE00, s4  }
0x37: {  	s14 =	sand.u32 $0x70, s4;
	s15 =	sshrl.u32 s13, $0x2  }
0x38: {  	s13 =	simm.s32 $0x40;
	s15 =	sor.u32 s14, s15;
	s14 =	simm.s32 $0x0  }
.LBB2_2:
0x39: {  	p0 =	sne.s32 s13, $0xEFC0  }
0x3a: {  	[tilespmem:s15+$0x200] =	vst v0;
	s14 =	sadd.s32 $0x10, s14;
	s15 =	smov.u32 s13;
	s13 =	sadd.s32 $0x40, s13  }
.Ltmp2:
0x3b: {  	(pc) =	sbr.rel @p0 .LBB2_2-.Ltmp2, $4  }
0x3c: {  	_ = 	snop  }
0x3d: {  	s15 =	sand.u32 $0xFE00, s15  }
0x3e: {  	s16 =	sand.u32 $0x70, s14;
	s15 =	sshrl.u32 s15, $0x2  }
0x3f: {  	s15 =	sor.u32 s16, s15  }
0x40: {  	[tilespmem:s15+$0x200] =	vst v0  }
0x41: {  	[spmem:s5] =	stream.linear.scatter [tilespmem:s24], [sflag:$0x9], $0x3C00, $0x38;
	[tilespmem:$0x1B600] =	vst v63  }
0x42: {  	_ =	swait.ge [sflag:s25], $0x3C00  }
0x43: {  	[sflag:s25] =	ssyncset.done $0x0  }
0x44: {  	s13 =	rddreg [dreg:$0x4];
	[sflag:s25] =	ssyncadd.s32 $0xFFFFC400  }
0x45: {  	[spmem:s13] =	stream.linear.scatter [tilespmem:s24], [sflag:$0x9], $0x3C00, $0x38;
	[tilespmem:$0x1B600] =	vst v63  }
0x46: {  	_ =	swait.ge [sflag:s25], $0x3C00  }
0x47: {  	[sflag:s25] =	ssyncset.done $0x0  }
0x48: {  	s15 =	rddreg [dreg:$0x5];
	[sflag:s25] =	ssyncadd.s32 $0xFFFFC400  }
0x49: {  	[spmem:s15] =	stream.linear.scatter [tilespmem:s24], [sflag:$0x9], $0x3C00, $0x38;
	[tilespmem:$0x1B600] =	vst v63  }
0x4a: {  	_ =	swait.ge [sflag:s25], $0x3C00  }
0x4b: {  	[sflag:s25] =	ssyncset.done $0x0  }
0x4c: {  	s16 =	rddreg [dreg:$0x6];
	[sflag:s25] =	ssyncadd.s32 $0xFFFFC400  }
0x4d: {  	[spmem:s16] =	stream.linear.scatter [tilespmem:s24], [sflag:$0x9], $0x3C00, $0x38;
	[tilespmem:$0x1B600] =	vst v63  }
0x4e: {  	_ =	swait.ge [sflag:s25], $0x3C00  }
0x4f: {  	[sflag:s25] =	ssyncset.done $0x0  }
0x50: {  	s14 =	rddreg [dreg:$0x7];
	[sflag:s25] =	ssyncadd.s32 $0xFFFFC400  }
0x51: {  	[spmem:s14] =	stream.linear.scatter [tilespmem:s24], [sflag:$0x9], $0x3C00, $0x38;
	[tilespmem:$0x1B600] =	vst v63  }
0x52: {  	_ =	swait.ge [sflag:s25], $0x3C00  }
0x53: {  	[sflag:s25] =	ssyncset.done $0x0  }
0x54: {  	s15 =	rddreg [dreg:$0x8];
	[sflag:s25] =	ssyncadd.s32 $0xFFFFC400  }
0x55: {  	[spmem:s15] =	stream.linear.scatter [tilespmem:s24], [sflag:$0x9], $0x1000, $0x38;
	[tilespmem:$0x1B600] =	vst v63  }
0x56: {  	_ =	swait.ge [sflag:s25], $0x1000  }
0x57: {  	[sflag:s25] =	ssyncset.done $0x0  }
0x58: {  	[sflag:s25] =	ssyncadd.s32 $0xFFFFF000  }
0x59: {  	[bflag:$0x0] =	sbarrier.arrive $0xFFFF  }
0x5a: {  	s13 =	simm.s32 $0x0;
	s14 =	rddreg [dreg:$0x9]  }
0x5b: {  	[tilespmem:s13], [sflag:$0x9] =	stream.linear.gather [hbm4b:s14+s13], $0x78, $0x38;
	[tilespmem:$0x1B600] =	vst v63  }
0x5c: {  	_ =	swait.ge [sflag:s25], $0x78  }
0x5d: {  	[sflag:s25] =	ssyncset.done $0x0  }
0x5e: {  	[sflag:s25] =	ssyncadd.s32 $0xFFFFFF88  }
0x5f: {  	[tilespmem:s24], [sflag:$0x1] =	stream.indirect.gather [hbm4b:s1+s26], $0x80, s13, s26, $0xb8;
	[tilespmem:$0x1B600] =	vst v63  }
0x60: {  	s16 =	rddreg [dreg:$0xa]  }
0x61: {  	[tilespmem:s28], [sflag:$0x7] =	stream.linear.gather [hbm4b:s16+s13], $0x78, $0x38;
	[tilespmem:$0x1B600] =	vst v63  }
0x62: {  	s15 =	rddreg [dreg:$0xb]  }
0x63: {  	[tilespmem:s29], [sflag:$0x6] =	stream.linear.gather [hbm4b:s15+s13], $0x78, $0x38;
	[tilespmem:$0x1B600] =	vst v63  }
0x64: {  	_ =	swait.ge [sflag:s30], $0x3C00  }
0x65: {  	[sflag:s30] =	ssyncset.done $0x0  }
0x66: {  	[sflag:s30] =	ssyncadd.s32 $0xFFFFC400  }
0x67: {  	_ =	swait.ge [sflag:s31], $0x78  }
0x68: {  	[sflag:s31] =	ssyncset.done $0x0  }
0x69: {  	[sflag:s31] =	ssyncadd.s32 $0xFFFFFF88  }
0x6a: {  	[spmem:s3] =	stream.indirect.scatter.add.f32 [tilespmem:s24], [sflag:$0x3], $0x80, s28, s26, $0xb8;
	[tilespmem:$0x1B600] =	vst v63  }
0x6b: {  	_ =	swait.ge [sflag:s2], $0x78  }
0x6c: {  	[sflag:s2] =	ssyncset.done $0x0  }
0x6d: {  	[sflag:s2] =	ssyncadd.s32 $0xFFFFFF88  }
0x6e: {  	[tilespmem:s0], [sflag:$0x2] =	stream.indirect.gather [hbm4b:s1+s26], $0x80, s29, s26, $0xb8;
	[tilespmem:$0x1B600] =	vst v63  }
0x6f: {  	s16 =	rddreg [dreg:$0xe]  }
0x70: {  	[tilespmem:s6], [sflag:$0x8] =	stream.linear.gather [hbm4b:s16+s13], $0x78, $0x38;
	[tilespmem:$0x1B600] =	vst v63  }
0x71: {  	_ = 	snop  }
0x72: {  	[tilespmem:s13], [sflag:$0x5] =	stream.linear.gather [hbm4b:s17+s13], $0x78, $0x38;
	[tilespmem:$0x1B600] =	vst v63  }
0x73: {  	_ =	swait.ge [sflag:s7], $0x3C00  }
0x74: {  	[sflag:s7] =	ssyncset.done $0x0  }
0x75: {  	[sflag:s7] =	ssyncadd.s32 $0xFFFFC400  }
0x76: {  	_ =	swait.ge [sflag:s8], $0x78  }
0x77: {  	[sflag:s8] =	ssyncset.done $0x0  }
0x78: {  	[sflag:s8] =	ssyncadd.s32 $0xFFFFFF88  }
0x79: {  	[spmem:s3] =	stream.indirect.scatter.add.f32 [tilespmem:s0], [sflag:$0x4], $0x80, s6, s26, $0xb8;
	[tilespmem:$0x1B600] =	vst v63  }
0x7a: {  	_ =	swait.ge [sflag:s9], $0x3C00  }
0x7b: {  	[sflag:s9] =	ssyncset.done $0x0  }
0x7c: {  	[sflag:s9] =	ssyncadd.s32 $0xFFFFC400  }
0x7d: {  	_ =	swait.ge [sflag:s10], $0x78  }
0x7e: {  	[sflag:s10] =	ssyncset.done $0x0  }
0x7f: {  	[sflag:s10] =	ssyncadd.s32 $0xFFFFFF88  }
0x80: {  	[tilespmem:s24], [sflag:$0x1] =	stream.indirect.gather [hbm4b:s1+s26], $0x80, s13, s26, $0xb8;
	[tilespmem:$0x1B600] =	vst v63  }
0x81: {  	_ = 	snop  }
0x82: {  	[tilespmem:s28], [sflag:$0x7] =	stream.linear.gather [hbm4b:s18+s13], $0x78, $0x38;
	[tilespmem:$0x1B600] =	vst v63  }
0x83: {  	_ = 	snop  }
0x84: {  	[tilespmem:s29], [sflag:$0x6] =	stream.linear.gather [hbm4b:s19+s13], $0x78, $0x38;
	[tilespmem:$0x1B600] =	vst v63  }
.LBB2_4:
0x85: {  	_ =	swait.ge [sflag:s30], $0x3C00  }
0x86: {  	[sflag:s30] =	ssyncset.done $0x0  }
0x87: {  	[sflag:s30] =	ssyncadd.s32 $0xFFFFC400  }
0x88: {  	_ =	swait.ge [sflag:s31], $0x78  }
0x89: {  	[sflag:s31] =	ssyncset.done $0x0  }
0x8a: {  	[sflag:s31] =	ssyncadd.s32 $0xFFFFFF88  }
0x8b: {  	[spmem:s3] =	stream.indirect.scatter.add.f32 [tilespmem:s24], [sflag:$0x3], $0x80, s28, s26, $0xb8;
	[tilespmem:$0x1B600] =	vst v63  }
0x8c: {  	_ =	swait.ge [sflag:s11], $0x3C00  }
0x8d: {  	[sflag:s11] =	ssyncset.done $0x0  }
0x8e: {  	[sflag:s11] =	ssyncadd.s32 $0xFFFFC400  }
0x8f: {  	p0 =	seq.s32 s13, $0x4CE;
	_ =	swait.ge [sflag:s2], $0x78  }
.Ltmp3:
0x90: {  	[sflag:s2] =	ssyncset.done $0x0;
	(pc) =	sbr.rel @p0 .LBB2_6-.Ltmp3, $4  }
0x91: {  	[sflag:s2] =	ssyncadd.s32 $0xFFFFFF88  }
0x92: {  	[tilespmem:s0], [sflag:$0x2] =	stream.indirect.gather [hbm4b:s1+s26], $0x80, s29, s26, $0xb8;
	[tilespmem:$0x1B600] =	vst v63  }
0x93: {  	s14 =	sadd.s32 s13, s23  }
0x94: {  	[tilespmem:s6], [sflag:$0x8] =	stream.linear.gather [hbm4b:s14+s4], $0x78, $0x38;
	[tilespmem:$0x1B600] =	vst v63  }
0x95: {  	s14 =	sadd.s32 s13, s21  }
0x96: {  	[tilespmem:s4], [sflag:$0x5] =	stream.linear.gather [hbm4b:s14+s4], $0x78, $0x38;
	[tilespmem:$0x1B600] =	vst v63  }
0x97: {  	_ =	swait.ge [sflag:s7], $0x3C00  }
0x98: {  	[sflag:s7] =	ssyncset.done $0x0  }
0x99: {  	[sflag:s7] =	ssyncadd.s32 $0xFFFFC400  }
0x9a: {  	_ =	swait.ge [sflag:s8], $0x78  }
0x9b: {  	[sflag:s8] =	ssyncset.done $0x0  }
0x9c: {  	[sflag:s8] =	ssyncadd.s32 $0xFFFFFF88  }
0x9d: {  	[spmem:s3] =	stream.indirect.scatter.add.f32 [tilespmem:s0], [sflag:$0x4], $0x80, s6, s26, $0xb8;
	[tilespmem:$0x1B600] =	vst v63  }
0x9e: {  	_ =	swait.ge [sflag:s9], $0x3C00  }
0x9f: {  	[sflag:s9] =	ssyncset.done $0x0  }
0xa0: {  	[sflag:s9] =	ssyncadd.s32 $0xFFFFC400  }
0xa1: {  	_ =	swait.ge [sflag:s10], $0x78  }
0xa2: {  	[sflag:s10] =	ssyncset.done $0x0  }
0xa3: {  	[sflag:s10] =	ssyncadd.s32 $0xFFFFFF88  }
0xa4: {  	[tilespmem:s24], [sflag:$0x1] =	stream.indirect.gather [hbm4b:s1+s26], $0x80, s4, s26, $0xb8;
	[tilespmem:$0x1B600] =	vst v63  }
.Ltmp4:
0xa5: {  	_ = 	snop;
	(pc) =	sbr.rel .LBB2_4-.Ltmp4, $4  }
0xa6: {  	s15 =	sadd.s32 s13, s20  }
0xa7: {  	[tilespmem:s28], [sflag:$0x7] =	stream.linear.gather [hbm4b:s15+s4], $0x78, $0x38;
	[tilespmem:$0x1B600] =	vst v63  }
0xa8: {  	s16 =	sadd.s32 s13, s22;
	s13 =	sadd.s32 $0x1E, s13  }
0xa9: {  	[tilespmem:s29], [sflag:$0x6] =	stream.linear.gather [hbm4b:s16+s4], $0x78, $0x38;
	[tilespmem:$0x1B600] =	vst v63  }
.LBB2_7:
0xaa: {  	_ =	sfence.sel $0x180000  }
0xab: {  	[bflag:$0x0] =	sbarrier.arrive $0xFFFF  }
0xac: {  	_ =	strace $0x90000050  }
0xad: {  	s0 =	stileid.u32;
	[bflag:$0x2] =	sbarrier.arrive $0xFFFF  }
0xae: {  	p0 =	sne.s32 s0, $0x0;
	s0 =	rddreg [dreg:$0x3]  }
0xaf: {  	s0 =	sadd.s32 @!p0 $0x100000, s0  }
0xb0: {  	[sflag:s0] =	ssyncadd.tile.s32 @!p0 $0x1;
	_ =	shalt  }
.Lfunc_end2:
_tile_overlayer_lowered:
.L_overlay_start_2:
0xb1: {  	(tag) =	ssettag $0x2  }
0xb2: {  	s0 =	rddreg [dreg:$0x0];
	s2 =	stileid.u32  }
0xb3: {  	s1 =	rddreg [dreg:$0x1];
	p0 =	sne.s32 s2, $0x0  }
0xb4: {  	s3 =	rddreg [dreg:$0x2];
	[bflag:$0x3] =	sbarrier.arrive $0xFFFF;
	s2 =	simm.s32 @!p0 $0x1C09  }
0xb5: {  	[timem:s3], [sflag:s2] =	dma.local @!p0 [hbm:s0], s1  }
0xb6: {  	s0 =	simm.s32 @!p0 $0x9  }
0xb7: {  	_ =	swait.ge @!p0 [sflag:s0], s1  }
0xb8: {  	s1 =	ssub.s32 @!p0 $0x0, s1;
	[sflag:s0] =	ssyncset.done @!p0 $0x0  }
0xb9: {  	[sflag:s0] =	ssyncadd.s32 @!p0 s1  }
0xba: {  	[bflag:$0x3] =	sbarrier.arrive $0xFFFF  }
0xbb: {  	_ =	shalt  }

</sc_bundles>
